<compile_context>
chip_gen: v7x
topology: tpu7x:2x2x1
jax: 0.10.2.dev20260603
libtpu: 0.0.44.dev20260713+nightly
codegen_flags: <defaults>
</compile_context>

<pallas_src>
import dataclasses

import jax
import jax.numpy as jnp
from jax import lax
from jax.experimental import pallas as pl
from jax.experimental.pallas import tpu as pltpu
from jax.experimental.pallas import tpu_sc as plsc

_VOCAB = 100000
_EMB = 16
_BATCH = 16384
_HIST = 200

_NC = 2
_NS = 16
_LANES = 16
_NW = _NC * _NS
_BPW = _BATCH // _NW
_CCOL = 128
_NCHUNK = _BPW // _CCOL
_NGRP = _CCOL // _LANES

_MAGIC = 12582912.0


def _tw_tc_kernel(tab_ref, w_ref, b_ref, o_ref):
    part = jnp.sum(tab_ref[...] * w_ref[...], axis=0)

    @pl.when(pl.program_id(0) == 0)
    def _():
        o_ref[...] = part

    @pl.when(pl.program_id(0) != 0)
    def _():
        o_ref[...] = (o_ref[...] + part + b_ref[0]) * (1.0 / _HIST)


def _sc_body(tw_hbm, xt_hbm, out_hbm,
             tw_v, xbuf0, xbuf1, out_v, sem_tw, sem0, sem1):
    cid = lax.axis_index("c")
    sid = lax.axis_index("s")
    wid = cid * _NS + sid
    col0 = wid * _BPW

    tw_copy = pltpu.async_copy(tw_hbm, tw_v, sem_tw)

    xbufs = (xbuf0, xbuf1)
    sems = (sem0, sem1)
    _R0, _R1 = 96, 104
    nsub = 2 * _NCHUNK

    def src(k):
        c, h = k // 2, k % 2
        return xt_hbm.at[pl.ds(h * _R0, _R1 if h else _R0),
                         pl.ds(col0 + c * _CCOL, _CCOL)]

    def dst(k):
        rows = _R1 if k % 2 else _R0
        return xbufs[k % 2].at[pl.ds(0, rows), :]

    def start(k):
        pltpu.async_copy(src(k), dst(k), sems[k % 2])

    def wait(k):
        pltpu.make_async_copy(src(k), dst(k), sems[k % 2]).wait()

    start(0)
    start(1)
    tw_copy.wait()

    zero = jnp.zeros((_LANES,), jnp.float32)
    accs = (zero,) * _NGRP

    for k in range(nsub):
        c, h = k // 2, k % 2
        wait(k)
        xb = xbufs[k % 2]
        rows = _R1 if h else _R0

        def jstep(j, a, xb=xb):
            return tuple(
                a[g] + plsc.load_gather(
                    tw_v, [xb[j, pl.ds(g * _LANES, _LANES)]])
                for g in range(_NGRP))

        accs = plsc.parallel_loop(0, rows, carry=accs, unroll=2)(jstep)
        if k + 2 < nsub:
            start(k + 2)
        if h == 1:
            for g in range(_NGRP):
                z = accs[g]
                p = 1.0 / (1.0 + jnp.exp(-z))
                t = p * 10000.0
                r = (t + _MAGIC) - _MAGIC
                out_v[pl.ds(c * _CCOL + g * _LANES, _LANES)] = r * 0.0001
            accs = (zero,) * _NGRP

    pltpu.sync_copy(out_v, out_hbm.at[pl.ds(col0, _BPW)])


@jax.jit
def kernel(x, table, W, b):
    tab_t = jnp.swapaxes(table, 0, 1)
    x_t = jnp.swapaxes(x, 0, 1).astype(jnp.int32)

    tw = pl.pallas_call(
        _tw_tc_kernel,
        grid=(2,),
        in_specs=[
            pl.BlockSpec((8, _VOCAB), lambda i: (i, 0)),
            pl.BlockSpec((8, 1), lambda i: (i, 0)),
            pl.BlockSpec((1,), lambda i: (0,)),
        ],
        out_specs=pl.BlockSpec((_VOCAB,), lambda i: (0,)),
        out_shape=jax.ShapeDtypeStruct((_VOCAB,), jnp.float32),
    )(tab_t, W.astype(jnp.float32), b.astype(jnp.float32))

    mesh = plsc.VectorSubcoreMesh(core_axis_name="c", subcore_axis_name="s",
                                  num_cores=_NC, num_subcores=_NS)
    cp = pltpu.CompilerParams()
    if "needs_layout_passes" in pltpu.CompilerParams.__dataclass_fields__:
        cp = dataclasses.replace(cp, needs_layout_passes=False)
    sc = pl.kernel(
        _sc_body,
        out_type=jax.ShapeDtypeStruct((_BATCH,), jnp.float32),
        mesh=mesh,
        scratch_types=[
            pltpu.VMEM((_VOCAB,), jnp.float32),
            pltpu.VMEM((104, _CCOL), jnp.int32),
            pltpu.VMEM((104, _CCOL), jnp.int32),
            pltpu.VMEM((_BPW,), jnp.float32),
            pltpu.SemaphoreType.DMA,
            pltpu.SemaphoreType.DMA,
            pltpu.SemaphoreType.DMA,
        ],
        compiler_params=cp,
    )
    probs = sc(tw, x_t)
    return probs.reshape(_BATCH, 1)

# --- scband reference (transcript-rebuilt; emitter-appended) ---
"""Pipeline reference for scband-solution-18365280158299 (READ-ONLY COPY).

The authoritative reference and input builder live on the scoring server;
editing this copy changes nothing except your own understanding.
"""

import jax, jax.numpy as jnp
import numpy as np

VOCAB = 100000
EMB_DIM = 16
BATCH = 16384
HIST = 200


def setup_inputs(seed: int = 0) -> dict:
    key = jax.random.key(seed)
    k1, k2, k3, k4 = jax.random.split(key, 4)
    x = jax.random.randint(k1, (BATCH, HIST), 0, VOCAB, dtype=jnp.int64 if jax.config.read('jax_enable_x64') else jnp.int32)
    table = jax.random.normal(k2, (VOCAB, EMB_DIM), dtype=jnp.float32)
    # nn.Linear(16, 1): W [1, 16], b [1]; use kaiming-uniform-like scale
    bound = 1.0 / np.sqrt(EMB_DIM)
    W = jax.random.uniform(k3, (EMB_DIM, 1), minval=-bound, maxval=bound, dtype=jnp.float32)
    b = jax.random.uniform(k4, (1,), minval=-bound, maxval=bound, dtype=jnp.float32)
    return {"x": x, "table": table, "W": W, "b": b}


def reference(x, table, W, b):
    emb = jnp.take(table, x, axis=0)          # [B, L, 16] gather / embedding lookup
    avg = jnp.mean(emb, axis=1)               # [B, 16]
    logits = avg @ W + b                      # [B, 1]
    probs = jax.nn.sigmoid(logits)
    probs = jnp.round(probs * 10000.0) / 10000.0
    return probs

if __name__ == "__main__":
    import jax
    _d = setup_inputs()
    print(jax.jit(kernel)(*tuple(_d.values())))

</pallas_src>

<mosaic_0001>
#map = affine_map<(d0, d1) -> (0)>
#map1 = affine_map<(d0, d1) -> (0, 0)>
module attributes {stable_mosaic.version = 14 : i64} {
  func.func @_sc_body(%arg0: i32, %arg1: i32, %arg2: memref<100000xf32, #tpu.memory_space<hbm>>, %arg3: memref<200x16384xi32, #tpu.memory_space<hbm>>, %arg4: memref<16384xf32, #tpu.memory_space<hbm>>, %arg5: memref<100000xf32, #tpu.memory_space<vmem>>, %arg6: memref<104x128xi32, #tpu.memory_space<vmem>>, %arg7: memref<104x128xi32, #tpu.memory_space<vmem>>, %arg8: memref<512xf32, #tpu.memory_space<vmem>>, %arg9: memref<!tpu.dma_semaphore, #tpu.memory_space<semaphore_mem>>, %arg10: memref<!tpu.dma_semaphore, #tpu.memory_space<semaphore_mem>>, %arg11: memref<!tpu.dma_semaphore, #tpu.memory_space<semaphore_mem>>) attributes {dimension_semantics = [#tpu.dimension_semantics<core_parallel>, #tpu.dimension_semantics<subcore_parallel>], iteration_bounds = array<i64: 2, 16>, scalar_prefetch = 0 : i64, scratch_operands = 7 : i64, tpu.core_type = #tpu.core_type<sc_vector_subcore>, window_params = [{transform_indices = #map}, {transform_indices = #map1}, {transform_indices = #map}]} {
    %mul3A = arith.constant 16 : i32
    %mul3A_0 = arith.muli %arg0, %mul3A : i32
    %add3A = arith.addi %mul3A_0, %arg1 : i32
    %mul3A_1 = arith.constant 512 : i32
    %mul3A_2 = arith.muli %add3A, %mul3A_1 : i32
    tpu.enqueue_dma source(%arg2 : memref<100000xf32, #tpu.memory_space<hbm>>) target(%arg5 : memref<100000xf32, #tpu.memory_space<vmem>>) target_semaphore(%arg9 : memref<!tpu.dma_semaphore, #tpu.memory_space<semaphore_mem>>)
    %add3A_3 = arith.constant 0 : i32
    %add3A_4 = arith.addi %mul3A_2, %add3A_3 : i32
    %dma_start3A = arith.constant 0 : i32
    %dma_start3A_5 = arith.constant 0 : i32
    %dma_start3A_6 = tpu.memref_slice %arg6[%dma_start3A, %dma_start3A_5] : memref<104x128xi32, #tpu.memory_space<vmem>> -> memref<96x128xi32, #tpu.memory_space<vmem>>
    %dma_start3A_7 = arith.constant 0 : i32
    %dma_start3A_8 = tpu.memref_slice %arg3[%dma_start3A_7, %add3A_4] : memref<200x16384xi32, #tpu.memory_space<hbm>> -> memref<96x128xi32, #tpu.memory_space<hbm>>
    %dma_start3A_9 = arith.constant 0 : i32
    %dma_start3A_10 = arith.constant 0 : i32
    %dma_start3A_11 = tpu.memref_slice %arg6[%dma_start3A_9, %dma_start3A_10] : memref<104x128xi32, #tpu.memory_space<vmem>> -> memref<96x128xi32, #tpu.memory_space<vmem>>
    %dma_start3A_12 = arith.constant 0 : i32
    %dma_start3A_13 = tpu.memref_slice %arg3[%dma_start3A_12, %add3A_4] : memref<200x16384xi32, #tpu.memory_space<hbm>> -> memref<96x128xi32, #tpu.memory_space<hbm>>
    tpu.enqueue_dma source(%dma_start3A_13 : memref<96x128xi32, #tpu.memory_space<hbm>>) target(%dma_start3A_11 : memref<96x128xi32, #tpu.memory_space<vmem>>) target_semaphore(%arg10 : memref<!tpu.dma_semaphore, #tpu.memory_space<semaphore_mem>>)
    %add3A_14 = arith.constant 0 : i32
    %add3A_15 = arith.addi %mul3A_2, %add3A_14 : i32
    %dma_start3A_16 = arith.constant 0 : i32
    %dma_start3A_17 = arith.constant 0 : i32
    %dma_start3A_18 = tpu.memref_slice %arg7[%dma_start3A_16, %dma_start3A_17] : memref<104x128xi32, #tpu.memory_space<vmem>> -> memref<104x128xi32, #tpu.memory_space<vmem>>
    %dma_start3A_19 = arith.constant 96 : i32
    %dma_start3A_20 = tpu.memref_slice %arg3[%dma_start3A_19, %add3A_15] : memref<200x16384xi32, #tpu.memory_space<hbm>> -> memref<104x128xi32, #tpu.memory_space<hbm>>
    %dma_start3A_21 = arith.constant 0 : i32
    %dma_start3A_22 = arith.constant 0 : i32
    %dma_start3A_23 = tpu.memref_slice %arg7[%dma_start3A_21, %dma_start3A_22] : memref<104x128xi32, #tpu.memory_space<vmem>> -> memref<104x128xi32, #tpu.memory_space<vmem>>
    %dma_start3A_24 = arith.constant 96 : i32
    %dma_start3A_25 = tpu.memref_slice %arg3[%dma_start3A_24, %add3A_15] : memref<200x16384xi32, #tpu.memory_space<hbm>> -> memref<104x128xi32, #tpu.memory_space<hbm>>
    tpu.enqueue_dma source(%dma_start3A_25 : memref<104x128xi32, #tpu.memory_space<hbm>>) target(%dma_start3A_23 : memref<104x128xi32, #tpu.memory_space<vmem>>) target_semaphore(%arg11 : memref<!tpu.dma_semaphore, #tpu.memory_space<semaphore_mem>>)
    tpu.wait_dma2 semaphore(%arg9 : memref<!tpu.dma_semaphore, #tpu.memory_space<semaphore_mem>>) src(%arg2 : memref<100000xf32, #tpu.memory_space<hbm>>) dst(%arg5 : memref<100000xf32, #tpu.memory_space<vmem>>)
    %broadcast_in_dim3A = arith.constant 0.000000e+00 : f32
    %broadcast_in_dim3A_26 = vector.broadcast %broadcast_in_dim3A : f32 to vector<16xf32>
    %add3A_27 = arith.constant 0 : i32
    %add3A_28 = arith.addi %mul3A_2, %add3A_27 : i32
    %dma_wait3A = arith.constant 0 : i32
    %dma_wait3A_29 = arith.constant 0 : i32
    %dma_wait3A_30 = tpu.memref_slice %arg6[%dma_wait3A, %dma_wait3A_29] : memref<104x128xi32, #tpu.memory_space<vmem>> -> memref<96x128xi32, #tpu.memory_space<vmem>>
    %dma_wait3A_31 = arith.constant 0 : i32
    %dma_wait3A_32 = tpu.memref_slice %arg3[%dma_wait3A_31, %add3A_28] : memref<200x16384xi32, #tpu.memory_space<hbm>> -> memref<96x128xi32, #tpu.memory_space<hbm>>
    %dma_wait3A_33 = arith.constant 0 : i32
    %dma_wait3A_34 = arith.constant 0 : i32
    %dma_wait3A_35 = tpu.memref_slice %arg6[%dma_wait3A_33, %dma_wait3A_34] : memref<104x128xi32, #tpu.memory_space<vmem>> -> memref<96x128xi32, #tpu.memory_space<vmem>>
    %dma_wait3A_36 = arith.constant 0 : i32
    %dma_wait3A_37 = tpu.memref_slice %arg3[%dma_wait3A_36, %add3A_28] : memref<200x16384xi32, #tpu.memory_space<hbm>> -> memref<96x128xi32, #tpu.memory_space<hbm>>
    tpu.wait_dma2 semaphore(%arg10 : memref<!tpu.dma_semaphore, #tpu.memory_space<semaphore_mem>>) src(%dma_wait3A_37 : memref<96x128xi32, #tpu.memory_space<hbm>>) dst(%dma_wait3A_35 : memref<96x128xi32, #tpu.memory_space<vmem>>)
    %parallel_loop3A = arith.constant 0 : i32
    %parallel_loop3A_38 = arith.constant 96 : i32
    %parallel_loop3A_39 = arith.constant 1 : i32
    %parallel_loop3A_40:8 = scf.for %parallel_loop3A_988 = %parallel_loop3A to %parallel_loop3A_38 step %parallel_loop3A_39 iter_args(%parallel_loop3A_989 = %broadcast_in_dim3A_26, %parallel_loop3A_990 = %broadcast_in_dim3A_26, %parallel_loop3A_991 = %broadcast_in_dim3A_26, %parallel_loop3A_992 = %broadcast_in_dim3A_26, %parallel_loop3A_993 = %broadcast_in_dim3A_26, %parallel_loop3A_994 = %broadcast_in_dim3A_26, %parallel_loop3A_995 = %broadcast_in_dim3A_26, %parallel_loop3A_996 = %broadcast_in_dim3A_26) -> (vector<16xf32>, vector<16xf32>, vector<16xf32>, vector<16xf32>, vector<16xf32>, vector<16xf32>, vector<16xf32>, vector<16xf32>)  : i32 {
      %parallel_loop3A_997 = arith.index_cast %parallel_loop3A_988 : i32 to index
      %parallel_loop3A_998 = arith.constant 0 : index
      %parallel_loop3A_999 = tpu.vector_load %arg6[%parallel_loop3A_997, %parallel_loop3A_998] {strides = array<i32>} : memref<104x128xi32, #tpu.memory_space<vmem>>, vector<16xi32>,
      %parallel_loop3A_1000 = tpu.vector_load_idx %arg5[%parallel_loop3A_999] : memref<100000xf32, #tpu.memory_space<vmem>>[vector<16xi32>], vector<16xf32>,
      %parallel_loop3A_1001 = arith.addf %parallel_loop3A_989, %parallel_loop3A_1000 : vector<16xf32>
      %parallel_loop3A_1002 = arith.index_cast %parallel_loop3A_988 : i32 to index
      %parallel_loop3A_1003 = arith.constant 16 : index
      %parallel_loop3A_1004 = tpu.vector_load %arg6[%parallel_loop3A_1002, %parallel_loop3A_1003] {strides = array<i32>} : memref<104x128xi32, #tpu.memory_space<vmem>>, vector<16xi32>,
      %parallel_loop3A_1005 = tpu.vector_load_idx %arg5[%parallel_loop3A_1004] : memref<100000xf32, #tpu.memory_space<vmem>>[vector<16xi32>], vector<16xf32>,
      %parallel_loop3A_1006 = arith.addf %parallel_loop3A_990, %parallel_loop3A_1005 : vector<16xf32>
      %parallel_loop3A_1007 = arith.index_cast %parallel_loop3A_988 : i32 to index
      %parallel_loop3A_1008 = arith.constant 32 : index
      %parallel_loop3A_1009 = tpu.vector_load %arg6[%parallel_loop3A_1007, %parallel_loop3A_1008] {strides = array<i32>} : memref<104x128xi32, #tpu.memory_space<vmem>>, vector<16xi32>,
      %parallel_loop3A_1010 = tpu.vector_load_idx %arg5[%parallel_loop3A_1009] : memref<100000xf32, #tpu.memory_space<vmem>>[vector<16xi32>], vector<16xf32>,
      %parallel_loop3A_1011 = arith.addf %parallel_loop3A_991, %parallel_loop3A_1010 : vector<16xf32>
      %parallel_loop3A_1012 = arith.index_cast %parallel_loop3A_988 : i32 to index
      %parallel_loop3A_1013 = arith.constant 48 : index
      %parallel_loop3A_1014 = tpu.vector_load %arg6[%parallel_loop3A_1012, %parallel_loop3A_1013] {strides = array<i32>} : memref<104x128xi32, #tpu.memory_space<vmem>>, vector<16xi32>,
      %parallel_loop3A_1015 = tpu.vector_load_idx %arg5[%parallel_loop3A_1014] : memref<100000xf32, #tpu.memory_space<vmem>>[vector<16xi32>], vector<16xf32>,
      %parallel_loop3A_1016 = arith.addf %parallel_loop3A_992, %parallel_loop3A_1015 : vector<16xf32>
      %parallel_loop3A_1017 = arith.index_cast %parallel_loop3A_988 : i32 to index
      %parallel_loop3A_1018 = arith.constant 64 : index
      %parallel_loop3A_1019 = tpu.vector_load %arg6[%parallel_loop3A_1017, %parallel_loop3A_1018] {strides = array<i32>} : memref<104x128xi32, #tpu.memory_space<vmem>>, vector<16xi32>,
      %parallel_loop3A_1020 = tpu.vector_load_idx %arg5[%parallel_loop3A_1019] : memref<100000xf32, #tpu.memory_space<vmem>>[vector<16xi32>], vector<16xf32>,
      %parallel_loop3A_1021 = arith.addf %parallel_loop3A_993, %parallel_loop3A_1020 : vector<16xf32>
      %parallel_loop3A_1022 = arith.index_cast %parallel_loop3A_988 : i32 to index
      %parallel_loop3A_1023 = arith.constant 80 : index
      %parallel_loop3A_1024 = tpu.vector_load %arg6[%parallel_loop3A_1022, %parallel_loop3A_1023] {strides = array<i32>} : memref<104x128xi32, #tpu.memory_space<vmem>>, vector<16xi32>,
      %parallel_loop3A_1025 = tpu.vector_load_idx %arg5[%parallel_loop3A_1024] : memref<100000xf32, #tpu.memory_space<vmem>>[vector<16xi32>], vector<16xf32>,
      %parallel_loop3A_1026 = arith.addf %parallel_loop3A_994, %parallel_loop3A_1025 : vector<16xf32>
      %parallel_loop3A_1027 = arith.index_cast %parallel_loop3A_988 : i32 to index
      %parallel_loop3A_1028 = arith.constant 96 : index
      %parallel_loop3A_1029 = tpu.vector_load %arg6[%parallel_loop3A_1027, %parallel_loop3A_1028] {strides = array<i32>} : memref<104x128xi32, #tpu.memory_space<vmem>>, vector<16xi32>,
      %parallel_loop3A_1030 = tpu.vector_load_idx %arg5[%parallel_loop3A_1029] : memref<100000xf32, #tpu.memory_space<vmem>>[vector<16xi32>], vector<16xf32>,
      %parallel_loop3A_1031 = arith.addf %parallel_loop3A_995, %parallel_loop3A_1030 : vector<16xf32>
      %parallel_loop3A_1032 = arith.index_cast %parallel_loop3A_988 : i32 to index
      %parallel_loop3A_1033 = arith.constant 112 : index
      %parallel_loop3A_1034 = tpu.vector_load %arg6[%parallel_loop3A_1032, %parallel_loop3A_1033] {strides = array<i32>} : memref<104x128xi32, #tpu.memory_space<vmem>>, vector<16xi32>,
      %parallel_loop3A_1035 = tpu.vector_load_idx %arg5[%parallel_loop3A_1034] : memref<100000xf32, #tpu.memory_space<vmem>>[vector<16xi32>], vector<16xf32>,
      %parallel_loop3A_1036 = arith.addf %parallel_loop3A_996, %parallel_loop3A_1035 : vector<16xf32>
      scf.yield %parallel_loop3A_1001, %parallel_loop3A_1006, %parallel_loop3A_1011, %parallel_loop3A_1016, %parallel_loop3A_1021, %parallel_loop3A_1026, %parallel_loop3A_1031, %parallel_loop3A_1036 : vector<16xf32>, vector<16xf32>, vector<16xf32>, vector<16xf32>, vector<16xf32>, vector<16xf32>, vector<16xf32>, vector<16xf32>
    } {sc.loop_unroll_factor = 2 : i64, sc.parallel_access}
    %add3A_41 = arith.constant 128 : i32
    %add3A_42 = arith.addi %mul3A_2, %add3A_41 : i32
    %dma_start3A_43 = arith.constant 0 : i32
    %dma_start3A_44 = arith.constant 0 : i32
    %dma_start3A_45 = tpu.memref_slice %arg6[%dma_start3A_43, %dma_start3A_44] : memref<104x128xi32, #tpu.memory_space<vmem>> -> memref<96x128xi32, #tpu.memory_space<vmem>>
    %dma_start3A_46 = arith.constant 0 : i32
    %dma_start3A_47 = tpu.memref_slice %arg3[%dma_start3A_46, %add3A_42] : memref<200x16384xi32, #tpu.memory_space<hbm>> -> memref<96x128xi32, #tpu.memory_space<hbm>>
    %dma_start3A_48 = arith.constant 0 : i32
    %dma_start3A_49 = arith.constant 0 : i32
    %dma_start3A_50 = tpu.memref_slice %arg6[%dma_start3A_48, %dma_start3A_49] : memref<104x128xi32, #tpu.memory_space<vmem>> -> memref<96x128xi32, #tpu.memory_space<vmem>>
    %dma_start3A_51 = arith.constant 0 : i32
    %dma_start3A_52 = tpu.memref_slice %arg3[%dma_start3A_51, %add3A_42] : memref<200x16384xi32, #tpu.memory_space<hbm>> -> memref<96x128xi32, #tpu.memory_space<hbm>>
    tpu.enqueue_dma source(%dma_start3A_52 : memref<96x128xi32, #tpu.memory_space<hbm>>) target(%dma_start3A_50 : memref<96x128xi32, #tpu.memory_space<vmem>>) target_semaphore(%arg10 : memref<!tpu.dma_semaphore, #tpu.memory_space<semaphore_mem>>)
    %add3A_53 = arith.constant 0 : i32
    %add3A_54 = arith.addi %mul3A_2, %add3A_53 : i32
    %dma_wait3A_55 = arith.constant 0 : i32
    %dma_wait3A_56 = arith.constant 0 : i32
    %dma_wait3A_57 = tpu.memref_slice %arg7[%dma_wait3A_55, %dma_wait3A_56] : memref<104x128xi32, #tpu.memory_space<vmem>> -> memref<104x128xi32, #tpu.memory_space<vmem>>
    %dma_wait3A_58 = arith.constant 96 : i32
    %dma_wait3A_59 = tpu.memref_slice %arg3[%dma_wait3A_58, %add3A_54] : memref<200x16384xi32, #tpu.memory_space<hbm>> -> memref<104x128xi32, #tpu.memory_space<hbm>>
    %dma_wait3A_60 = arith.constant 0 : i32
    %dma_wait3A_61 = arith.constant 0 : i32
    %dma_wait3A_62 = tpu.memref_slice %arg7[%dma_wait3A_60, %dma_wait3A_61] : memref<104x128xi32, #tpu.memory_space<vmem>> -> memref<104x128xi32, #tpu.memory_space<vmem>>
    %dma_wait3A_63 = arith.constant 96 : i32
    %dma_wait3A_64 = tpu.memref_slice %arg3[%dma_wait3A_63, %add3A_54] : memref<200x16384xi32, #tpu.memory_space<hbm>> -> memref<104x128xi32, #tpu.memory_space<hbm>>
    tpu.wait_dma2 semaphore(%arg11 : memref<!tpu.dma_semaphore, #tpu.memory_space<semaphore_mem>>) src(%dma_wait3A_64 : memref<104x128xi32, #tpu.memory_space<hbm>>) dst(%dma_wait3A_62 : memref<104x128xi32, #tpu.memory_space<vmem>>)
    %parallel_loop3A_65 = arith.constant 0 : i32
    %parallel_loop3A_66 = arith.constant 104 : i32
    %parallel_loop3A_67 = arith.constant 1 : i32
    %parallel_loop3A_68:8 = scf.for %parallel_loop3A_988 = %parallel_loop3A_65 to %parallel_loop3A_66 step %parallel_loop3A_67 iter_args(%parallel_loop3A_989 = %parallel_loop3A_40#0, %parallel_loop3A_990 = %parallel_loop3A_40#1, %parallel_loop3A_991 = %parallel_loop3A_40#2, %parallel_loop3A_992 = %parallel_loop3A_40#3, %parallel_loop3A_993 = %parallel_loop3A_40#4, %parallel_loop3A_994 = %parallel_loop3A_40#5, %parallel_loop3A_995 = %parallel_loop3A_40#6, %parallel_loop3A_996 = %parallel_loop3A_40#7) -> (vector<16xf32>, vector<16xf32>, vector<16xf32>, vector<16xf32>, vector<16xf32>, vector<16xf32>, vector<16xf32>, vector<16xf32>)  : i32 {
      %parallel_loop3A_997 = arith.index_cast %parallel_loop3A_988 : i32 to index
      %parallel_loop3A_998 = arith.constant 0 : index
      %parallel_loop3A_999 = tpu.vector_load %arg7[%parallel_loop3A_997, %parallel_loop3A_998] {strides = array<i32>} : memref<104x128xi32, #tpu.memory_space<vmem>>, vector<16xi32>,
      %parallel_loop3A_1000 = tpu.vector_load_idx %arg5[%parallel_loop3A_999] : memref<100000xf32, #tpu.memory_space<vmem>>[vector<16xi32>], vector<16xf32>,
      %parallel_loop3A_1001 = arith.addf %parallel_loop3A_989, %parallel_loop3A_1000 : vector<16xf32>
      %parallel_loop3A_1002 = arith.index_cast %parallel_loop3A_988 : i32 to index
      %parallel_loop3A_1003 = arith.constant 16 : index
      %parallel_loop3A_1004 = tpu.vector_load %arg7[%parallel_loop3A_1002, %parallel_loop3A_1003] {strides = array<i32>} : memref<104x128xi32, #tpu.memory_space<vmem>>, vector<16xi32>,
      %parallel_loop3A_1005 = tpu.vector_load_idx %arg5[%parallel_loop3A_1004] : memref<100000xf32, #tpu.memory_space<vmem>>[vector<16xi32>], vector<16xf32>,
      %parallel_loop3A_1006 = arith.addf %parallel_loop3A_990, %parallel_loop3A_1005 : vector<16xf32>
      %parallel_loop3A_1007 = arith.index_cast %parallel_loop3A_988 : i32 to index
      %parallel_loop3A_1008 = arith.constant 32 : index
      %parallel_loop3A_1009 = tpu.vector_load %arg7[%parallel_loop3A_1007, %parallel_loop3A_1008] {strides = array<i32>} : memref<104x128xi32, #tpu.memory_space<vmem>>, vector<16xi32>,
      %parallel_loop3A_1010 = tpu.vector_load_idx %arg5[%parallel_loop3A_1009] : memref<100000xf32, #tpu.memory_space<vmem>>[vector<16xi32>], vector<16xf32>,
      %parallel_loop3A_1011 = arith.addf %parallel_loop3A_991, %parallel_loop3A_1010 : vector<16xf32>
      %parallel_loop3A_1012 = arith.index_cast %parallel_loop3A_988 : i32 to index
      %parallel_loop3A_1013 = arith.constant 48 : index
      %parallel_loop3A_1014 = tpu.vector_load %arg7[%parallel_loop3A_1012, %parallel_loop3A_1013] {strides = array<i32>} : memref<104x128xi32, #tpu.memory_space<vmem>>, vector<16xi32>,
      %parallel_loop3A_1015 = tpu.vector_load_idx %arg5[%parallel_loop3A_1014] : memref<100000xf32, #tpu.memory_space<vmem>>[vector<16xi32>], vector<16xf32>,
      %parallel_loop3A_1016 = arith.addf %parallel_loop3A_992, %parallel_loop3A_1015 : vector<16xf32>
      %parallel_loop3A_1017 = arith.index_cast %parallel_loop3A_988 : i32 to index
      %parallel_loop3A_1018 = arith.constant 64 : index
      %parallel_loop3A_1019 = tpu.vector_load %arg7[%parallel_loop3A_1017, %parallel_loop3A_1018] {strides = array<i32>} : memref<104x128xi32, #tpu.memory_space<vmem>>, vector<16xi32>,
      %parallel_loop3A_1020 = tpu.vector_load_idx %arg5[%parallel_loop3A_1019] : memref<100000xf32, #tpu.memory_space<vmem>>[vector<16xi32>], vector<16xf32>,
      %parallel_loop3A_1021 = arith.addf %parallel_loop3A_993, %parallel_loop3A_1020 : vector<16xf32>
      %parallel_loop3A_1022 = arith.index_cast %parallel_loop3A_988 : i32 to index
      %parallel_loop3A_1023 = arith.constant 80 : index
      %parallel_loop3A_1024 = tpu.vector_load %arg7[%parallel_loop3A_1022, %parallel_loop3A_1023] {strides = array<i32>} : memref<104x128xi32, #tpu.memory_space<vmem>>, vector<16xi32>,
      %parallel_loop3A_1025 = tpu.vector_load_idx %arg5[%parallel_loop3A_1024] : memref<100000xf32, #tpu.memory_space<vmem>>[vector<16xi32>], vector<16xf32>,
      %parallel_loop3A_1026 = arith.addf %parallel_loop3A_994, %parallel_loop3A_1025 : vector<16xf32>
      %parallel_loop3A_1027 = arith.index_cast %parallel_loop3A_988 : i32 to index
      %parallel_loop3A_1028 = arith.constant 96 : index
      %parallel_loop3A_1029 = tpu.vector_load %arg7[%parallel_loop3A_1027, %parallel_loop3A_1028] {strides = array<i32>} : memref<104x128xi32, #tpu.memory_space<vmem>>, vector<16xi32>,
      %parallel_loop3A_1030 = tpu.vector_load_idx %arg5[%parallel_loop3A_1029] : memref<100000xf32, #tpu.memory_space<vmem>>[vector<16xi32>], vector<16xf32>,
      %parallel_loop3A_1031 = arith.addf %parallel_loop3A_995, %parallel_loop3A_1030 : vector<16xf32>
      %parallel_loop3A_1032 = arith.index_cast %parallel_loop3A_988 : i32 to index
      %parallel_loop3A_1033 = arith.constant 112 : index
      %parallel_loop3A_1034 = tpu.vector_load %arg7[%parallel_loop3A_1032, %parallel_loop3A_1033] {strides = array<i32>} : memref<104x128xi32, #tpu.memory_space<vmem>>, vector<16xi32>,
      %parallel_loop3A_1035 = tpu.vector_load_idx %arg5[%parallel_loop3A_1034] : memref<100000xf32, #tpu.memory_space<vmem>>[vector<16xi32>], vector<16xf32>,
      %parallel_loop3A_1036 = arith.addf %parallel_loop3A_996, %parallel_loop3A_1035 : vector<16xf32>
      scf.yield %parallel_loop3A_1001, %parallel_loop3A_1006, %parallel_loop3A_1011, %parallel_loop3A_1016, %parallel_loop3A_1021, %parallel_loop3A_1026, %parallel_loop3A_1031, %parallel_loop3A_1036 : vector<16xf32>, vector<16xf32>, vector<16xf32>, vector<16xf32>, vector<16xf32>, vector<16xf32>, vector<16xf32>, vector<16xf32>
    } {sc.loop_unroll_factor = 2 : i64, sc.parallel_access}
    %add3A_69 = arith.constant 128 : i32
    %add3A_70 = arith.addi %mul3A_2, %add3A_69 : i32
    %dma_start3A_71 = arith.constant 0 : i32
    %dma_start3A_72 = arith.constant 0 : i32
    %dma_start3A_73 = tpu.memref_slice %arg7[%dma_start3A_71, %dma_start3A_72] : memref<104x128xi32, #tpu.memory_space<vmem>> -> memref<104x128xi32, #tpu.memory_space<vmem>>
    %dma_start3A_74 = arith.constant 96 : i32
    %dma_start3A_75 = tpu.memref_slice %arg3[%dma_start3A_74, %add3A_70] : memref<200x16384xi32, #tpu.memory_space<hbm>> -> memref<104x128xi32, #tpu.memory_space<hbm>>
    %dma_start3A_76 = arith.constant 0 : i32
    %dma_start3A_77 = arith.constant 0 : i32
    %dma_start3A_78 = tpu.memref_slice %arg7[%dma_start3A_76, %dma_start3A_77] : memref<104x128xi32, #tpu.memory_space<vmem>> -> memref<104x128xi32, #tpu.memory_space<vmem>>
    %dma_start3A_79 = arith.constant 96 : i32
    %dma_start3A_80 = tpu.memref_slice %arg3[%dma_start3A_79, %add3A_70] : memref<200x16384xi32, #tpu.memory_space<hbm>> -> memref<104x128xi32, #tpu.memory_space<hbm>>
    tpu.enqueue_dma source(%dma_start3A_80 : memref<104x128xi32, #tpu.memory_space<hbm>>) target(%dma_start3A_78 : memref<104x128xi32, #tpu.memory_space<vmem>>) target_semaphore(%arg11 : memref<!tpu.dma_semaphore, #tpu.memory_space<semaphore_mem>>)
    %neg3A = arith.constant 0.000000e+00 : f32
    %neg3A_81 = vector.broadcast %neg3A : f32 to vector<16xf32>
    %neg3A_82 = arith.subf %neg3A_81, %parallel_loop3A_68#0 : vector<16xf32>
    %exp3A = math.exp %neg3A_82 : vector<16xf32>
    %add3A_83 = arith.constant 1.000000e+00 : f32
    %add3A_84 = vector.broadcast %add3A_83 : f32 to vector<16xf32>
    %add3A_85 = arith.addf %add3A_84, %exp3A : vector<16xf32>
    %div3A = arith.constant 1.000000e+00 : f32
    %div3A_86 = vector.broadcast %div3A : f32 to vector<16xf32>
    %div3A_87 = arith.divf %div3A_86, %add3A_85 : vector<16xf32>
    %mul3A_88 = arith.constant 1.000000e+04 : f32
    %mul3A_89 = vector.broadcast %mul3A_88 : f32 to vector<16xf32>
    %mul3A_90 = arith.mulf %div3A_87, %mul3A_89 : vector<16xf32>
    %add3A_91 = arith.constant 0x4B400000 : f32
    %add3A_92 = vector.broadcast %add3A_91 : f32 to vector<16xf32>
    %add3A_93 = arith.addf %mul3A_90, %add3A_92 : vector<16xf32>
    %sub3A = arith.constant 0x4B400000 : f32
    %sub3A_94 = vector.broadcast %sub3A : f32 to vector<16xf32>
    %sub3A_95 = arith.subf %add3A_93, %sub3A_94 : vector<16xf32>
    %mul3A_96 = arith.constant 9.99999974E-5 : f32
    %mul3A_97 = vector.broadcast %mul3A_96 : f32 to vector<16xf32>
    %mul3A_98 = arith.mulf %sub3A_95, %mul3A_97 : vector<16xf32>
    %swap3A = arith.constant 0 : index
    %swap3A_99 = tpu.vector_load %arg8[%swap3A] {strides = array<i32>} : memref<512xf32, #tpu.memory_space<vmem>>, vector<16xf32>,
    tpu.vector_store %arg8[%swap3A], %mul3A_98 {strides = array<i32>} : memref<512xf32, #tpu.memory_space<vmem>>, vector<16xf32>,
    %neg3A_100 = arith.constant 0.000000e+00 : f32
    %neg3A_101 = vector.broadcast %neg3A_100 : f32 to vector<16xf32>
    %neg3A_102 = arith.subf %neg3A_101, %parallel_loop3A_68#1 : vector<16xf32>
    %exp3A_103 = math.exp %neg3A_102 : vector<16xf32>
    %add3A_104 = arith.constant 1.000000e+00 : f32
    %add3A_105 = vector.broadcast %add3A_104 : f32 to vector<16xf32>
    %add3A_106 = arith.addf %add3A_105, %exp3A_103 : vector<16xf32>
    %div3A_107 = arith.constant 1.000000e+00 : f32
    %div3A_108 = vector.broadcast %div3A_107 : f32 to vector<16xf32>
    %div3A_109 = arith.divf %div3A_108, %add3A_106 : vector<16xf32>
    %mul3A_110 = arith.constant 1.000000e+04 : f32
    %mul3A_111 = vector.broadcast %mul3A_110 : f32 to vector<16xf32>
    %mul3A_112 = arith.mulf %div3A_109, %mul3A_111 : vector<16xf32>
    %add3A_113 = arith.constant 0x4B400000 : f32
    %add3A_114 = vector.broadcast %add3A_113 : f32 to vector<16xf32>
    %add3A_115 = arith.addf %mul3A_112, %add3A_114 : vector<16xf32>
    %sub3A_116 = arith.constant 0x4B400000 : f32
    %sub3A_117 = vector.broadcast %sub3A_116 : f32 to vector<16xf32>
    %sub3A_118 = arith.subf %add3A_115, %sub3A_117 : vector<16xf32>
    %mul3A_119 = arith.constant 9.99999974E-5 : f32
    %mul3A_120 = vector.broadcast %mul3A_119 : f32 to vector<16xf32>
    %mul3A_121 = arith.mulf %sub3A_118, %mul3A_120 : vector<16xf32>
    %swap3A_122 = arith.constant 16 : index
    %swap3A_123 = tpu.vector_load %arg8[%swap3A_122] {strides = array<i32>} : memref<512xf32, #tpu.memory_space<vmem>>, vector<16xf32>,
    tpu.vector_store %arg8[%swap3A_122], %mul3A_121 {strides = array<i32>} : memref<512xf32, #tpu.memory_space<vmem>>, vector<16xf32>,
    %neg3A_124 = arith.constant 0.000000e+00 : f32
    %neg3A_125 = vector.broadcast %neg3A_124 : f32 to vector<16xf32>
    %neg3A_126 = arith.subf %neg3A_125, %parallel_loop3A_68#2 : vector<16xf32>
    %exp3A_127 = math.exp %neg3A_126 : vector<16xf32>
    %add3A_128 = arith.constant 1.000000e+00 : f32
    %add3A_129 = vector.broadcast %add3A_128 : f32 to vector<16xf32>
    %add3A_130 = arith.addf %add3A_129, %exp3A_127 : vector<16xf32>
    %div3A_131 = arith.constant 1.000000e+00 : f32
    %div3A_132 = vector.broadcast %div3A_131 : f32 to vector<16xf32>
    %div3A_133 = arith.divf %div3A_132, %add3A_130 : vector<16xf32>
    %mul3A_134 = arith.constant 1.000000e+04 : f32
    %mul3A_135 = vector.broadcast %mul3A_134 : f32 to vector<16xf32>
    %mul3A_136 = arith.mulf %div3A_133, %mul3A_135 : vector<16xf32>
    %add3A_137 = arith.constant 0x4B400000 : f32
    %add3A_138 = vector.broadcast %add3A_137 : f32 to vector<16xf32>
    %add3A_139 = arith.addf %mul3A_136, %add3A_138 : vector<16xf32>
    %sub3A_140 = arith.constant 0x4B400000 : f32
    %sub3A_141 = vector.broadcast %sub3A_140 : f32 to vector<16xf32>
    %sub3A_142 = arith.subf %add3A_139, %sub3A_141 : vector<16xf32>
    %mul3A_143 = arith.constant 9.99999974E-5 : f32
    %mul3A_144 = vector.broadcast %mul3A_143 : f32 to vector<16xf32>
    %mul3A_145 = arith.mulf %sub3A_142, %mul3A_144 : vector<16xf32>
    %swap3A_146 = arith.constant 32 : index
    %swap3A_147 = tpu.vector_load %arg8[%swap3A_146] {strides = array<i32>} : memref<512xf32, #tpu.memory_space<vmem>>, vector<16xf32>,
    tpu.vector_store %arg8[%swap3A_146], %mul3A_145 {strides = array<i32>} : memref<512xf32, #tpu.memory_space<vmem>>, vector<16xf32>,
    %neg3A_148 = arith.constant 0.000000e+00 : f32
    %neg3A_149 = vector.broadcast %neg3A_148 : f32 to vector<16xf32>
    %neg3A_150 = arith.subf %neg3A_149, %parallel_loop3A_68#3 : vector<16xf32>
    %exp3A_151 = math.exp %neg3A_150 : vector<16xf32>
    %add3A_152 = arith.constant 1.000000e+00 : f32
    %add3A_153 = vector.broadcast %add3A_152 : f32 to vector<16xf32>
    %add3A_154 = arith.addf %add3A_153, %exp3A_151 : vector<16xf32>
    %div3A_155 = arith.constant 1.000000e+00 : f32
    %div3A_156 = vector.broadcast %div3A_155 : f32 to vector<16xf32>
    %div3A_157 = arith.divf %div3A_156, %add3A_154 : vector<16xf32>
    %mul3A_158 = arith.constant 1.000000e+04 : f32
    %mul3A_159 = vector.broadcast %mul3A_158 : f32 to vector<16xf32>
    %mul3A_160 = arith.mulf %div3A_157, %mul3A_159 : vector<16xf32>
    %add3A_161 = arith.constant 0x4B400000 : f32
    %add3A_162 = vector.broadcast %add3A_161 : f32 to vector<16xf32>
    %add3A_163 = arith.addf %mul3A_160, %add3A_162 : vector<16xf32>
    %sub3A_164 = arith.constant 0x4B400000 : f32
    %sub3A_165 = vector.broadcast %sub3A_164 : f32 to vector<16xf32>
    %sub3A_166 = arith.subf %add3A_163, %sub3A_165 : vector<16xf32>
    %mul3A_167 = arith.constant 9.99999974E-5 : f32
    %mul3A_168 = vector.broadcast %mul3A_167 : f32 to vector<16xf32>
    %mul3A_169 = arith.mulf %sub3A_166, %mul3A_168 : vector<16xf32>
    %swap3A_170 = arith.constant 48 : index
    %swap3A_171 = tpu.vector_load %arg8[%swap3A_170] {strides = array<i32>} : memref<512xf32, #tpu.memory_space<vmem>>, vector<16xf32>,
    tpu.vector_store %arg8[%swap3A_170], %mul3A_169 {strides = array<i32>} : memref<512xf32, #tpu.memory_space<vmem>>, vector<16xf32>,
    %neg3A_172 = arith.constant 0.000000e+00 : f32
    %neg3A_173 = vector.broadcast %neg3A_172 : f32 to vector<16xf32>
    %neg3A_174 = arith.subf %neg3A_173, %parallel_loop3A_68#4 : vector<16xf32>
    %exp3A_175 = math.exp %neg3A_174 : vector<16xf32>
    %add3A_176 = arith.constant 1.000000e+00 : f32
    %add3A_177 = vector.broadcast %add3A_176 : f32 to vector<16xf32>
    %add3A_178 = arith.addf %add3A_177, %exp3A_175 : vector<16xf32>
    %div3A_179 = arith.constant 1.000000e+00 : f32
    %div3A_180 = vector.broadcast %div3A_179 : f32 to vector<16xf32>
    %div3A_181 = arith.divf %div3A_180, %add3A_178 : vector<16xf32>
    %mul3A_182 = arith.constant 1.000000e+04 : f32
    %mul3A_183 = vector.broadcast %mul3A_182 : f32 to vector<16xf32>
    %mul3A_184 = arith.mulf %div3A_181, %mul3A_183 : vector<16xf32>
    %add3A_185 = arith.constant 0x4B400000 : f32
    %add3A_186 = vector.broadcast %add3A_185 : f32 to vector<16xf32>
    %add3A_187 = arith.addf %mul3A_184, %add3A_186 : vector<16xf32>
    %sub3A_188 = arith.constant 0x4B400000 : f32
    %sub3A_189 = vector.broadcast %sub3A_188 : f32 to vector<16xf32>
    %sub3A_190 = arith.subf %add3A_187, %sub3A_189 : vector<16xf32>
    %mul3A_191 = arith.constant 9.99999974E-5 : f32
    %mul3A_192 = vector.broadcast %mul3A_191 : f32 to vector<16xf32>
    %mul3A_193 = arith.mulf %sub3A_190, %mul3A_192 : vector<16xf32>
    %swap3A_194 = arith.constant 64 : index
    %swap3A_195 = tpu.vector_load %arg8[%swap3A_194] {strides = array<i32>} : memref<512xf32, #tpu.memory_space<vmem>>, vector<16xf32>,
    tpu.vector_store %arg8[%swap3A_194], %mul3A_193 {strides = array<i32>} : memref<512xf32, #tpu.memory_space<vmem>>, vector<16xf32>,
    %neg3A_196 = arith.constant 0.000000e+00 : f32
    %neg3A_197 = vector.broadcast %neg3A_196 : f32 to vector<16xf32>
    %neg3A_198 = arith.subf %neg3A_197, %parallel_loop3A_68#5 : vector<16xf32>
    %exp3A_199 = math.exp %neg3A_198 : vector<16xf32>
    %add3A_200 = arith.constant 1.000000e+00 : f32
    %add3A_201 = vector.broadcast %add3A_200 : f32 to vector<16xf32>
    %add3A_202 = arith.addf %add3A_201, %exp3A_199 : vector<16xf32>
    %div3A_203 = arith.constant 1.000000e+00 : f32
    %div3A_204 = vector.broadcast %div3A_203 : f32 to vector<16xf32>
    %div3A_205 = arith.divf %div3A_204, %add3A_202 : vector<16xf32>
    %mul3A_206 = arith.constant 1.000000e+04 : f32
    %mul3A_207 = vector.broadcast %mul3A_206 : f32 to vector<16xf32>
    %mul3A_208 = arith.mulf %div3A_205, %mul3A_207 : vector<16xf32>
    %add3A_209 = arith.constant 0x4B400000 : f32
    %add3A_210 = vector.broadcast %add3A_209 : f32 to vector<16xf32>
    %add3A_211 = arith.addf %mul3A_208, %add3A_210 : vector<16xf32>
    %sub3A_212 = arith.constant 0x4B400000 : f32
    %sub3A_213 = vector.broadcast %sub3A_212 : f32 to vector<16xf32>
    %sub3A_214 = arith.subf %add3A_211, %sub3A_213 : vector<16xf32>
    %mul3A_215 = arith.constant 9.99999974E-5 : f32
    %mul3A_216 = vector.broadcast %mul3A_215 : f32 to vector<16xf32>
    %mul3A_217 = arith.mulf %sub3A_214, %mul3A_216 : vector<16xf32>
    %swap3A_218 = arith.constant 80 : index
    %swap3A_219 = tpu.vector_load %arg8[%swap3A_218] {strides = array<i32>} : memref<512xf32, #tpu.memory_space<vmem>>, vector<16xf32>,
    tpu.vector_store %arg8[%swap3A_218], %mul3A_217 {strides = array<i32>} : memref<512xf32, #tpu.memory_space<vmem>>, vector<16xf32>,
    %neg3A_220 = arith.constant 0.000000e+00 : f32
    %neg3A_221 = vector.broadcast %neg3A_220 : f32 to vector<16xf32>
    %neg3A_222 = arith.subf %neg3A_221, %parallel_loop3A_68#6 : vector<16xf32>
    %exp3A_223 = math.exp %neg3A_222 : vector<16xf32>
    %add3A_224 = arith.constant 1.000000e+00 : f32
    %add3A_225 = vector.broadcast %add3A_224 : f32 to vector<16xf32>
    %add3A_226 = arith.addf %add3A_225, %exp3A_223 : vector<16xf32>
    %div3A_227 = arith.constant 1.000000e+00 : f32
    %div3A_228 = vector.broadcast %div3A_227 : f32 to vector<16xf32>
    %div3A_229 = arith.divf %div3A_228, %add3A_226 : vector<16xf32>
    %mul3A_230 = arith.constant 1.000000e+04 : f32
    %mul3A_231 = vector.broadcast %mul3A_230 : f32 to vector<16xf32>
    %mul3A_232 = arith.mulf %div3A_229, %mul3A_231 : vector<16xf32>
    %add3A_233 = arith.constant 0x4B400000 : f32
    %add3A_234 = vector.broadcast %add3A_233 : f32 to vector<16xf32>
    %add3A_235 = arith.addf %mul3A_232, %add3A_234 : vector<16xf32>
    %sub3A_236 = arith.constant 0x4B400000 : f32
    %sub3A_237 = vector.broadcast %sub3A_236 : f32 to vector<16xf32>
    %sub3A_238 = arith.subf %add3A_235, %sub3A_237 : vector<16xf32>
    %mul3A_239 = arith.constant 9.99999974E-5 : f32
    %mul3A_240 = vector.broadcast %mul3A_239 : f32 to vector<16xf32>
    %mul3A_241 = arith.mulf %sub3A_238, %mul3A_240 : vector<16xf32>
    %swap3A_242 = arith.constant 96 : index
    %swap3A_243 = tpu.vector_load %arg8[%swap3A_242] {strides = array<i32>} : memref<512xf32, #tpu.memory_space<vmem>>, vector<16xf32>,
    tpu.vector_store %arg8[%swap3A_242], %mul3A_241 {strides = array<i32>} : memref<512xf32, #tpu.memory_space<vmem>>, vector<16xf32>,
    %neg3A_244 = arith.constant 0.000000e+00 : f32
    %neg3A_245 = vector.broadcast %neg3A_244 : f32 to vector<16xf32>
    %neg3A_246 = arith.subf %neg3A_245, %parallel_loop3A_68#7 : vector<16xf32>
    %exp3A_247 = math.exp %neg3A_246 : vector<16xf32>
    %add3A_248 = arith.constant 1.000000e+00 : f32
    %add3A_249 = vector.broadcast %add3A_248 : f32 to vector<16xf32>
    %add3A_250 = arith.addf %add3A_249, %exp3A_247 : vector<16xf32>
    %div3A_251 = arith.constant 1.000000e+00 : f32
    %div3A_252 = vector.broadcast %div3A_251 : f32 to vector<16xf32>
    %div3A_253 = arith.divf %div3A_252, %add3A_250 : vector<16xf32>
    %mul3A_254 = arith.constant 1.000000e+04 : f32
    %mul3A_255 = vector.broadcast %mul3A_254 : f32 to vector<16xf32>
    %mul3A_256 = arith.mulf %div3A_253, %mul3A_255 : vector<16xf32>
    %add3A_257 = arith.constant 0x4B400000 : f32
    %add3A_258 = vector.broadcast %add3A_257 : f32 to vector<16xf32>
    %add3A_259 = arith.addf %mul3A_256, %add3A_258 : vector<16xf32>
    %sub3A_260 = arith.constant 0x4B400000 : f32
    %sub3A_261 = vector.broadcast %sub3A_260 : f32 to vector<16xf32>
    %sub3A_262 = arith.subf %add3A_259, %sub3A_261 : vector<16xf32>
    %mul3A_263 = arith.constant 9.99999974E-5 : f32
    %mul3A_264 = vector.broadcast %mul3A_263 : f32 to vector<16xf32>
    %mul3A_265 = arith.mulf %sub3A_262, %mul3A_264 : vector<16xf32>
    %swap3A_266 = arith.constant 112 : index
    %swap3A_267 = tpu.vector_load %arg8[%swap3A_266] {strides = array<i32>} : memref<512xf32, #tpu.memory_space<vmem>>, vector<16xf32>,
    tpu.vector_store %arg8[%swap3A_266], %mul3A_265 {strides = array<i32>} : memref<512xf32, #tpu.memory_space<vmem>>, vector<16xf32>,
    %add3A_268 = arith.constant 128 : i32
    %add3A_269 = arith.addi %mul3A_2, %add3A_268 : i32
    %dma_wait3A_270 = arith.constant 0 : i32
    %dma_wait3A_271 = arith.constant 0 : i32
    %dma_wait3A_272 = tpu.memref_slice %arg6[%dma_wait3A_270, %dma_wait3A_271] : memref<104x128xi32, #tpu.memory_space<vmem>> -> memref<96x128xi32, #tpu.memory_space<vmem>>
    %dma_wait3A_273 = arith.constant 0 : i32
    %dma_wait3A_274 = tpu.memref_slice %arg3[%dma_wait3A_273, %add3A_269] : memref<200x16384xi32, #tpu.memory_space<hbm>> -> memref<96x128xi32, #tpu.memory_space<hbm>>
    %dma_wait3A_275 = arith.constant 0 : i32
    %dma_wait3A_276 = arith.constant 0 : i32
    %dma_wait3A_277 = tpu.memref_slice %arg6[%dma_wait3A_275, %dma_wait3A_276] : memref<104x128xi32, #tpu.memory_space<vmem>> -> memref<96x128xi32, #tpu.memory_space<vmem>>
    %dma_wait3A_278 = arith.constant 0 : i32
    %dma_wait3A_279 = tpu.memref_slice %arg3[%dma_wait3A_278, %add3A_269] : memref<200x16384xi32, #tpu.memory_space<hbm>> -> memref<96x128xi32, #tpu.memory_space<hbm>>
    tpu.wait_dma2 semaphore(%arg10 : memref<!tpu.dma_semaphore, #tpu.memory_space<semaphore_mem>>) src(%dma_wait3A_279 : memref<96x128xi32, #tpu.memory_space<hbm>>) dst(%dma_wait3A_277 : memref<96x128xi32, #tpu.memory_space<vmem>>)
    %parallel_loop3A_280 = arith.constant 0 : i32
    %parallel_loop3A_281 = arith.constant 96 : i32
    %parallel_loop3A_282 = arith.constant 1 : i32
    %parallel_loop3A_283:8 = scf.for %parallel_loop3A_988 = %parallel_loop3A_280 to %parallel_loop3A_281 step %parallel_loop3A_282 iter_args(%parallel_loop3A_989 = %broadcast_in_dim3A_26, %parallel_loop3A_990 = %broadcast_in_dim3A_26, %parallel_loop3A_991 = %broadcast_in_dim3A_26, %parallel_loop3A_992 = %broadcast_in_dim3A_26, %parallel_loop3A_993 = %broadcast_in_dim3A_26, %parallel_loop3A_994 = %broadcast_in_dim3A_26, %parallel_loop3A_995 = %broadcast_in_dim3A_26, %parallel_loop3A_996 = %broadcast_in_dim3A_26) -> (vector<16xf32>, vector<16xf32>, vector<16xf32>, vector<16xf32>, vector<16xf32>, vector<16xf32>, vector<16xf32>, vector<16xf32>)  : i32 {
      %parallel_loop3A_997 = arith.index_cast %parallel_loop3A_988 : i32 to index
      %parallel_loop3A_998 = arith.constant 0 : index
      %parallel_loop3A_999 = tpu.vector_load %arg6[%parallel_loop3A_997, %parallel_loop3A_998] {strides = array<i32>} : memref<104x128xi32, #tpu.memory_space<vmem>>, vector<16xi32>,
      %parallel_loop3A_1000 = tpu.vector_load_idx %arg5[%parallel_loop3A_999] : memref<100000xf32, #tpu.memory_space<vmem>>[vector<16xi32>], vector<16xf32>,
      %parallel_loop3A_1001 = arith.addf %parallel_loop3A_989, %parallel_loop3A_1000 : vector<16xf32>
      %parallel_loop3A_1002 = arith.index_cast %parallel_loop3A_988 : i32 to index
      %parallel_loop3A_1003 = arith.constant 16 : index
      %parallel_loop3A_1004 = tpu.vector_load %arg6[%parallel_loop3A_1002, %parallel_loop3A_1003] {strides = array<i32>} : memref<104x128xi32, #tpu.memory_space<vmem>>, vector<16xi32>,
      %parallel_loop3A_1005 = tpu.vector_load_idx %arg5[%parallel_loop3A_1004] : memref<100000xf32, #tpu.memory_space<vmem>>[vector<16xi32>], vector<16xf32>,
      %parallel_loop3A_1006 = arith.addf %parallel_loop3A_990, %parallel_loop3A_1005 : vector<16xf32>
      %parallel_loop3A_1007 = arith.index_cast %parallel_loop3A_988 : i32 to index
      %parallel_loop3A_1008 = arith.constant 32 : index
      %parallel_loop3A_1009 = tpu.vector_load %arg6[%parallel_loop3A_1007, %parallel_loop3A_1008] {strides = array<i32>} : memref<104x128xi32, #tpu.memory_space<vmem>>, vector<16xi32>,
      %parallel_loop3A_1010 = tpu.vector_load_idx %arg5[%parallel_loop3A_1009] : memref<100000xf32, #tpu.memory_space<vmem>>[vector<16xi32>], vector<16xf32>,
      %parallel_loop3A_1011 = arith.addf %parallel_loop3A_991, %parallel_loop3A_1010 : vector<16xf32>
      %parallel_loop3A_1012 = arith.index_cast %parallel_loop3A_988 : i32 to index
      %parallel_loop3A_1013 = arith.constant 48 : index
      %parallel_loop3A_1014 = tpu.vector_load %arg6[%parallel_loop3A_1012, %parallel_loop3A_1013] {strides = array<i32>} : memref<104x128xi32, #tpu.memory_space<vmem>>, vector<16xi32>,
      %parallel_loop3A_1015 = tpu.vector_load_idx %arg5[%parallel_loop3A_1014] : memref<100000xf32, #tpu.memory_space<vmem>>[vector<16xi32>], vector<16xf32>,
      %parallel_loop3A_1016 = arith.addf %parallel_loop3A_992, %parallel_loop3A_1015 : vector<16xf32>
      %parallel_loop3A_1017 = arith.index_cast %parallel_loop3A_988 : i32 to index
      %parallel_loop3A_1018 = arith.constant 64 : index
      %parallel_loop3A_1019 = tpu.vector_load %arg6[%parallel_loop3A_1017, %parallel_loop3A_1018] {strides = array<i32>} : memref<104x128xi32, #tpu.memory_space<vmem>>, vector<16xi32>,
      %parallel_loop3A_1020 = tpu.vector_load_idx %arg5[%parallel_loop3A_1019] : memref<100000xf32, #tpu.memory_space<vmem>>[vector<16xi32>], vector<16xf32>,
      %parallel_loop3A_1021 = arith.addf %parallel_loop3A_993, %parallel_loop3A_1020 : vector<16xf32>
      %parallel_loop3A_1022 = arith.index_cast %parallel_loop3A_988 : i32 to index
      %parallel_loop3A_1023 = arith.constant 80 : index
      %parallel_loop3A_1024 = tpu.vector_load %arg6[%parallel_loop3A_1022, %parallel_loop3A_1023] {strides = array<i32>} : memref<104x128xi32, #tpu.memory_space<vmem>>, vector<16xi32>,
      %parallel_loop3A_1025 = tpu.vector_load_idx %arg5[%parallel_loop3A_1024] : memref<100000xf32, #tpu.memory_space<vmem>>[vector<16xi32>], vector<16xf32>,
      %parallel_loop3A_1026 = arith.addf %parallel_loop3A_994, %parallel_loop3A_1025 : vector<16xf32>
      %parallel_loop3A_1027 = arith.index_cast %parallel_loop3A_988 : i32 to index
      %parallel_loop3A_1028 = arith.constant 96 : index
      %parallel_loop3A_1029 = tpu.vector_load %arg6[%parallel_loop3A_1027, %parallel_loop3A_1028] {strides = array<i32>} : memref<104x128xi32, #tpu.memory_space<vmem>>, vector<16xi32>,
      %parallel_loop3A_1030 = tpu.vector_load_idx %arg5[%parallel_loop3A_1029] : memref<100000xf32, #tpu.memory_space<vmem>>[vector<16xi32>], vector<16xf32>,
      %parallel_loop3A_1031 = arith.addf %parallel_loop3A_995, %parallel_loop3A_1030 : vector<16xf32>
      %parallel_loop3A_1032 = arith.index_cast %parallel_loop3A_988 : i32 to index
      %parallel_loop3A_1033 = arith.constant 112 : index
      %parallel_loop3A_1034 = tpu.vector_load %arg6[%parallel_loop3A_1032, %parallel_loop3A_1033] {strides = array<i32>} : memref<104x128xi32, #tpu.memory_space<vmem>>, vector<16xi32>,
      %parallel_loop3A_1035 = tpu.vector_load_idx %arg5[%parallel_loop3A_1034] : memref<100000xf32, #tpu.memory_space<vmem>>[vector<16xi32>], vector<16xf32>,
      %parallel_loop3A_1036 = arith.addf %parallel_loop3A_996, %parallel_loop3A_1035 : vector<16xf32>
      scf.yield %parallel_loop3A_1001, %parallel_loop3A_1006, %parallel_loop3A_1011, %parallel_loop3A_1016, %parallel_loop3A_1021, %parallel_loop3A_1026, %parallel_loop3A_1031, %parallel_loop3A_1036 : vector<16xf32>, vector<16xf32>, vector<16xf32>, vector<16xf32>, vector<16xf32>, vector<16xf32>, vector<16xf32>, vector<16xf32>
    } {sc.loop_unroll_factor = 2 : i64, sc.parallel_access}
    %add3A_284 = arith.constant 256 : i32
    %add3A_285 = arith.addi %mul3A_2, %add3A_284 : i32
    %dma_start3A_286 = arith.constant 0 : i32
    %dma_start3A_287 = arith.constant 0 : i32
    %dma_start3A_288 = tpu.memref_slice %arg6[%dma_start3A_286, %dma_start3A_287] : memref<104x128xi32, #tpu.memory_space<vmem>> -> memref<96x128xi32, #tpu.memory_space<vmem>>
    %dma_start3A_289 = arith.constant 0 : i32
    %dma_start3A_290 = tpu.memref_slice %arg3[%dma_start3A_289, %add3A_285] : memref<200x16384xi32, #tpu.memory_space<hbm>> -> memref<96x128xi32, #tpu.memory_space<hbm>>
    %dma_start3A_291 = arith.constant 0 : i32
    %dma_start3A_292 = arith.constant 0 : i32
    %dma_start3A_293 = tpu.memref_slice %arg6[%dma_start3A_291, %dma_start3A_292] : memref<104x128xi32, #tpu.memory_space<vmem>> -> memref<96x128xi32, #tpu.memory_space<vmem>>
    %dma_start3A_294 = arith.constant 0 : i32
    %dma_start3A_295 = tpu.memref_slice %arg3[%dma_start3A_294, %add3A_285] : memref<200x16384xi32, #tpu.memory_space<hbm>> -> memref<96x128xi32, #tpu.memory_space<hbm>>
    tpu.enqueue_dma source(%dma_start3A_295 : memref<96x128xi32, #tpu.memory_space<hbm>>) target(%dma_start3A_293 : memref<96x128xi32, #tpu.memory_space<vmem>>) target_semaphore(%arg10 : memref<!tpu.dma_semaphore, #tpu.memory_space<semaphore_mem>>)
    %add3A_296 = arith.constant 128 : i32
    %add3A_297 = arith.addi %mul3A_2, %add3A_296 : i32
    %dma_wait3A_298 = arith.constant 0 : i32
    %dma_wait3A_299 = arith.constant 0 : i32
    %dma_wait3A_300 = tpu.memref_slice %arg7[%dma_wait3A_298, %dma_wait3A_299] : memref<104x128xi32, #tpu.memory_space<vmem>> -> memref<104x128xi32, #tpu.memory_space<vmem>>
    %dma_wait3A_301 = arith.constant 96 : i32
    %dma_wait3A_302 = tpu.memref_slice %arg3[%dma_wait3A_301, %add3A_297] : memref<200x16384xi32, #tpu.memory_space<hbm>> -> memref<104x128xi32, #tpu.memory_space<hbm>>
    %dma_wait3A_303 = arith.constant 0 : i32
    %dma_wait3A_304 = arith.constant 0 : i32
    %dma_wait3A_305 = tpu.memref_slice %arg7[%dma_wait3A_303, %dma_wait3A_304] : memref<104x128xi32, #tpu.memory_space<vmem>> -> memref<104x128xi32, #tpu.memory_space<vmem>>
    %dma_wait3A_306 = arith.constant 96 : i32
    %dma_wait3A_307 = tpu.memref_slice %arg3[%dma_wait3A_306, %add3A_297] : memref<200x16384xi32, #tpu.memory_space<hbm>> -> memref<104x128xi32, #tpu.memory_space<hbm>>
    tpu.wait_dma2 semaphore(%arg11 : memref<!tpu.dma_semaphore, #tpu.memory_space<semaphore_mem>>) src(%dma_wait3A_307 : memref<104x128xi32, #tpu.memory_space<hbm>>) dst(%dma_wait3A_305 : memref<104x128xi32, #tpu.memory_space<vmem>>)
    %parallel_loop3A_308 = arith.constant 0 : i32
    %parallel_loop3A_309 = arith.constant 104 : i32
    %parallel_loop3A_310 = arith.constant 1 : i32
    %parallel_loop3A_311:8 = scf.for %parallel_loop3A_988 = %parallel_loop3A_308 to %parallel_loop3A_309 step %parallel_loop3A_310 iter_args(%parallel_loop3A_989 = %parallel_loop3A_283#0, %parallel_loop3A_990 = %parallel_loop3A_283#1, %parallel_loop3A_991 = %parallel_loop3A_283#2, %parallel_loop3A_992 = %parallel_loop3A_283#3, %parallel_loop3A_993 = %parallel_loop3A_283#4, %parallel_loop3A_994 = %parallel_loop3A_283#5, %parallel_loop3A_995 = %parallel_loop3A_283#6, %parallel_loop3A_996 = %parallel_loop3A_283#7) -> (vector<16xf32>, vector<16xf32>, vector<16xf32>, vector<16xf32>, vector<16xf32>, vector<16xf32>, vector<16xf32>, vector<16xf32>)  : i32 {
      %parallel_loop3A_997 = arith.index_cast %parallel_loop3A_988 : i32 to index
      %parallel_loop3A_998 = arith.constant 0 : index
      %parallel_loop3A_999 = tpu.vector_load %arg7[%parallel_loop3A_997, %parallel_loop3A_998] {strides = array<i32>} : memref<104x128xi32, #tpu.memory_space<vmem>>, vector<16xi32>,
      %parallel_loop3A_1000 = tpu.vector_load_idx %arg5[%parallel_loop3A_999] : memref<100000xf32, #tpu.memory_space<vmem>>[vector<16xi32>], vector<16xf32>,
      %parallel_loop3A_1001 = arith.addf %parallel_loop3A_989, %parallel_loop3A_1000 : vector<16xf32>
      %parallel_loop3A_1002 = arith.index_cast %parallel_loop3A_988 : i32 to index
      %parallel_loop3A_1003 = arith.constant 16 : index
      %parallel_loop3A_1004 = tpu.vector_load %arg7[%parallel_loop3A_1002, %parallel_loop3A_1003] {strides = array<i32>} : memref<104x128xi32, #tpu.memory_space<vmem>>, vector<16xi32>,
      %parallel_loop3A_1005 = tpu.vector_load_idx %arg5[%parallel_loop3A_1004] : memref<100000xf32, #tpu.memory_space<vmem>>[vector<16xi32>], vector<16xf32>,
      %parallel_loop3A_1006 = arith.addf %parallel_loop3A_990, %parallel_loop3A_1005 : vector<16xf32>
      %parallel_loop3A_1007 = arith.index_cast %parallel_loop3A_988 : i32 to index
      %parallel_loop3A_1008 = arith.constant 32 : index
      %parallel_loop3A_1009 = tpu.vector_load %arg7[%parallel_loop3A_1007, %parallel_loop3A_1008] {strides = array<i32>} : memref<104x128xi32, #tpu.memory_space<vmem>>, vector<16xi32>,
      %parallel_loop3A_1010 = tpu.vector_load_idx %arg5[%parallel_loop3A_1009] : memref<100000xf32, #tpu.memory_space<vmem>>[vector<16xi32>], vector<16xf32>,
      %parallel_loop3A_1011 = arith.addf %parallel_loop3A_991, %parallel_loop3A_1010 : vector<16xf32>
      %parallel_loop3A_1012 = arith.index_cast %parallel_loop3A_988 : i32 to index
      %parallel_loop3A_1013 = arith.constant 48 : index
      %parallel_loop3A_1014 = tpu.vector_load %arg7[%parallel_loop3A_1012, %parallel_loop3A_1013] {strides = array<i32>} : memref<104x128xi32, #tpu.memory_space<vmem>>, vector<16xi32>,
      %parallel_loop3A_1015 = tpu.vector_load_idx %arg5[%parallel_loop3A_1014] : memref<100000xf32, #tpu.memory_space<vmem>>[vector<16xi32>], vector<16xf32>,
      %parallel_loop3A_1016 = arith.addf %parallel_loop3A_992, %parallel_loop3A_1015 : vector<16xf32>
      %parallel_loop3A_1017 = arith.index_cast %parallel_loop3A_988 : i32 to index
      %parallel_loop3A_1018 = arith.constant 64 : index
      %parallel_loop3A_1019 = tpu.vector_load %arg7[%parallel_loop3A_1017, %parallel_loop3A_1018] {strides = array<i32>} : memref<104x128xi32, #tpu.memory_space<vmem>>, vector<16xi32>,
      %parallel_loop3A_1020 = tpu.vector_load_idx %arg5[%parallel_loop3A_1019] : memref<100000xf32, #tpu.memory_space<vmem>>[vector<16xi32>], vector<16xf32>,
      %parallel_loop3A_1021 = arith.addf %parallel_loop3A_993, %parallel_loop3A_1020 : vector<16xf32>
      %parallel_loop3A_1022 = arith.index_cast %parallel_loop3A_988 : i32 to index
      %parallel_loop3A_1023 = arith.constant 80 : index
      %parallel_loop3A_1024 = tpu.vector_load %arg7[%parallel_loop3A_1022, %parallel_loop3A_1023] {strides = array<i32>} : memref<104x128xi32, #tpu.memory_space<vmem>>, vector<16xi32>,
      %parallel_loop3A_1025 = tpu.vector_load_idx %arg5[%parallel_loop3A_1024] : memref<100000xf32, #tpu.memory_space<vmem>>[vector<16xi32>], vector<16xf32>,
      %parallel_loop3A_1026 = arith.addf %parallel_loop3A_994, %parallel_loop3A_1025 : vector<16xf32>
      %parallel_loop3A_1027 = arith.index_cast %parallel_loop3A_988 : i32 to index
      %parallel_loop3A_1028 = arith.constant 96 : index
      %parallel_loop3A_1029 = tpu.vector_load %arg7[%parallel_loop3A_1027, %parallel_loop3A_1028] {strides = array<i32>} : memref<104x128xi32, #tpu.memory_space<vmem>>, vector<16xi32>,
      %parallel_loop3A_1030 = tpu.vector_load_idx %arg5[%parallel_loop3A_1029] : memref<100000xf32, #tpu.memory_space<vmem>>[vector<16xi32>], vector<16xf32>,
      %parallel_loop3A_1031 = arith.addf %parallel_loop3A_995, %parallel_loop3A_1030 : vector<16xf32>
      %parallel_loop3A_1032 = arith.index_cast %parallel_loop3A_988 : i32 to index
      %parallel_loop3A_1033 = arith.constant 112 : index
      %parallel_loop3A_1034 = tpu.vector_load %arg7[%parallel_loop3A_1032, %parallel_loop3A_1033] {strides = array<i32>} : memref<104x128xi32, #tpu.memory_space<vmem>>, vector<16xi32>,
      %parallel_loop3A_1035 = tpu.vector_load_idx %arg5[%parallel_loop3A_1034] : memref<100000xf32, #tpu.memory_space<vmem>>[vector<16xi32>], vector<16xf32>,
      %parallel_loop3A_1036 = arith.addf %parallel_loop3A_996, %parallel_loop3A_1035 : vector<16xf32>
      scf.yield %parallel_loop3A_1001, %parallel_loop3A_1006, %parallel_loop3A_1011, %parallel_loop3A_1016, %parallel_loop3A_1021, %parallel_loop3A_1026, %parallel_loop3A_1031, %parallel_loop3A_1036 : vector<16xf32>, vector<16xf32>, vector<16xf32>, vector<16xf32>, vector<16xf32>, vector<16xf32>, vector<16xf32>, vector<16xf32>
    } {sc.loop_unroll_factor = 2 : i64, sc.parallel_access}
    %add3A_312 = arith.constant 256 : i32
    %add3A_313 = arith.addi %mul3A_2, %add3A_312 : i32
    %dma_start3A_314 = arith.constant 0 : i32
    %dma_start3A_315 = arith.constant 0 : i32
    %dma_start3A_316 = tpu.memref_slice %arg7[%dma_start3A_314, %dma_start3A_315] : memref<104x128xi32, #tpu.memory_space<vmem>> -> memref<104x128xi32, #tpu.memory_space<vmem>>
    %dma_start3A_317 = arith.constant 96 : i32
    %dma_start3A_318 = tpu.memref_slice %arg3[%dma_start3A_317, %add3A_313] : memref<200x16384xi32, #tpu.memory_space<hbm>> -> memref<104x128xi32, #tpu.memory_space<hbm>>
    %dma_start3A_319 = arith.constant 0 : i32
    %dma_start3A_320 = arith.constant 0 : i32
    %dma_start3A_321 = tpu.memref_slice %arg7[%dma_start3A_319, %dma_start3A_320] : memref<104x128xi32, #tpu.memory_space<vmem>> -> memref<104x128xi32, #tpu.memory_space<vmem>>
    %dma_start3A_322 = arith.constant 96 : i32
    %dma_start3A_323 = tpu.memref_slice %arg3[%dma_start3A_322, %add3A_313] : memref<200x16384xi32, #tpu.memory_space<hbm>> -> memref<104x128xi32, #tpu.memory_space<hbm>>
    tpu.enqueue_dma source(%dma_start3A_323 : memref<104x128xi32, #tpu.memory_space<hbm>>) target(%dma_start3A_321 : memref<104x128xi32, #tpu.memory_space<vmem>>) target_semaphore(%arg11 : memref<!tpu.dma_semaphore, #tpu.memory_space<semaphore_mem>>)
    %neg3A_324 = arith.constant 0.000000e+00 : f32
    %neg3A_325 = vector.broadcast %neg3A_324 : f32 to vector<16xf32>
    %neg3A_326 = arith.subf %neg3A_325, %parallel_loop3A_311#0 : vector<16xf32>
    %exp3A_327 = math.exp %neg3A_326 : vector<16xf32>
    %add3A_328 = arith.constant 1.000000e+00 : f32
    %add3A_329 = vector.broadcast %add3A_328 : f32 to vector<16xf32>
    %add3A_330 = arith.addf %add3A_329, %exp3A_327 : vector<16xf32>
    %div3A_331 = arith.constant 1.000000e+00 : f32
    %div3A_332 = vector.broadcast %div3A_331 : f32 to vector<16xf32>
    %div3A_333 = arith.divf %div3A_332, %add3A_330 : vector<16xf32>
    %mul3A_334 = arith.constant 1.000000e+04 : f32
    %mul3A_335 = vector.broadcast %mul3A_334 : f32 to vector<16xf32>
    %mul3A_336 = arith.mulf %div3A_333, %mul3A_335 : vector<16xf32>
    %add3A_337 = arith.constant 0x4B400000 : f32
    %add3A_338 = vector.broadcast %add3A_337 : f32 to vector<16xf32>
    %add3A_339 = arith.addf %mul3A_336, %add3A_338 : vector<16xf32>
    %sub3A_340 = arith.constant 0x4B400000 : f32
    %sub3A_341 = vector.broadcast %sub3A_340 : f32 to vector<16xf32>
    %sub3A_342 = arith.subf %add3A_339, %sub3A_341 : vector<16xf32>
    %mul3A_343 = arith.constant 9.99999974E-5 : f32
    %mul3A_344 = vector.broadcast %mul3A_343 : f32 to vector<16xf32>
    %mul3A_345 = arith.mulf %sub3A_342, %mul3A_344 : vector<16xf32>
    %swap3A_346 = arith.constant 128 : index
    %swap3A_347 = tpu.vector_load %arg8[%swap3A_346] {strides = array<i32>} : memref<512xf32, #tpu.memory_space<vmem>>, vector<16xf32>,
    tpu.vector_store %arg8[%swap3A_346], %mul3A_345 {strides = array<i32>} : memref<512xf32, #tpu.memory_space<vmem>>, vector<16xf32>,
    %neg3A_348 = arith.constant 0.000000e+00 : f32
    %neg3A_349 = vector.broadcast %neg3A_348 : f32 to vector<16xf32>
    %neg3A_350 = arith.subf %neg3A_349, %parallel_loop3A_311#1 : vector<16xf32>
    %exp3A_351 = math.exp %neg3A_350 : vector<16xf32>
    %add3A_352 = arith.constant 1.000000e+00 : f32
    %add3A_353 = vector.broadcast %add3A_352 : f32 to vector<16xf32>
    %add3A_354 = arith.addf %add3A_353, %exp3A_351 : vector<16xf32>
    %div3A_355 = arith.constant 1.000000e+00 : f32
    %div3A_356 = vector.broadcast %div3A_355 : f32 to vector<16xf32>
    %div3A_357 = arith.divf %div3A_356, %add3A_354 : vector<16xf32>
    %mul3A_358 = arith.constant 1.000000e+04 : f32
    %mul3A_359 = vector.broadcast %mul3A_358 : f32 to vector<16xf32>
    %mul3A_360 = arith.mulf %div3A_357, %mul3A_359 : vector<16xf32>
    %add3A_361 = arith.constant 0x4B400000 : f32
    %add3A_362 = vector.broadcast %add3A_361 : f32 to vector<16xf32>
    %add3A_363 = arith.addf %mul3A_360, %add3A_362 : vector<16xf32>
    %sub3A_364 = arith.constant 0x4B400000 : f32
    %sub3A_365 = vector.broadcast %sub3A_364 : f32 to vector<16xf32>
    %sub3A_366 = arith.subf %add3A_363, %sub3A_365 : vector<16xf32>
    %mul3A_367 = arith.constant 9.99999974E-5 : f32
    %mul3A_368 = vector.broadcast %mul3A_367 : f32 to vector<16xf32>
    %mul3A_369 = arith.mulf %sub3A_366, %mul3A_368 : vector<16xf32>
    %swap3A_370 = arith.constant 144 : index
    %swap3A_371 = tpu.vector_load %arg8[%swap3A_370] {strides = array<i32>} : memref<512xf32, #tpu.memory_space<vmem>>, vector<16xf32>,
    tpu.vector_store %arg8[%swap3A_370], %mul3A_369 {strides = array<i32>} : memref<512xf32, #tpu.memory_space<vmem>>, vector<16xf32>,
    %neg3A_372 = arith.constant 0.000000e+00 : f32
    %neg3A_373 = vector.broadcast %neg3A_372 : f32 to vector<16xf32>
    %neg3A_374 = arith.subf %neg3A_373, %parallel_loop3A_311#2 : vector<16xf32>
    %exp3A_375 = math.exp %neg3A_374 : vector<16xf32>
    %add3A_376 = arith.constant 1.000000e+00 : f32
    %add3A_377 = vector.broadcast %add3A_376 : f32 to vector<16xf32>
    %add3A_378 = arith.addf %add3A_377, %exp3A_375 : vector<16xf32>
    %div3A_379 = arith.constant 1.000000e+00 : f32
    %div3A_380 = vector.broadcast %div3A_379 : f32 to vector<16xf32>
    %div3A_381 = arith.divf %div3A_380, %add3A_378 : vector<16xf32>
    %mul3A_382 = arith.constant 1.000000e+04 : f32
    %mul3A_383 = vector.broadcast %mul3A_382 : f32 to vector<16xf32>
    %mul3A_384 = arith.mulf %div3A_381, %mul3A_383 : vector<16xf32>
    %add3A_385 = arith.constant 0x4B400000 : f32
    %add3A_386 = vector.broadcast %add3A_385 : f32 to vector<16xf32>
    %add3A_387 = arith.addf %mul3A_384, %add3A_386 : vector<16xf32>
    %sub3A_388 = arith.constant 0x4B400000 : f32
    %sub3A_389 = vector.broadcast %sub3A_388 : f32 to vector<16xf32>
    %sub3A_390 = arith.subf %add3A_387, %sub3A_389 : vector<16xf32>
    %mul3A_391 = arith.constant 9.99999974E-5 : f32
    %mul3A_392 = vector.broadcast %mul3A_391 : f32 to vector<16xf32>
    %mul3A_393 = arith.mulf %sub3A_390, %mul3A_392 : vector<16xf32>
    %swap3A_394 = arith.constant 160 : index
    %swap3A_395 = tpu.vector_load %arg8[%swap3A_394] {strides = array<i32>} : memref<512xf32, #tpu.memory_space<vmem>>, vector<16xf32>,
    tpu.vector_store %arg8[%swap3A_394], %mul3A_393 {strides = array<i32>} : memref<512xf32, #tpu.memory_space<vmem>>, vector<16xf32>,
    %neg3A_396 = arith.constant 0.000000e+00 : f32
    %neg3A_397 = vector.broadcast %neg3A_396 : f32 to vector<16xf32>
    %neg3A_398 = arith.subf %neg3A_397, %parallel_loop3A_311#3 : vector<16xf32>
    %exp3A_399 = math.exp %neg3A_398 : vector<16xf32>
    %add3A_400 = arith.constant 1.000000e+00 : f32
    %add3A_401 = vector.broadcast %add3A_400 : f32 to vector<16xf32>
    %add3A_402 = arith.addf %add3A_401, %exp3A_399 : vector<16xf32>
    %div3A_403 = arith.constant 1.000000e+00 : f32
    %div3A_404 = vector.broadcast %div3A_403 : f32 to vector<16xf32>
    %div3A_405 = arith.divf %div3A_404, %add3A_402 : vector<16xf32>
    %mul3A_406 = arith.constant 1.000000e+04 : f32
    %mul3A_407 = vector.broadcast %mul3A_406 : f32 to vector<16xf32>
    %mul3A_408 = arith.mulf %div3A_405, %mul3A_407 : vector<16xf32>
    %add3A_409 = arith.constant 0x4B400000 : f32
    %add3A_410 = vector.broadcast %add3A_409 : f32 to vector<16xf32>
    %add3A_411 = arith.addf %mul3A_408, %add3A_410 : vector<16xf32>
    %sub3A_412 = arith.constant 0x4B400000 : f32
    %sub3A_413 = vector.broadcast %sub3A_412 : f32 to vector<16xf32>
    %sub3A_414 = arith.subf %add3A_411, %sub3A_413 : vector<16xf32>
    %mul3A_415 = arith.constant 9.99999974E-5 : f32
    %mul3A_416 = vector.broadcast %mul3A_415 : f32 to vector<16xf32>
    %mul3A_417 = arith.mulf %sub3A_414, %mul3A_416 : vector<16xf32>
    %swap3A_418 = arith.constant 176 : index
    %swap3A_419 = tpu.vector_load %arg8[%swap3A_418] {strides = array<i32>} : memref<512xf32, #tpu.memory_space<vmem>>, vector<16xf32>,
    tpu.vector_store %arg8[%swap3A_418], %mul3A_417 {strides = array<i32>} : memref<512xf32, #tpu.memory_space<vmem>>, vector<16xf32>,
    %neg3A_420 = arith.constant 0.000000e+00 : f32
    %neg3A_421 = vector.broadcast %neg3A_420 : f32 to vector<16xf32>
    %neg3A_422 = arith.subf %neg3A_421, %parallel_loop3A_311#4 : vector<16xf32>
    %exp3A_423 = math.exp %neg3A_422 : vector<16xf32>
    %add3A_424 = arith.constant 1.000000e+00 : f32
    %add3A_425 = vector.broadcast %add3A_424 : f32 to vector<16xf32>
    %add3A_426 = arith.addf %add3A_425, %exp3A_423 : vector<16xf32>
    %div3A_427 = arith.constant 1.000000e+00 : f32
    %div3A_428 = vector.broadcast %div3A_427 : f32 to vector<16xf32>
    %div3A_429 = arith.divf %div3A_428, %add3A_426 : vector<16xf32>
    %mul3A_430 = arith.constant 1.000000e+04 : f32
    %mul3A_431 = vector.broadcast %mul3A_430 : f32 to vector<16xf32>
    %mul3A_432 = arith.mulf %div3A_429, %mul3A_431 : vector<16xf32>
    %add3A_433 = arith.constant 0x4B400000 : f32
    %add3A_434 = vector.broadcast %add3A_433 : f32 to vector<16xf32>
    %add3A_435 = arith.addf %mul3A_432, %add3A_434 : vector<16xf32>
    %sub3A_436 = arith.constant 0x4B400000 : f32
    %sub3A_437 = vector.broadcast %sub3A_436 : f32 to vector<16xf32>
    %sub3A_438 = arith.subf %add3A_435, %sub3A_437 : vector<16xf32>
    %mul3A_439 = arith.constant 9.99999974E-5 : f32
    %mul3A_440 = vector.broadcast %mul3A_439 : f32 to vector<16xf32>
    %mul3A_441 = arith.mulf %sub3A_438, %mul3A_440 : vector<16xf32>
    %swap3A_442 = arith.constant 192 : index
    %swap3A_443 = tpu.vector_load %arg8[%swap3A_442] {strides = array<i32>} : memref<512xf32, #tpu.memory_space<vmem>>, vector<16xf32>,
    tpu.vector_store %arg8[%swap3A_442], %mul3A_441 {strides = array<i32>} : memref<512xf32, #tpu.memory_space<vmem>>, vector<16xf32>,
    %neg3A_444 = arith.constant 0.000000e+00 : f32
    %neg3A_445 = vector.broadcast %neg3A_444 : f32 to vector<16xf32>
    %neg3A_446 = arith.subf %neg3A_445, %parallel_loop3A_311#5 : vector<16xf32>
    %exp3A_447 = math.exp %neg3A_446 : vector<16xf32>
    %add3A_448 = arith.constant 1.000000e+00 : f32
    %add3A_449 = vector.broadcast %add3A_448 : f32 to vector<16xf32>
    %add3A_450 = arith.addf %add3A_449, %exp3A_447 : vector<16xf32>
    %div3A_451 = arith.constant 1.000000e+00 : f32
    %div3A_452 = vector.broadcast %div3A_451 : f32 to vector<16xf32>
    %div3A_453 = arith.divf %div3A_452, %add3A_450 : vector<16xf32>
    %mul3A_454 = arith.constant 1.000000e+04 : f32
    %mul3A_455 = vector.broadcast %mul3A_454 : f32 to vector<16xf32>
    %mul3A_456 = arith.mulf %div3A_453, %mul3A_455 : vector<16xf32>
    %add3A_457 = arith.constant 0x4B400000 : f32
    %add3A_458 = vector.broadcast %add3A_457 : f32 to vector<16xf32>
    %add3A_459 = arith.addf %mul3A_456, %add3A_458 : vector<16xf32>
    %sub3A_460 = arith.constant 0x4B400000 : f32
    %sub3A_461 = vector.broadcast %sub3A_460 : f32 to vector<16xf32>
    %sub3A_462 = arith.subf %add3A_459, %sub3A_461 : vector<16xf32>
    %mul3A_463 = arith.constant 9.99999974E-5 : f32
    %mul3A_464 = vector.broadcast %mul3A_463 : f32 to vector<16xf32>
    %mul3A_465 = arith.mulf %sub3A_462, %mul3A_464 : vector<16xf32>
    %swap3A_466 = arith.constant 208 : index
    %swap3A_467 = tpu.vector_load %arg8[%swap3A_466] {strides = array<i32>} : memref<512xf32, #tpu.memory_space<vmem>>, vector<16xf32>,
    tpu.vector_store %arg8[%swap3A_466], %mul3A_465 {strides = array<i32>} : memref<512xf32, #tpu.memory_space<vmem>>, vector<16xf32>,
    %neg3A_468 = arith.constant 0.000000e+00 : f32
    %neg3A_469 = vector.broadcast %neg3A_468 : f32 to vector<16xf32>
    %neg3A_470 = arith.subf %neg3A_469, %parallel_loop3A_311#6 : vector<16xf32>
    %exp3A_471 = math.exp %neg3A_470 : vector<16xf32>
    %add3A_472 = arith.constant 1.000000e+00 : f32
    %add3A_473 = vector.broadcast %add3A_472 : f32 to vector<16xf32>
    %add3A_474 = arith.addf %add3A_473, %exp3A_471 : vector<16xf32>
    %div3A_475 = arith.constant 1.000000e+00 : f32
    %div3A_476 = vector.broadcast %div3A_475 : f32 to vector<16xf32>
    %div3A_477 = arith.divf %div3A_476, %add3A_474 : vector<16xf32>
    %mul3A_478 = arith.constant 1.000000e+04 : f32
    %mul3A_479 = vector.broadcast %mul3A_478 : f32 to vector<16xf32>
    %mul3A_480 = arith.mulf %div3A_477, %mul3A_479 : vector<16xf32>
    %add3A_481 = arith.constant 0x4B400000 : f32
    %add3A_482 = vector.broadcast %add3A_481 : f32 to vector<16xf32>
    %add3A_483 = arith.addf %mul3A_480, %add3A_482 : vector<16xf32>
    %sub3A_484 = arith.constant 0x4B400000 : f32
    %sub3A_485 = vector.broadcast %sub3A_484 : f32 to vector<16xf32>
    %sub3A_486 = arith.subf %add3A_483, %sub3A_485 : vector<16xf32>
    %mul3A_487 = arith.constant 9.99999974E-5 : f32
    %mul3A_488 = vector.broadcast %mul3A_487 : f32 to vector<16xf32>
    %mul3A_489 = arith.mulf %sub3A_486, %mul3A_488 : vector<16xf32>
    %swap3A_490 = arith.constant 224 : index
    %swap3A_491 = tpu.vector_load %arg8[%swap3A_490] {strides = array<i32>} : memref<512xf32, #tpu.memory_space<vmem>>, vector<16xf32>,
    tpu.vector_store %arg8[%swap3A_490], %mul3A_489 {strides = array<i32>} : memref<512xf32, #tpu.memory_space<vmem>>, vector<16xf32>,
    %neg3A_492 = arith.constant 0.000000e+00 : f32
    %neg3A_493 = vector.broadcast %neg3A_492 : f32 to vector<16xf32>
    %neg3A_494 = arith.subf %neg3A_493, %parallel_loop3A_311#7 : vector<16xf32>
    %exp3A_495 = math.exp %neg3A_494 : vector<16xf32>
    %add3A_496 = arith.constant 1.000000e+00 : f32
    %add3A_497 = vector.broadcast %add3A_496 : f32 to vector<16xf32>
    %add3A_498 = arith.addf %add3A_497, %exp3A_495 : vector<16xf32>
    %div3A_499 = arith.constant 1.000000e+00 : f32
    %div3A_500 = vector.broadcast %div3A_499 : f32 to vector<16xf32>
    %div3A_501 = arith.divf %div3A_500, %add3A_498 : vector<16xf32>
    %mul3A_502 = arith.constant 1.000000e+04 : f32
    %mul3A_503 = vector.broadcast %mul3A_502 : f32 to vector<16xf32>
    %mul3A_504 = arith.mulf %div3A_501, %mul3A_503 : vector<16xf32>
    %add3A_505 = arith.constant 0x4B400000 : f32
    %add3A_506 = vector.broadcast %add3A_505 : f32 to vector<16xf32>
    %add3A_507 = arith.addf %mul3A_504, %add3A_506 : vector<16xf32>
    %sub3A_508 = arith.constant 0x4B400000 : f32
    %sub3A_509 = vector.broadcast %sub3A_508 : f32 to vector<16xf32>
    %sub3A_510 = arith.subf %add3A_507, %sub3A_509 : vector<16xf32>
    %mul3A_511 = arith.constant 9.99999974E-5 : f32
    %mul3A_512 = vector.broadcast %mul3A_511 : f32 to vector<16xf32>
    %mul3A_513 = arith.mulf %sub3A_510, %mul3A_512 : vector<16xf32>
    %swap3A_514 = arith.constant 240 : index
    %swap3A_515 = tpu.vector_load %arg8[%swap3A_514] {strides = array<i32>} : memref<512xf32, #tpu.memory_space<vmem>>, vector<16xf32>,
    tpu.vector_store %arg8[%swap3A_514], %mul3A_513 {strides = array<i32>} : memref<512xf32, #tpu.memory_space<vmem>>, vector<16xf32>,
    %add3A_516 = arith.constant 256 : i32
    %add3A_517 = arith.addi %mul3A_2, %add3A_516 : i32
    %dma_wait3A_518 = arith.constant 0 : i32
    %dma_wait3A_519 = arith.constant 0 : i32
    %dma_wait3A_520 = tpu.memref_slice %arg6[%dma_wait3A_518, %dma_wait3A_519] : memref<104x128xi32, #tpu.memory_space<vmem>> -> memref<96x128xi32, #tpu.memory_space<vmem>>
    %dma_wait3A_521 = arith.constant 0 : i32
    %dma_wait3A_522 = tpu.memref_slice %arg3[%dma_wait3A_521, %add3A_517] : memref<200x16384xi32, #tpu.memory_space<hbm>> -> memref<96x128xi32, #tpu.memory_space<hbm>>
    %dma_wait3A_523 = arith.constant 0 : i32
    %dma_wait3A_524 = arith.constant 0 : i32
    %dma_wait3A_525 = tpu.memref_slice %arg6[%dma_wait3A_523, %dma_wait3A_524] : memref<104x128xi32, #tpu.memory_space<vmem>> -> memref<96x128xi32, #tpu.memory_space<vmem>>
    %dma_wait3A_526 = arith.constant 0 : i32
    %dma_wait3A_527 = tpu.memref_slice %arg3[%dma_wait3A_526, %add3A_517] : memref<200x16384xi32, #tpu.memory_space<hbm>> -> memref<96x128xi32, #tpu.memory_space<hbm>>
    tpu.wait_dma2 semaphore(%arg10 : memref<!tpu.dma_semaphore, #tpu.memory_space<semaphore_mem>>) src(%dma_wait3A_527 : memref<96x128xi32, #tpu.memory_space<hbm>>) dst(%dma_wait3A_525 : memref<96x128xi32, #tpu.memory_space<vmem>>)
    %parallel_loop3A_528 = arith.constant 0 : i32
    %parallel_loop3A_529 = arith.constant 96 : i32
    %parallel_loop3A_530 = arith.constant 1 : i32
    %parallel_loop3A_531:8 = scf.for %parallel_loop3A_988 = %parallel_loop3A_528 to %parallel_loop3A_529 step %parallel_loop3A_530 iter_args(%parallel_loop3A_989 = %broadcast_in_dim3A_26, %parallel_loop3A_990 = %broadcast_in_dim3A_26, %parallel_loop3A_991 = %broadcast_in_dim3A_26, %parallel_loop3A_992 = %broadcast_in_dim3A_26, %parallel_loop3A_993 = %broadcast_in_dim3A_26, %parallel_loop3A_994 = %broadcast_in_dim3A_26, %parallel_loop3A_995 = %broadcast_in_dim3A_26, %parallel_loop3A_996 = %broadcast_in_dim3A_26) -> (vector<16xf32>, vector<16xf32>, vector<16xf32>, vector<16xf32>, vector<16xf32>, vector<16xf32>, vector<16xf32>, vector<16xf32>)  : i32 {
      %parallel_loop3A_997 = arith.index_cast %parallel_loop3A_988 : i32 to index
      %parallel_loop3A_998 = arith.constant 0 : index
      %parallel_loop3A_999 = tpu.vector_load %arg6[%parallel_loop3A_997, %parallel_loop3A_998] {strides = array<i32>} : memref<104x128xi32, #tpu.memory_space<vmem>>, vector<16xi32>,
      %parallel_loop3A_1000 = tpu.vector_load_idx %arg5[%parallel_loop3A_999] : memref<100000xf32, #tpu.memory_space<vmem>>[vector<16xi32>], vector<16xf32>,
      %parallel_loop3A_1001 = arith.addf %parallel_loop3A_989, %parallel_loop3A_1000 : vector<16xf32>
      %parallel_loop3A_1002 = arith.index_cast %parallel_loop3A_988 : i32 to index
      %parallel_loop3A_1003 = arith.constant 16 : index
      %parallel_loop3A_1004 = tpu.vector_load %arg6[%parallel_loop3A_1002, %parallel_loop3A_1003] {strides = array<i32>} : memref<104x128xi32, #tpu.memory_space<vmem>>, vector<16xi32>,
      %parallel_loop3A_1005 = tpu.vector_load_idx %arg5[%parallel_loop3A_1004] : memref<100000xf32, #tpu.memory_space<vmem>>[vector<16xi32>], vector<16xf32>,
      %parallel_loop3A_1006 = arith.addf %parallel_loop3A_990, %parallel_loop3A_1005 : vector<16xf32>
      %parallel_loop3A_1007 = arith.index_cast %parallel_loop3A_988 : i32 to index
      %parallel_loop3A_1008 = arith.constant 32 : index
      %parallel_loop3A_1009 = tpu.vector_load %arg6[%parallel_loop3A_1007, %parallel_loop3A_1008] {strides = array<i32>} : memref<104x128xi32, #tpu.memory_space<vmem>>, vector<16xi32>,
      %parallel_loop3A_1010 = tpu.vector_load_idx %arg5[%parallel_loop3A_1009] : memref<100000xf32, #tpu.memory_space<vmem>>[vector<16xi32>], vector<16xf32>,
      %parallel_loop3A_1011 = arith.addf %parallel_loop3A_991, %parallel_loop3A_1010 : vector<16xf32>
      %parallel_loop3A_1012 = arith.index_cast %parallel_loop3A_988 : i32 to index
      %parallel_loop3A_1013 = arith.constant 48 : index
      %parallel_loop3A_1014 = tpu.vector_load %arg6[%parallel_loop3A_1012, %parallel_loop3A_1013] {strides = array<i32>} : memref<104x128xi32, #tpu.memory_space<vmem>>, vector<16xi32>,
      %parallel_loop3A_1015 = tpu.vector_load_idx %arg5[%parallel_loop3A_1014] : memref<100000xf32, #tpu.memory_space<vmem>>[vector<16xi32>], vector<16xf32>,
      %parallel_loop3A_1016 = arith.addf %parallel_loop3A_992, %parallel_loop3A_1015 : vector<16xf32>
      %parallel_loop3A_1017 = arith.index_cast %parallel_loop3A_988 : i32 to index
      %parallel_loop3A_1018 = arith.constant 64 : index
      %parallel_loop3A_1019 = tpu.vector_load %arg6[%parallel_loop3A_1017, %parallel_loop3A_1018] {strides = array<i32>} : memref<104x128xi32, #tpu.memory_space<vmem>>, vector<16xi32>,
      %parallel_loop3A_1020 = tpu.vector_load_idx %arg5[%parallel_loop3A_1019] : memref<100000xf32, #tpu.memory_space<vmem>>[vector<16xi32>], vector<16xf32>,
      %parallel_loop3A_1021 = arith.addf %parallel_loop3A_993, %parallel_loop3A_1020 : vector<16xf32>
      %parallel_loop3A_1022 = arith.index_cast %parallel_loop3A_988 : i32 to index
      %parallel_loop3A_1023 = arith.constant 80 : index
      %parallel_loop3A_1024 = tpu.vector_load %arg6[%parallel_loop3A_1022, %parallel_loop3A_1023] {strides = array<i32>} : memref<104x128xi32, #tpu.memory_space<vmem>>, vector<16xi32>,
      %parallel_loop3A_1025 = tpu.vector_load_idx %arg5[%parallel_loop3A_1024] : memref<100000xf32, #tpu.memory_space<vmem>>[vector<16xi32>], vector<16xf32>,
      %parallel_loop3A_1026 = arith.addf %parallel_loop3A_994, %parallel_loop3A_1025 : vector<16xf32>
      %parallel_loop3A_1027 = arith.index_cast %parallel_loop3A_988 : i32 to index
      %parallel_loop3A_1028 = arith.constant 96 : index
      %parallel_loop3A_1029 = tpu.vector_load %arg6[%parallel_loop3A_1027, %parallel_loop3A_1028] {strides = array<i32>} : memref<104x128xi32, #tpu.memory_space<vmem>>, vector<16xi32>,
      %parallel_loop3A_1030 = tpu.vector_load_idx %arg5[%parallel_loop3A_1029] : memref<100000xf32, #tpu.memory_space<vmem>>[vector<16xi32>], vector<16xf32>,
      %parallel_loop3A_1031 = arith.addf %parallel_loop3A_995, %parallel_loop3A_1030 : vector<16xf32>
      %parallel_loop3A_1032 = arith.index_cast %parallel_loop3A_988 : i32 to index
      %parallel_loop3A_1033 = arith.constant 112 : index
      %parallel_loop3A_1034 = tpu.vector_load %arg6[%parallel_loop3A_1032, %parallel_loop3A_1033] {strides = array<i32>} : memref<104x128xi32, #tpu.memory_space<vmem>>, vector<16xi32>,
      %parallel_loop3A_1035 = tpu.vector_load_idx %arg5[%parallel_loop3A_1034] : memref<100000xf32, #tpu.memory_space<vmem>>[vector<16xi32>], vector<16xf32>,
      %parallel_loop3A_1036 = arith.addf %parallel_loop3A_996, %parallel_loop3A_1035 : vector<16xf32>
      scf.yield %parallel_loop3A_1001, %parallel_loop3A_1006, %parallel_loop3A_1011, %parallel_loop3A_1016, %parallel_loop3A_1021, %parallel_loop3A_1026, %parallel_loop3A_1031, %parallel_loop3A_1036 : vector<16xf32>, vector<16xf32>, vector<16xf32>, vector<16xf32>, vector<16xf32>, vector<16xf32>, vector<16xf32>, vector<16xf32>
    } {sc.loop_unroll_factor = 2 : i64, sc.parallel_access}
    %add3A_532 = arith.constant 384 : i32
    %add3A_533 = arith.addi %mul3A_2, %add3A_532 : i32
    %dma_start3A_534 = arith.constant 0 : i32
    %dma_start3A_535 = arith.constant 0 : i32
    %dma_start3A_536 = tpu.memref_slice %arg6[%dma_start3A_534, %dma_start3A_535] : memref<104x128xi32, #tpu.memory_space<vmem>> -> memref<96x128xi32, #tpu.memory_space<vmem>>
    %dma_start3A_537 = arith.constant 0 : i32
    %dma_start3A_538 = tpu.memref_slice %arg3[%dma_start3A_537, %add3A_533] : memref<200x16384xi32, #tpu.memory_space<hbm>> -> memref<96x128xi32, #tpu.memory_space<hbm>>
    %dma_start3A_539 = arith.constant 0 : i32
    %dma_start3A_540 = arith.constant 0 : i32
    %dma_start3A_541 = tpu.memref_slice %arg6[%dma_start3A_539, %dma_start3A_540] : memref<104x128xi32, #tpu.memory_space<vmem>> -> memref<96x128xi32, #tpu.memory_space<vmem>>
    %dma_start3A_542 = arith.constant 0 : i32
    %dma_start3A_543 = tpu.memref_slice %arg3[%dma_start3A_542, %add3A_533] : memref<200x16384xi32, #tpu.memory_space<hbm>> -> memref<96x128xi32, #tpu.memory_space<hbm>>
    tpu.enqueue_dma source(%dma_start3A_543 : memref<96x128xi32, #tpu.memory_space<hbm>>) target(%dma_start3A_541 : memref<96x128xi32, #tpu.memory_space<vmem>>) target_semaphore(%arg10 : memref<!tpu.dma_semaphore, #tpu.memory_space<semaphore_mem>>)
    %add3A_544 = arith.constant 256 : i32
    %add3A_545 = arith.addi %mul3A_2, %add3A_544 : i32
    %dma_wait3A_546 = arith.constant 0 : i32
    %dma_wait3A_547 = arith.constant 0 : i32
    %dma_wait3A_548 = tpu.memref_slice %arg7[%dma_wait3A_546, %dma_wait3A_547] : memref<104x128xi32, #tpu.memory_space<vmem>> -> memref<104x128xi32, #tpu.memory_space<vmem>>
    %dma_wait3A_549 = arith.constant 96 : i32
    %dma_wait3A_550 = tpu.memref_slice %arg3[%dma_wait3A_549, %add3A_545] : memref<200x16384xi32, #tpu.memory_space<hbm>> -> memref<104x128xi32, #tpu.memory_space<hbm>>
    %dma_wait3A_551 = arith.constant 0 : i32
    %dma_wait3A_552 = arith.constant 0 : i32
    %dma_wait3A_553 = tpu.memref_slice %arg7[%dma_wait3A_551, %dma_wait3A_552] : memref<104x128xi32, #tpu.memory_space<vmem>> -> memref<104x128xi32, #tpu.memory_space<vmem>>
    %dma_wait3A_554 = arith.constant 96 : i32
    %dma_wait3A_555 = tpu.memref_slice %arg3[%dma_wait3A_554, %add3A_545] : memref<200x16384xi32, #tpu.memory_space<hbm>> -> memref<104x128xi32, #tpu.memory_space<hbm>>
    tpu.wait_dma2 semaphore(%arg11 : memref<!tpu.dma_semaphore, #tpu.memory_space<semaphore_mem>>) src(%dma_wait3A_555 : memref<104x128xi32, #tpu.memory_space<hbm>>) dst(%dma_wait3A_553 : memref<104x128xi32, #tpu.memory_space<vmem>>)
    %parallel_loop3A_556 = arith.constant 0 : i32
    %parallel_loop3A_557 = arith.constant 104 : i32
    %parallel_loop3A_558 = arith.constant 1 : i32
    %parallel_loop3A_559:8 = scf.for %parallel_loop3A_988 = %parallel_loop3A_556 to %parallel_loop3A_557 step %parallel_loop3A_558 iter_args(%parallel_loop3A_989 = %parallel_loop3A_531#0, %parallel_loop3A_990 = %parallel_loop3A_531#1, %parallel_loop3A_991 = %parallel_loop3A_531#2, %parallel_loop3A_992 = %parallel_loop3A_531#3, %parallel_loop3A_993 = %parallel_loop3A_531#4, %parallel_loop3A_994 = %parallel_loop3A_531#5, %parallel_loop3A_995 = %parallel_loop3A_531#6, %parallel_loop3A_996 = %parallel_loop3A_531#7) -> (vector<16xf32>, vector<16xf32>, vector<16xf32>, vector<16xf32>, vector<16xf32>, vector<16xf32>, vector<16xf32>, vector<16xf32>)  : i32 {
      %parallel_loop3A_997 = arith.index_cast %parallel_loop3A_988 : i32 to index
      %parallel_loop3A_998 = arith.constant 0 : index
      %parallel_loop3A_999 = tpu.vector_load %arg7[%parallel_loop3A_997, %parallel_loop3A_998] {strides = array<i32>} : memref<104x128xi32, #tpu.memory_space<vmem>>, vector<16xi32>,
      %parallel_loop3A_1000 = tpu.vector_load_idx %arg5[%parallel_loop3A_999] : memref<100000xf32, #tpu.memory_space<vmem>>[vector<16xi32>], vector<16xf32>,
      %parallel_loop3A_1001 = arith.addf %parallel_loop3A_989, %parallel_loop3A_1000 : vector<16xf32>
      %parallel_loop3A_1002 = arith.index_cast %parallel_loop3A_988 : i32 to index
      %parallel_loop3A_1003 = arith.constant 16 : index
      %parallel_loop3A_1004 = tpu.vector_load %arg7[%parallel_loop3A_1002, %parallel_loop3A_1003] {strides = array<i32>} : memref<104x128xi32, #tpu.memory_space<vmem>>, vector<16xi32>,
      %parallel_loop3A_1005 = tpu.vector_load_idx %arg5[%parallel_loop3A_1004] : memref<100000xf32, #tpu.memory_space<vmem>>[vector<16xi32>], vector<16xf32>,
      %parallel_loop3A_1006 = arith.addf %parallel_loop3A_990, %parallel_loop3A_1005 : vector<16xf32>
      %parallel_loop3A_1007 = arith.index_cast %parallel_loop3A_988 : i32 to index
      %parallel_loop3A_1008 = arith.constant 32 : index
      %parallel_loop3A_1009 = tpu.vector_load %arg7[%parallel_loop3A_1007, %parallel_loop3A_1008] {strides = array<i32>} : memref<104x128xi32, #tpu.memory_space<vmem>>, vector<16xi32>,
      %parallel_loop3A_1010 = tpu.vector_load_idx %arg5[%parallel_loop3A_1009] : memref<100000xf32, #tpu.memory_space<vmem>>[vector<16xi32>], vector<16xf32>,
      %parallel_loop3A_1011 = arith.addf %parallel_loop3A_991, %parallel_loop3A_1010 : vector<16xf32>
      %parallel_loop3A_1012 = arith.index_cast %parallel_loop3A_988 : i32 to index
      %parallel_loop3A_1013 = arith.constant 48 : index
      %parallel_loop3A_1014 = tpu.vector_load %arg7[%parallel_loop3A_1012, %parallel_loop3A_1013] {strides = array<i32>} : memref<104x128xi32, #tpu.memory_space<vmem>>, vector<16xi32>,
      %parallel_loop3A_1015 = tpu.vector_load_idx %arg5[%parallel_loop3A_1014] : memref<100000xf32, #tpu.memory_space<vmem>>[vector<16xi32>], vector<16xf32>,
      %parallel_loop3A_1016 = arith.addf %parallel_loop3A_992, %parallel_loop3A_1015 : vector<16xf32>
      %parallel_loop3A_1017 = arith.index_cast %parallel_loop3A_988 : i32 to index
      %parallel_loop3A_1018 = arith.constant 64 : index
      %parallel_loop3A_1019 = tpu.vector_load %arg7[%parallel_loop3A_1017, %parallel_loop3A_1018] {strides = array<i32>} : memref<104x128xi32, #tpu.memory_space<vmem>>, vector<16xi32>,
      %parallel_loop3A_1020 = tpu.vector_load_idx %arg5[%parallel_loop3A_1019] : memref<100000xf32, #tpu.memory_space<vmem>>[vector<16xi32>], vector<16xf32>,
      %parallel_loop3A_1021 = arith.addf %parallel_loop3A_993, %parallel_loop3A_1020 : vector<16xf32>
      %parallel_loop3A_1022 = arith.index_cast %parallel_loop3A_988 : i32 to index
      %parallel_loop3A_1023 = arith.constant 80 : index
      %parallel_loop3A_1024 = tpu.vector_load %arg7[%parallel_loop3A_1022, %parallel_loop3A_1023] {strides = array<i32>} : memref<104x128xi32, #tpu.memory_space<vmem>>, vector<16xi32>,
      %parallel_loop3A_1025 = tpu.vector_load_idx %arg5[%parallel_loop3A_1024] : memref<100000xf32, #tpu.memory_space<vmem>>[vector<16xi32>], vector<16xf32>,
      %parallel_loop3A_1026 = arith.addf %parallel_loop3A_994, %parallel_loop3A_1025 : vector<16xf32>
      %parallel_loop3A_1027 = arith.index_cast %parallel_loop3A_988 : i32 to index
      %parallel_loop3A_1028 = arith.constant 96 : index
      %parallel_loop3A_1029 = tpu.vector_load %arg7[%parallel_loop3A_1027, %parallel_loop3A_1028] {strides = array<i32>} : memref<104x128xi32, #tpu.memory_space<vmem>>, vector<16xi32>,
      %parallel_loop3A_1030 = tpu.vector_load_idx %arg5[%parallel_loop3A_1029] : memref<100000xf32, #tpu.memory_space<vmem>>[vector<16xi32>], vector<16xf32>,
      %parallel_loop3A_1031 = arith.addf %parallel_loop3A_995, %parallel_loop3A_1030 : vector<16xf32>
      %parallel_loop3A_1032 = arith.index_cast %parallel_loop3A_988 : i32 to index
      %parallel_loop3A_1033 = arith.constant 112 : index
      %parallel_loop3A_1034 = tpu.vector_load %arg7[%parallel_loop3A_1032, %parallel_loop3A_1033] {strides = array<i32>} : memref<104x128xi32, #tpu.memory_space<vmem>>, vector<16xi32>,
      %parallel_loop3A_1035 = tpu.vector_load_idx %arg5[%parallel_loop3A_1034] : memref<100000xf32, #tpu.memory_space<vmem>>[vector<16xi32>], vector<16xf32>,
      %parallel_loop3A_1036 = arith.addf %parallel_loop3A_996, %parallel_loop3A_1035 : vector<16xf32>
      scf.yield %parallel_loop3A_1001, %parallel_loop3A_1006, %parallel_loop3A_1011, %parallel_loop3A_1016, %parallel_loop3A_1021, %parallel_loop3A_1026, %parallel_loop3A_1031, %parallel_loop3A_1036 : vector<16xf32>, vector<16xf32>, vector<16xf32>, vector<16xf32>, vector<16xf32>, vector<16xf32>, vector<16xf32>, vector<16xf32>
    } {sc.loop_unroll_factor = 2 : i64, sc.parallel_access}
    %add3A_560 = arith.constant 384 : i32
    %add3A_561 = arith.addi %mul3A_2, %add3A_560 : i32
    %dma_start3A_562 = arith.constant 0 : i32
    %dma_start3A_563 = arith.constant 0 : i32
    %dma_start3A_564 = tpu.memref_slice %arg7[%dma_start3A_562, %dma_start3A_563] : memref<104x128xi32, #tpu.memory_space<vmem>> -> memref<104x128xi32, #tpu.memory_space<vmem>>
    %dma_start3A_565 = arith.constant 96 : i32
    %dma_start3A_566 = tpu.memref_slice %arg3[%dma_start3A_565, %add3A_561] : memref<200x16384xi32, #tpu.memory_space<hbm>> -> memref<104x128xi32, #tpu.memory_space<hbm>>
    %dma_start3A_567 = arith.constant 0 : i32
    %dma_start3A_568 = arith.constant 0 : i32
    %dma_start3A_569 = tpu.memref_slice %arg7[%dma_start3A_567, %dma_start3A_568] : memref<104x128xi32, #tpu.memory_space<vmem>> -> memref<104x128xi32, #tpu.memory_space<vmem>>
    %dma_start3A_570 = arith.constant 96 : i32
    %dma_start3A_571 = tpu.memref_slice %arg3[%dma_start3A_570, %add3A_561] : memref<200x16384xi32, #tpu.memory_space<hbm>> -> memref<104x128xi32, #tpu.memory_space<hbm>>
    tpu.enqueue_dma source(%dma_start3A_571 : memref<104x128xi32, #tpu.memory_space<hbm>>) target(%dma_start3A_569 : memref<104x128xi32, #tpu.memory_space<vmem>>) target_semaphore(%arg11 : memref<!tpu.dma_semaphore, #tpu.memory_space<semaphore_mem>>)
    %neg3A_572 = arith.constant 0.000000e+00 : f32
    %neg3A_573 = vector.broadcast %neg3A_572 : f32 to vector<16xf32>
    %neg3A_574 = arith.subf %neg3A_573, %parallel_loop3A_559#0 : vector<16xf32>
    %exp3A_575 = math.exp %neg3A_574 : vector<16xf32>
    %add3A_576 = arith.constant 1.000000e+00 : f32
    %add3A_577 = vector.broadcast %add3A_576 : f32 to vector<16xf32>
    %add3A_578 = arith.addf %add3A_577, %exp3A_575 : vector<16xf32>
    %div3A_579 = arith.constant 1.000000e+00 : f32
    %div3A_580 = vector.broadcast %div3A_579 : f32 to vector<16xf32>
    %div3A_581 = arith.divf %div3A_580, %add3A_578 : vector<16xf32>
    %mul3A_582 = arith.constant 1.000000e+04 : f32
    %mul3A_583 = vector.broadcast %mul3A_582 : f32 to vector<16xf32>
    %mul3A_584 = arith.mulf %div3A_581, %mul3A_583 : vector<16xf32>
    %add3A_585 = arith.constant 0x4B400000 : f32
    %add3A_586 = vector.broadcast %add3A_585 : f32 to vector<16xf32>
    %add3A_587 = arith.addf %mul3A_584, %add3A_586 : vector<16xf32>
    %sub3A_588 = arith.constant 0x4B400000 : f32
    %sub3A_589 = vector.broadcast %sub3A_588 : f32 to vector<16xf32>
    %sub3A_590 = arith.subf %add3A_587, %sub3A_589 : vector<16xf32>
    %mul3A_591 = arith.constant 9.99999974E-5 : f32
    %mul3A_592 = vector.broadcast %mul3A_591 : f32 to vector<16xf32>
    %mul3A_593 = arith.mulf %sub3A_590, %mul3A_592 : vector<16xf32>
    %swap3A_594 = arith.constant 256 : index
    %swap3A_595 = tpu.vector_load %arg8[%swap3A_594] {strides = array<i32>} : memref<512xf32, #tpu.memory_space<vmem>>, vector<16xf32>,
    tpu.vector_store %arg8[%swap3A_594], %mul3A_593 {strides = array<i32>} : memref<512xf32, #tpu.memory_space<vmem>>, vector<16xf32>,
    %neg3A_596 = arith.constant 0.000000e+00 : f32
    %neg3A_597 = vector.broadcast %neg3A_596 : f32 to vector<16xf32>
    %neg3A_598 = arith.subf %neg3A_597, %parallel_loop3A_559#1 : vector<16xf32>
    %exp3A_599 = math.exp %neg3A_598 : vector<16xf32>
    %add3A_600 = arith.constant 1.000000e+00 : f32
    %add3A_601 = vector.broadcast %add3A_600 : f32 to vector<16xf32>
    %add3A_602 = arith.addf %add3A_601, %exp3A_599 : vector<16xf32>
    %div3A_603 = arith.constant 1.000000e+00 : f32
    %div3A_604 = vector.broadcast %div3A_603 : f32 to vector<16xf32>
    %div3A_605 = arith.divf %div3A_604, %add3A_602 : vector<16xf32>
    %mul3A_606 = arith.constant 1.000000e+04 : f32
    %mul3A_607 = vector.broadcast %mul3A_606 : f32 to vector<16xf32>
    %mul3A_608 = arith.mulf %div3A_605, %mul3A_607 : vector<16xf32>
    %add3A_609 = arith.constant 0x4B400000 : f32
    %add3A_610 = vector.broadcast %add3A_609 : f32 to vector<16xf32>
    %add3A_611 = arith.addf %mul3A_608, %add3A_610 : vector<16xf32>
    %sub3A_612 = arith.constant 0x4B400000 : f32
    %sub3A_613 = vector.broadcast %sub3A_612 : f32 to vector<16xf32>
    %sub3A_614 = arith.subf %add3A_611, %sub3A_613 : vector<16xf32>
    %mul3A_615 = arith.constant 9.99999974E-5 : f32
    %mul3A_616 = vector.broadcast %mul3A_615 : f32 to vector<16xf32>
    %mul3A_617 = arith.mulf %sub3A_614, %mul3A_616 : vector<16xf32>
    %swap3A_618 = arith.constant 272 : index
    %swap3A_619 = tpu.vector_load %arg8[%swap3A_618] {strides = array<i32>} : memref<512xf32, #tpu.memory_space<vmem>>, vector<16xf32>,
    tpu.vector_store %arg8[%swap3A_618], %mul3A_617 {strides = array<i32>} : memref<512xf32, #tpu.memory_space<vmem>>, vector<16xf32>,
    %neg3A_620 = arith.constant 0.000000e+00 : f32
    %neg3A_621 = vector.broadcast %neg3A_620 : f32 to vector<16xf32>
    %neg3A_622 = arith.subf %neg3A_621, %parallel_loop3A_559#2 : vector<16xf32>
    %exp3A_623 = math.exp %neg3A_622 : vector<16xf32>
    %add3A_624 = arith.constant 1.000000e+00 : f32
    %add3A_625 = vector.broadcast %add3A_624 : f32 to vector<16xf32>
    %add3A_626 = arith.addf %add3A_625, %exp3A_623 : vector<16xf32>
    %div3A_627 = arith.constant 1.000000e+00 : f32
    %div3A_628 = vector.broadcast %div3A_627 : f32 to vector<16xf32>
    %div3A_629 = arith.divf %div3A_628, %add3A_626 : vector<16xf32>
    %mul3A_630 = arith.constant 1.000000e+04 : f32
    %mul3A_631 = vector.broadcast %mul3A_630 : f32 to vector<16xf32>
    %mul3A_632 = arith.mulf %div3A_629, %mul3A_631 : vector<16xf32>
    %add3A_633 = arith.constant 0x4B400000 : f32
    %add3A_634 = vector.broadcast %add3A_633 : f32 to vector<16xf32>
    %add3A_635 = arith.addf %mul3A_632, %add3A_634 : vector<16xf32>
    %sub3A_636 = arith.constant 0x4B400000 : f32
    %sub3A_637 = vector.broadcast %sub3A_636 : f32 to vector<16xf32>
    %sub3A_638 = arith.subf %add3A_635, %sub3A_637 : vector<16xf32>
    %mul3A_639 = arith.constant 9.99999974E-5 : f32
    %mul3A_640 = vector.broadcast %mul3A_639 : f32 to vector<16xf32>
    %mul3A_641 = arith.mulf %sub3A_638, %mul3A_640 : vector<16xf32>
    %swap3A_642 = arith.constant 288 : index
    %swap3A_643 = tpu.vector_load %arg8[%swap3A_642] {strides = array<i32>} : memref<512xf32, #tpu.memory_space<vmem>>, vector<16xf32>,
    tpu.vector_store %arg8[%swap3A_642], %mul3A_641 {strides = array<i32>} : memref<512xf32, #tpu.memory_space<vmem>>, vector<16xf32>,
    %neg3A_644 = arith.constant 0.000000e+00 : f32
    %neg3A_645 = vector.broadcast %neg3A_644 : f32 to vector<16xf32>
    %neg3A_646 = arith.subf %neg3A_645, %parallel_loop3A_559#3 : vector<16xf32>
    %exp3A_647 = math.exp %neg3A_646 : vector<16xf32>
    %add3A_648 = arith.constant 1.000000e+00 : f32
    %add3A_649 = vector.broadcast %add3A_648 : f32 to vector<16xf32>
    %add3A_650 = arith.addf %add3A_649, %exp3A_647 : vector<16xf32>
    %div3A_651 = arith.constant 1.000000e+00 : f32
    %div3A_652 = vector.broadcast %div3A_651 : f32 to vector<16xf32>
    %div3A_653 = arith.divf %div3A_652, %add3A_650 : vector<16xf32>
    %mul3A_654 = arith.constant 1.000000e+04 : f32
    %mul3A_655 = vector.broadcast %mul3A_654 : f32 to vector<16xf32>
    %mul3A_656 = arith.mulf %div3A_653, %mul3A_655 : vector<16xf32>
    %add3A_657 = arith.constant 0x4B400000 : f32
    %add3A_658 = vector.broadcast %add3A_657 : f32 to vector<16xf32>
    %add3A_659 = arith.addf %mul3A_656, %add3A_658 : vector<16xf32>
    %sub3A_660 = arith.constant 0x4B400000 : f32
    %sub3A_661 = vector.broadcast %sub3A_660 : f32 to vector<16xf32>
    %sub3A_662 = arith.subf %add3A_659, %sub3A_661 : vector<16xf32>
    %mul3A_663 = arith.constant 9.99999974E-5 : f32
    %mul3A_664 = vector.broadcast %mul3A_663 : f32 to vector<16xf32>
    %mul3A_665 = arith.mulf %sub3A_662, %mul3A_664 : vector<16xf32>
    %swap3A_666 = arith.constant 304 : index
    %swap3A_667 = tpu.vector_load %arg8[%swap3A_666] {strides = array<i32>} : memref<512xf32, #tpu.memory_space<vmem>>, vector<16xf32>,
    tpu.vector_store %arg8[%swap3A_666], %mul3A_665 {strides = array<i32>} : memref<512xf32, #tpu.memory_space<vmem>>, vector<16xf32>,
    %neg3A_668 = arith.constant 0.000000e+00 : f32
    %neg3A_669 = vector.broadcast %neg3A_668 : f32 to vector<16xf32>
    %neg3A_670 = arith.subf %neg3A_669, %parallel_loop3A_559#4 : vector<16xf32>
    %exp3A_671 = math.exp %neg3A_670 : vector<16xf32>
    %add3A_672 = arith.constant 1.000000e+00 : f32
    %add3A_673 = vector.broadcast %add3A_672 : f32 to vector<16xf32>
    %add3A_674 = arith.addf %add3A_673, %exp3A_671 : vector<16xf32>
    %div3A_675 = arith.constant 1.000000e+00 : f32
    %div3A_676 = vector.broadcast %div3A_675 : f32 to vector<16xf32>
    %div3A_677 = arith.divf %div3A_676, %add3A_674 : vector<16xf32>
    %mul3A_678 = arith.constant 1.000000e+04 : f32
    %mul3A_679 = vector.broadcast %mul3A_678 : f32 to vector<16xf32>
    %mul3A_680 = arith.mulf %div3A_677, %mul3A_679 : vector<16xf32>
    %add3A_681 = arith.constant 0x4B400000 : f32
    %add3A_682 = vector.broadcast %add3A_681 : f32 to vector<16xf32>
    %add3A_683 = arith.addf %mul3A_680, %add3A_682 : vector<16xf32>
    %sub3A_684 = arith.constant 0x4B400000 : f32
    %sub3A_685 = vector.broadcast %sub3A_684 : f32 to vector<16xf32>
    %sub3A_686 = arith.subf %add3A_683, %sub3A_685 : vector<16xf32>
    %mul3A_687 = arith.constant 9.99999974E-5 : f32
    %mul3A_688 = vector.broadcast %mul3A_687 : f32 to vector<16xf32>
    %mul3A_689 = arith.mulf %sub3A_686, %mul3A_688 : vector<16xf32>
    %swap3A_690 = arith.constant 320 : index
    %swap3A_691 = tpu.vector_load %arg8[%swap3A_690] {strides = array<i32>} : memref<512xf32, #tpu.memory_space<vmem>>, vector<16xf32>,
    tpu.vector_store %arg8[%swap3A_690], %mul3A_689 {strides = array<i32>} : memref<512xf32, #tpu.memory_space<vmem>>, vector<16xf32>,
    %neg3A_692 = arith.constant 0.000000e+00 : f32
    %neg3A_693 = vector.broadcast %neg3A_692 : f32 to vector<16xf32>
    %neg3A_694 = arith.subf %neg3A_693, %parallel_loop3A_559#5 : vector<16xf32>
    %exp3A_695 = math.exp %neg3A_694 : vector<16xf32>
    %add3A_696 = arith.constant 1.000000e+00 : f32
    %add3A_697 = vector.broadcast %add3A_696 : f32 to vector<16xf32>
    %add3A_698 = arith.addf %add3A_697, %exp3A_695 : vector<16xf32>
    %div3A_699 = arith.constant 1.000000e+00 : f32
    %div3A_700 = vector.broadcast %div3A_699 : f32 to vector<16xf32>
    %div3A_701 = arith.divf %div3A_700, %add3A_698 : vector<16xf32>
    %mul3A_702 = arith.constant 1.000000e+04 : f32
    %mul3A_703 = vector.broadcast %mul3A_702 : f32 to vector<16xf32>
    %mul3A_704 = arith.mulf %div3A_701, %mul3A_703 : vector<16xf32>
    %add3A_705 = arith.constant 0x4B400000 : f32
    %add3A_706 = vector.broadcast %add3A_705 : f32 to vector<16xf32>
    %add3A_707 = arith.addf %mul3A_704, %add3A_706 : vector<16xf32>
    %sub3A_708 = arith.constant 0x4B400000 : f32
    %sub3A_709 = vector.broadcast %sub3A_708 : f32 to vector<16xf32>
    %sub3A_710 = arith.subf %add3A_707, %sub3A_709 : vector<16xf32>
    %mul3A_711 = arith.constant 9.99999974E-5 : f32
    %mul3A_712 = vector.broadcast %mul3A_711 : f32 to vector<16xf32>
    %mul3A_713 = arith.mulf %sub3A_710, %mul3A_712 : vector<16xf32>
    %swap3A_714 = arith.constant 336 : index
    %swap3A_715 = tpu.vector_load %arg8[%swap3A_714] {strides = array<i32>} : memref<512xf32, #tpu.memory_space<vmem>>, vector<16xf32>,
    tpu.vector_store %arg8[%swap3A_714], %mul3A_713 {strides = array<i32>} : memref<512xf32, #tpu.memory_space<vmem>>, vector<16xf32>,
    %neg3A_716 = arith.constant 0.000000e+00 : f32
    %neg3A_717 = vector.broadcast %neg3A_716 : f32 to vector<16xf32>
    %neg3A_718 = arith.subf %neg3A_717, %parallel_loop3A_559#6 : vector<16xf32>
    %exp3A_719 = math.exp %neg3A_718 : vector<16xf32>
    %add3A_720 = arith.constant 1.000000e+00 : f32
    %add3A_721 = vector.broadcast %add3A_720 : f32 to vector<16xf32>
    %add3A_722 = arith.addf %add3A_721, %exp3A_719 : vector<16xf32>
    %div3A_723 = arith.constant 1.000000e+00 : f32
    %div3A_724 = vector.broadcast %div3A_723 : f32 to vector<16xf32>
    %div3A_725 = arith.divf %div3A_724, %add3A_722 : vector<16xf32>
    %mul3A_726 = arith.constant 1.000000e+04 : f32
    %mul3A_727 = vector.broadcast %mul3A_726 : f32 to vector<16xf32>
    %mul3A_728 = arith.mulf %div3A_725, %mul3A_727 : vector<16xf32>
    %add3A_729 = arith.constant 0x4B400000 : f32
    %add3A_730 = vector.broadcast %add3A_729 : f32 to vector<16xf32>
    %add3A_731 = arith.addf %mul3A_728, %add3A_730 : vector<16xf32>
    %sub3A_732 = arith.constant 0x4B400000 : f32
    %sub3A_733 = vector.broadcast %sub3A_732 : f32 to vector<16xf32>
    %sub3A_734 = arith.subf %add3A_731, %sub3A_733 : vector<16xf32>
    %mul3A_735 = arith.constant 9.99999974E-5 : f32
    %mul3A_736 = vector.broadcast %mul3A_735 : f32 to vector<16xf32>
    %mul3A_737 = arith.mulf %sub3A_734, %mul3A_736 : vector<16xf32>
    %swap3A_738 = arith.constant 352 : index
    %swap3A_739 = tpu.vector_load %arg8[%swap3A_738] {strides = array<i32>} : memref<512xf32, #tpu.memory_space<vmem>>, vector<16xf32>,
    tpu.vector_store %arg8[%swap3A_738], %mul3A_737 {strides = array<i32>} : memref<512xf32, #tpu.memory_space<vmem>>, vector<16xf32>,
    %neg3A_740 = arith.constant 0.000000e+00 : f32
    %neg3A_741 = vector.broadcast %neg3A_740 : f32 to vector<16xf32>
    %neg3A_742 = arith.subf %neg3A_741, %parallel_loop3A_559#7 : vector<16xf32>
    %exp3A_743 = math.exp %neg3A_742 : vector<16xf32>
    %add3A_744 = arith.constant 1.000000e+00 : f32
    %add3A_745 = vector.broadcast %add3A_744 : f32 to vector<16xf32>
    %add3A_746 = arith.addf %add3A_745, %exp3A_743 : vector<16xf32>
    %div3A_747 = arith.constant 1.000000e+00 : f32
    %div3A_748 = vector.broadcast %div3A_747 : f32 to vector<16xf32>
    %div3A_749 = arith.divf %div3A_748, %add3A_746 : vector<16xf32>
    %mul3A_750 = arith.constant 1.000000e+04 : f32
    %mul3A_751 = vector.broadcast %mul3A_750 : f32 to vector<16xf32>
    %mul3A_752 = arith.mulf %div3A_749, %mul3A_751 : vector<16xf32>
    %add3A_753 = arith.constant 0x4B400000 : f32
    %add3A_754 = vector.broadcast %add3A_753 : f32 to vector<16xf32>
    %add3A_755 = arith.addf %mul3A_752, %add3A_754 : vector<16xf32>
    %sub3A_756 = arith.constant 0x4B400000 : f32
    %sub3A_757 = vector.broadcast %sub3A_756 : f32 to vector<16xf32>
    %sub3A_758 = arith.subf %add3A_755, %sub3A_757 : vector<16xf32>
    %mul3A_759 = arith.constant 9.99999974E-5 : f32
    %mul3A_760 = vector.broadcast %mul3A_759 : f32 to vector<16xf32>
    %mul3A_761 = arith.mulf %sub3A_758, %mul3A_760 : vector<16xf32>
    %swap3A_762 = arith.constant 368 : index
    %swap3A_763 = tpu.vector_load %arg8[%swap3A_762] {strides = array<i32>} : memref<512xf32, #tpu.memory_space<vmem>>, vector<16xf32>,
    tpu.vector_store %arg8[%swap3A_762], %mul3A_761 {strides = array<i32>} : memref<512xf32, #tpu.memory_space<vmem>>, vector<16xf32>,
    %add3A_764 = arith.constant 384 : i32
    %add3A_765 = arith.addi %mul3A_2, %add3A_764 : i32
    %dma_wait3A_766 = arith.constant 0 : i32
    %dma_wait3A_767 = arith.constant 0 : i32
    %dma_wait3A_768 = tpu.memref_slice %arg6[%dma_wait3A_766, %dma_wait3A_767] : memref<104x128xi32, #tpu.memory_space<vmem>> -> memref<96x128xi32, #tpu.memory_space<vmem>>
    %dma_wait3A_769 = arith.constant 0 : i32
    %dma_wait3A_770 = tpu.memref_slice %arg3[%dma_wait3A_769, %add3A_765] : memref<200x16384xi32, #tpu.memory_space<hbm>> -> memref<96x128xi32, #tpu.memory_space<hbm>>
    %dma_wait3A_771 = arith.constant 0 : i32
    %dma_wait3A_772 = arith.constant 0 : i32
    %dma_wait3A_773 = tpu.memref_slice %arg6[%dma_wait3A_771, %dma_wait3A_772] : memref<104x128xi32, #tpu.memory_space<vmem>> -> memref<96x128xi32, #tpu.memory_space<vmem>>
    %dma_wait3A_774 = arith.constant 0 : i32
    %dma_wait3A_775 = tpu.memref_slice %arg3[%dma_wait3A_774, %add3A_765] : memref<200x16384xi32, #tpu.memory_space<hbm>> -> memref<96x128xi32, #tpu.memory_space<hbm>>
    tpu.wait_dma2 semaphore(%arg10 : memref<!tpu.dma_semaphore, #tpu.memory_space<semaphore_mem>>) src(%dma_wait3A_775 : memref<96x128xi32, #tpu.memory_space<hbm>>) dst(%dma_wait3A_773 : memref<96x128xi32, #tpu.memory_space<vmem>>)
    %parallel_loop3A_776 = arith.constant 0 : i32
    %parallel_loop3A_777 = arith.constant 96 : i32
    %parallel_loop3A_778 = arith.constant 1 : i32
    %parallel_loop3A_779:8 = scf.for %parallel_loop3A_988 = %parallel_loop3A_776 to %parallel_loop3A_777 step %parallel_loop3A_778 iter_args(%parallel_loop3A_989 = %broadcast_in_dim3A_26, %parallel_loop3A_990 = %broadcast_in_dim3A_26, %parallel_loop3A_991 = %broadcast_in_dim3A_26, %parallel_loop3A_992 = %broadcast_in_dim3A_26, %parallel_loop3A_993 = %broadcast_in_dim3A_26, %parallel_loop3A_994 = %broadcast_in_dim3A_26, %parallel_loop3A_995 = %broadcast_in_dim3A_26, %parallel_loop3A_996 = %broadcast_in_dim3A_26) -> (vector<16xf32>, vector<16xf32>, vector<16xf32>, vector<16xf32>, vector<16xf32>, vector<16xf32>, vector<16xf32>, vector<16xf32>)  : i32 {
      %parallel_loop3A_997 = arith.index_cast %parallel_loop3A_988 : i32 to index
      %parallel_loop3A_998 = arith.constant 0 : index
      %parallel_loop3A_999 = tpu.vector_load %arg6[%parallel_loop3A_997, %parallel_loop3A_998] {strides = array<i32>} : memref<104x128xi32, #tpu.memory_space<vmem>>, vector<16xi32>,
      %parallel_loop3A_1000 = tpu.vector_load_idx %arg5[%parallel_loop3A_999] : memref<100000xf32, #tpu.memory_space<vmem>>[vector<16xi32>], vector<16xf32>,
      %parallel_loop3A_1001 = arith.addf %parallel_loop3A_989, %parallel_loop3A_1000 : vector<16xf32>
      %parallel_loop3A_1002 = arith.index_cast %parallel_loop3A_988 : i32 to index
      %parallel_loop3A_1003 = arith.constant 16 : index
      %parallel_loop3A_1004 = tpu.vector_load %arg6[%parallel_loop3A_1002, %parallel_loop3A_1003] {strides = array<i32>} : memref<104x128xi32, #tpu.memory_space<vmem>>, vector<16xi32>,
      %parallel_loop3A_1005 = tpu.vector_load_idx %arg5[%parallel_loop3A_1004] : memref<100000xf32, #tpu.memory_space<vmem>>[vector<16xi32>], vector<16xf32>,
      %parallel_loop3A_1006 = arith.addf %parallel_loop3A_990, %parallel_loop3A_1005 : vector<16xf32>
      %parallel_loop3A_1007 = arith.index_cast %parallel_loop3A_988 : i32 to index
      %parallel_loop3A_1008 = arith.constant 32 : index
      %parallel_loop3A_1009 = tpu.vector_load %arg6[%parallel_loop3A_1007, %parallel_loop3A_1008] {strides = array<i32>} : memref<104x128xi32, #tpu.memory_space<vmem>>, vector<16xi32>,
      %parallel_loop3A_1010 = tpu.vector_load_idx %arg5[%parallel_loop3A_1009] : memref<100000xf32, #tpu.memory_space<vmem>>[vector<16xi32>], vector<16xf32>,
      %parallel_loop3A_1011 = arith.addf %parallel_loop3A_991, %parallel_loop3A_1010 : vector<16xf32>
      %parallel_loop3A_1012 = arith.index_cast %parallel_loop3A_988 : i32 to index
      %parallel_loop3A_1013 = arith.constant 48 : index
      %parallel_loop3A_1014 = tpu.vector_load %arg6[%parallel_loop3A_1012, %parallel_loop3A_1013] {strides = array<i32>} : memref<104x128xi32, #tpu.memory_space<vmem>>, vector<16xi32>,
      %parallel_loop3A_1015 = tpu.vector_load_idx %arg5[%parallel_loop3A_1014] : memref<100000xf32, #tpu.memory_space<vmem>>[vector<16xi32>], vector<16xf32>,
      %parallel_loop3A_1016 = arith.addf %parallel_loop3A_992, %parallel_loop3A_1015 : vector<16xf32>
      %parallel_loop3A_1017 = arith.index_cast %parallel_loop3A_988 : i32 to index
      %parallel_loop3A_1018 = arith.constant 64 : index
      %parallel_loop3A_1019 = tpu.vector_load %arg6[%parallel_loop3A_1017, %parallel_loop3A_1018] {strides = array<i32>} : memref<104x128xi32, #tpu.memory_space<vmem>>, vector<16xi32>,
      %parallel_loop3A_1020 = tpu.vector_load_idx %arg5[%parallel_loop3A_1019] : memref<100000xf32, #tpu.memory_space<vmem>>[vector<16xi32>], vector<16xf32>,
      %parallel_loop3A_1021 = arith.addf %parallel_loop3A_993, %parallel_loop3A_1020 : vector<16xf32>
      %parallel_loop3A_1022 = arith.index_cast %parallel_loop3A_988 : i32 to index
      %parallel_loop3A_1023 = arith.constant 80 : index
      %parallel_loop3A_1024 = tpu.vector_load %arg6[%parallel_loop3A_1022, %parallel_loop3A_1023] {strides = array<i32>} : memref<104x128xi32, #tpu.memory_space<vmem>>, vector<16xi32>,
      %parallel_loop3A_1025 = tpu.vector_load_idx %arg5[%parallel_loop3A_1024] : memref<100000xf32, #tpu.memory_space<vmem>>[vector<16xi32>], vector<16xf32>,
      %parallel_loop3A_1026 = arith.addf %parallel_loop3A_994, %parallel_loop3A_1025 : vector<16xf32>
      %parallel_loop3A_1027 = arith.index_cast %parallel_loop3A_988 : i32 to index
      %parallel_loop3A_1028 = arith.constant 96 : index
      %parallel_loop3A_1029 = tpu.vector_load %arg6[%parallel_loop3A_1027, %parallel_loop3A_1028] {strides = array<i32>} : memref<104x128xi32, #tpu.memory_space<vmem>>, vector<16xi32>,
      %parallel_loop3A_1030 = tpu.vector_load_idx %arg5[%parallel_loop3A_1029] : memref<100000xf32, #tpu.memory_space<vmem>>[vector<16xi32>], vector<16xf32>,
      %parallel_loop3A_1031 = arith.addf %parallel_loop3A_995, %parallel_loop3A_1030 : vector<16xf32>
      %parallel_loop3A_1032 = arith.index_cast %parallel_loop3A_988 : i32 to index
      %parallel_loop3A_1033 = arith.constant 112 : index
      %parallel_loop3A_1034 = tpu.vector_load %arg6[%parallel_loop3A_1032, %parallel_loop3A_1033] {strides = array<i32>} : memref<104x128xi32, #tpu.memory_space<vmem>>, vector<16xi32>,
      %parallel_loop3A_1035 = tpu.vector_load_idx %arg5[%parallel_loop3A_1034] : memref<100000xf32, #tpu.memory_space<vmem>>[vector<16xi32>], vector<16xf32>,
      %parallel_loop3A_1036 = arith.addf %parallel_loop3A_996, %parallel_loop3A_1035 : vector<16xf32>
      scf.yield %parallel_loop3A_1001, %parallel_loop3A_1006, %parallel_loop3A_1011, %parallel_loop3A_1016, %parallel_loop3A_1021, %parallel_loop3A_1026, %parallel_loop3A_1031, %parallel_loop3A_1036 : vector<16xf32>, vector<16xf32>, vector<16xf32>, vector<16xf32>, vector<16xf32>, vector<16xf32>, vector<16xf32>, vector<16xf32>
    } {sc.loop_unroll_factor = 2 : i64, sc.parallel_access}
    %add3A_780 = arith.constant 384 : i32
    %add3A_781 = arith.addi %mul3A_2, %add3A_780 : i32
    %dma_wait3A_782 = arith.constant 0 : i32
    %dma_wait3A_783 = arith.constant 0 : i32
    %dma_wait3A_784 = tpu.memref_slice %arg7[%dma_wait3A_782, %dma_wait3A_783] : memref<104x128xi32, #tpu.memory_space<vmem>> -> memref<104x128xi32, #tpu.memory_space<vmem>>
    %dma_wait3A_785 = arith.constant 96 : i32
    %dma_wait3A_786 = tpu.memref_slice %arg3[%dma_wait3A_785, %add3A_781] : memref<200x16384xi32, #tpu.memory_space<hbm>> -> memref<104x128xi32, #tpu.memory_space<hbm>>
    %dma_wait3A_787 = arith.constant 0 : i32
    %dma_wait3A_788 = arith.constant 0 : i32
    %dma_wait3A_789 = tpu.memref_slice %arg7[%dma_wait3A_787, %dma_wait3A_788] : memref<104x128xi32, #tpu.memory_space<vmem>> -> memref<104x128xi32, #tpu.memory_space<vmem>>
    %dma_wait3A_790 = arith.constant 96 : i32
    %dma_wait3A_791 = tpu.memref_slice %arg3[%dma_wait3A_790, %add3A_781] : memref<200x16384xi32, #tpu.memory_space<hbm>> -> memref<104x128xi32, #tpu.memory_space<hbm>>
    tpu.wait_dma2 semaphore(%arg11 : memref<!tpu.dma_semaphore, #tpu.memory_space<semaphore_mem>>) src(%dma_wait3A_791 : memref<104x128xi32, #tpu.memory_space<hbm>>) dst(%dma_wait3A_789 : memref<104x128xi32, #tpu.memory_space<vmem>>)
    %parallel_loop3A_792 = arith.constant 0 : i32
    %parallel_loop3A_793 = arith.constant 104 : i32
    %parallel_loop3A_794 = arith.constant 1 : i32
    %parallel_loop3A_795:8 = scf.for %parallel_loop3A_988 = %parallel_loop3A_792 to %parallel_loop3A_793 step %parallel_loop3A_794 iter_args(%parallel_loop3A_989 = %parallel_loop3A_779#0, %parallel_loop3A_990 = %parallel_loop3A_779#1, %parallel_loop3A_991 = %parallel_loop3A_779#2, %parallel_loop3A_992 = %parallel_loop3A_779#3, %parallel_loop3A_993 = %parallel_loop3A_779#4, %parallel_loop3A_994 = %parallel_loop3A_779#5, %parallel_loop3A_995 = %parallel_loop3A_779#6, %parallel_loop3A_996 = %parallel_loop3A_779#7) -> (vector<16xf32>, vector<16xf32>, vector<16xf32>, vector<16xf32>, vector<16xf32>, vector<16xf32>, vector<16xf32>, vector<16xf32>)  : i32 {
      %parallel_loop3A_997 = arith.index_cast %parallel_loop3A_988 : i32 to index
      %parallel_loop3A_998 = arith.constant 0 : index
      %parallel_loop3A_999 = tpu.vector_load %arg7[%parallel_loop3A_997, %parallel_loop3A_998] {strides = array<i32>} : memref<104x128xi32, #tpu.memory_space<vmem>>, vector<16xi32>,
      %parallel_loop3A_1000 = tpu.vector_load_idx %arg5[%parallel_loop3A_999] : memref<100000xf32, #tpu.memory_space<vmem>>[vector<16xi32>], vector<16xf32>,
      %parallel_loop3A_1001 = arith.addf %parallel_loop3A_989, %parallel_loop3A_1000 : vector<16xf32>
      %parallel_loop3A_1002 = arith.index_cast %parallel_loop3A_988 : i32 to index
      %parallel_loop3A_1003 = arith.constant 16 : index
      %parallel_loop3A_1004 = tpu.vector_load %arg7[%parallel_loop3A_1002, %parallel_loop3A_1003] {strides = array<i32>} : memref<104x128xi32, #tpu.memory_space<vmem>>, vector<16xi32>,
      %parallel_loop3A_1005 = tpu.vector_load_idx %arg5[%parallel_loop3A_1004] : memref<100000xf32, #tpu.memory_space<vmem>>[vector<16xi32>], vector<16xf32>,
      %parallel_loop3A_1006 = arith.addf %parallel_loop3A_990, %parallel_loop3A_1005 : vector<16xf32>
      %parallel_loop3A_1007 = arith.index_cast %parallel_loop3A_988 : i32 to index
      %parallel_loop3A_1008 = arith.constant 32 : index
      %parallel_loop3A_1009 = tpu.vector_load %arg7[%parallel_loop3A_1007, %parallel_loop3A_1008] {strides = array<i32>} : memref<104x128xi32, #tpu.memory_space<vmem>>, vector<16xi32>,
      %parallel_loop3A_1010 = tpu.vector_load_idx %arg5[%parallel_loop3A_1009] : memref<100000xf32, #tpu.memory_space<vmem>>[vector<16xi32>], vector<16xf32>,
      %parallel_loop3A_1011 = arith.addf %parallel_loop3A_991, %parallel_loop3A_1010 : vector<16xf32>
      %parallel_loop3A_1012 = arith.index_cast %parallel_loop3A_988 : i32 to index
      %parallel_loop3A_1013 = arith.constant 48 : index
      %parallel_loop3A_1014 = tpu.vector_load %arg7[%parallel_loop3A_1012, %parallel_loop3A_1013] {strides = array<i32>} : memref<104x128xi32, #tpu.memory_space<vmem>>, vector<16xi32>,
      %parallel_loop3A_1015 = tpu.vector_load_idx %arg5[%parallel_loop3A_1014] : memref<100000xf32, #tpu.memory_space<vmem>>[vector<16xi32>], vector<16xf32>,
      %parallel_loop3A_1016 = arith.addf %parallel_loop3A_992, %parallel_loop3A_1015 : vector<16xf32>
      %parallel_loop3A_1017 = arith.index_cast %parallel_loop3A_988 : i32 to index
      %parallel_loop3A_1018 = arith.constant 64 : index
      %parallel_loop3A_1019 = tpu.vector_load %arg7[%parallel_loop3A_1017, %parallel_loop3A_1018] {strides = array<i32>} : memref<104x128xi32, #tpu.memory_space<vmem>>, vector<16xi32>,
      %parallel_loop3A_1020 = tpu.vector_load_idx %arg5[%parallel_loop3A_1019] : memref<100000xf32, #tpu.memory_space<vmem>>[vector<16xi32>], vector<16xf32>,
      %parallel_loop3A_1021 = arith.addf %parallel_loop3A_993, %parallel_loop3A_1020 : vector<16xf32>
      %parallel_loop3A_1022 = arith.index_cast %parallel_loop3A_988 : i32 to index
      %parallel_loop3A_1023 = arith.constant 80 : index
      %parallel_loop3A_1024 = tpu.vector_load %arg7[%parallel_loop3A_1022, %parallel_loop3A_1023] {strides = array<i32>} : memref<104x128xi32, #tpu.memory_space<vmem>>, vector<16xi32>,
      %parallel_loop3A_1025 = tpu.vector_load_idx %arg5[%parallel_loop3A_1024] : memref<100000xf32, #tpu.memory_space<vmem>>[vector<16xi32>], vector<16xf32>,
      %parallel_loop3A_1026 = arith.addf %parallel_loop3A_994, %parallel_loop3A_1025 : vector<16xf32>
      %parallel_loop3A_1027 = arith.index_cast %parallel_loop3A_988 : i32 to index
      %parallel_loop3A_1028 = arith.constant 96 : index
      %parallel_loop3A_1029 = tpu.vector_load %arg7[%parallel_loop3A_1027, %parallel_loop3A_1028] {strides = array<i32>} : memref<104x128xi32, #tpu.memory_space<vmem>>, vector<16xi32>,
      %parallel_loop3A_1030 = tpu.vector_load_idx %arg5[%parallel_loop3A_1029] : memref<100000xf32, #tpu.memory_space<vmem>>[vector<16xi32>], vector<16xf32>,
      %parallel_loop3A_1031 = arith.addf %parallel_loop3A_995, %parallel_loop3A_1030 : vector<16xf32>
      %parallel_loop3A_1032 = arith.index_cast %parallel_loop3A_988 : i32 to index
      %parallel_loop3A_1033 = arith.constant 112 : index
      %parallel_loop3A_1034 = tpu.vector_load %arg7[%parallel_loop3A_1032, %parallel_loop3A_1033] {strides = array<i32>} : memref<104x128xi32, #tpu.memory_space<vmem>>, vector<16xi32>,
      %parallel_loop3A_1035 = tpu.vector_load_idx %arg5[%parallel_loop3A_1034] : memref<100000xf32, #tpu.memory_space<vmem>>[vector<16xi32>], vector<16xf32>,
      %parallel_loop3A_1036 = arith.addf %parallel_loop3A_996, %parallel_loop3A_1035 : vector<16xf32>
      scf.yield %parallel_loop3A_1001, %parallel_loop3A_1006, %parallel_loop3A_1011, %parallel_loop3A_1016, %parallel_loop3A_1021, %parallel_loop3A_1026, %parallel_loop3A_1031, %parallel_loop3A_1036 : vector<16xf32>, vector<16xf32>, vector<16xf32>, vector<16xf32>, vector<16xf32>, vector<16xf32>, vector<16xf32>, vector<16xf32>
    } {sc.loop_unroll_factor = 2 : i64, sc.parallel_access}
    %neg3A_796 = arith.constant 0.000000e+00 : f32
    %neg3A_797 = vector.broadcast %neg3A_796 : f32 to vector<16xf32>
    %neg3A_798 = arith.subf %neg3A_797, %parallel_loop3A_795#0 : vector<16xf32>
    %exp3A_799 = math.exp %neg3A_798 : vector<16xf32>
    %add3A_800 = arith.constant 1.000000e+00 : f32
    %add3A_801 = vector.broadcast %add3A_800 : f32 to vector<16xf32>
    %add3A_802 = arith.addf %add3A_801, %exp3A_799 : vector<16xf32>
    %div3A_803 = arith.constant 1.000000e+00 : f32
    %div3A_804 = vector.broadcast %div3A_803 : f32 to vector<16xf32>
    %div3A_805 = arith.divf %div3A_804, %add3A_802 : vector<16xf32>
    %mul3A_806 = arith.constant 1.000000e+04 : f32
    %mul3A_807 = vector.broadcast %mul3A_806 : f32 to vector<16xf32>
    %mul3A_808 = arith.mulf %div3A_805, %mul3A_807 : vector<16xf32>
    %add3A_809 = arith.constant 0x4B400000 : f32
    %add3A_810 = vector.broadcast %add3A_809 : f32 to vector<16xf32>
    %add3A_811 = arith.addf %mul3A_808, %add3A_810 : vector<16xf32>
    %sub3A_812 = arith.constant 0x4B400000 : f32
    %sub3A_813 = vector.broadcast %sub3A_812 : f32 to vector<16xf32>
    %sub3A_814 = arith.subf %add3A_811, %sub3A_813 : vector<16xf32>
    %mul3A_815 = arith.constant 9.99999974E-5 : f32
    %mul3A_816 = vector.broadcast %mul3A_815 : f32 to vector<16xf32>
    %mul3A_817 = arith.mulf %sub3A_814, %mul3A_816 : vector<16xf32>
    %swap3A_818 = arith.constant 384 : index
    %swap3A_819 = tpu.vector_load %arg8[%swap3A_818] {strides = array<i32>} : memref<512xf32, #tpu.memory_space<vmem>>, vector<16xf32>,
    tpu.vector_store %arg8[%swap3A_818], %mul3A_817 {strides = array<i32>} : memref<512xf32, #tpu.memory_space<vmem>>, vector<16xf32>,
    %neg3A_820 = arith.constant 0.000000e+00 : f32
    %neg3A_821 = vector.broadcast %neg3A_820 : f32 to vector<16xf32>
    %neg3A_822 = arith.subf %neg3A_821, %parallel_loop3A_795#1 : vector<16xf32>
    %exp3A_823 = math.exp %neg3A_822 : vector<16xf32>
    %add3A_824 = arith.constant 1.000000e+00 : f32
    %add3A_825 = vector.broadcast %add3A_824 : f32 to vector<16xf32>
    %add3A_826 = arith.addf %add3A_825, %exp3A_823 : vector<16xf32>
    %div3A_827 = arith.constant 1.000000e+00 : f32
    %div3A_828 = vector.broadcast %div3A_827 : f32 to vector<16xf32>
    %div3A_829 = arith.divf %div3A_828, %add3A_826 : vector<16xf32>
    %mul3A_830 = arith.constant 1.000000e+04 : f32
    %mul3A_831 = vector.broadcast %mul3A_830 : f32 to vector<16xf32>
    %mul3A_832 = arith.mulf %div3A_829, %mul3A_831 : vector<16xf32>
    %add3A_833 = arith.constant 0x4B400000 : f32
    %add3A_834 = vector.broadcast %add3A_833 : f32 to vector<16xf32>
    %add3A_835 = arith.addf %mul3A_832, %add3A_834 : vector<16xf32>
    %sub3A_836 = arith.constant 0x4B400000 : f32
    %sub3A_837 = vector.broadcast %sub3A_836 : f32 to vector<16xf32>
    %sub3A_838 = arith.subf %add3A_835, %sub3A_837 : vector<16xf32>
    %mul3A_839 = arith.constant 9.99999974E-5 : f32
    %mul3A_840 = vector.broadcast %mul3A_839 : f32 to vector<16xf32>
    %mul3A_841 = arith.mulf %sub3A_838, %mul3A_840 : vector<16xf32>
    %swap3A_842 = arith.constant 400 : index
    %swap3A_843 = tpu.vector_load %arg8[%swap3A_842] {strides = array<i32>} : memref<512xf32, #tpu.memory_space<vmem>>, vector<16xf32>,
    tpu.vector_store %arg8[%swap3A_842], %mul3A_841 {strides = array<i32>} : memref<512xf32, #tpu.memory_space<vmem>>, vector<16xf32>,
    %neg3A_844 = arith.constant 0.000000e+00 : f32
    %neg3A_845 = vector.broadcast %neg3A_844 : f32 to vector<16xf32>
    %neg3A_846 = arith.subf %neg3A_845, %parallel_loop3A_795#2 : vector<16xf32>
    %exp3A_847 = math.exp %neg3A_846 : vector<16xf32>
    %add3A_848 = arith.constant 1.000000e+00 : f32
    %add3A_849 = vector.broadcast %add3A_848 : f32 to vector<16xf32>
    %add3A_850 = arith.addf %add3A_849, %exp3A_847 : vector<16xf32>
    %div3A_851 = arith.constant 1.000000e+00 : f32
    %div3A_852 = vector.broadcast %div3A_851 : f32 to vector<16xf32>
    %div3A_853 = arith.divf %div3A_852, %add3A_850 : vector<16xf32>
    %mul3A_854 = arith.constant 1.000000e+04 : f32
    %mul3A_855 = vector.broadcast %mul3A_854 : f32 to vector<16xf32>
    %mul3A_856 = arith.mulf %div3A_853, %mul3A_855 : vector<16xf32>
    %add3A_857 = arith.constant 0x4B400000 : f32
    %add3A_858 = vector.broadcast %add3A_857 : f32 to vector<16xf32>
    %add3A_859 = arith.addf %mul3A_856, %add3A_858 : vector<16xf32>
    %sub3A_860 = arith.constant 0x4B400000 : f32
    %sub3A_861 = vector.broadcast %sub3A_860 : f32 to vector<16xf32>
    %sub3A_862 = arith.subf %add3A_859, %sub3A_861 : vector<16xf32>
    %mul3A_863 = arith.constant 9.99999974E-5 : f32
    %mul3A_864 = vector.broadcast %mul3A_863 : f32 to vector<16xf32>
    %mul3A_865 = arith.mulf %sub3A_862, %mul3A_864 : vector<16xf32>
    %swap3A_866 = arith.constant 416 : index
    %swap3A_867 = tpu.vector_load %arg8[%swap3A_866] {strides = array<i32>} : memref<512xf32, #tpu.memory_space<vmem>>, vector<16xf32>,
    tpu.vector_store %arg8[%swap3A_866], %mul3A_865 {strides = array<i32>} : memref<512xf32, #tpu.memory_space<vmem>>, vector<16xf32>,
    %neg3A_868 = arith.constant 0.000000e+00 : f32
    %neg3A_869 = vector.broadcast %neg3A_868 : f32 to vector<16xf32>
    %neg3A_870 = arith.subf %neg3A_869, %parallel_loop3A_795#3 : vector<16xf32>
    %exp3A_871 = math.exp %neg3A_870 : vector<16xf32>
    %add3A_872 = arith.constant 1.000000e+00 : f32
    %add3A_873 = vector.broadcast %add3A_872 : f32 to vector<16xf32>
    %add3A_874 = arith.addf %add3A_873, %exp3A_871 : vector<16xf32>
    %div3A_875 = arith.constant 1.000000e+00 : f32
    %div3A_876 = vector.broadcast %div3A_875 : f32 to vector<16xf32>
    %div3A_877 = arith.divf %div3A_876, %add3A_874 : vector<16xf32>
    %mul3A_878 = arith.constant 1.000000e+04 : f32
    %mul3A_879 = vector.broadcast %mul3A_878 : f32 to vector<16xf32>
    %mul3A_880 = arith.mulf %div3A_877, %mul3A_879 : vector<16xf32>
    %add3A_881 = arith.constant 0x4B400000 : f32
    %add3A_882 = vector.broadcast %add3A_881 : f32 to vector<16xf32>
    %add3A_883 = arith.addf %mul3A_880, %add3A_882 : vector<16xf32>
    %sub3A_884 = arith.constant 0x4B400000 : f32
    %sub3A_885 = vector.broadcast %sub3A_884 : f32 to vector<16xf32>
    %sub3A_886 = arith.subf %add3A_883, %sub3A_885 : vector<16xf32>
    %mul3A_887 = arith.constant 9.99999974E-5 : f32
    %mul3A_888 = vector.broadcast %mul3A_887 : f32 to vector<16xf32>
    %mul3A_889 = arith.mulf %sub3A_886, %mul3A_888 : vector<16xf32>
    %swap3A_890 = arith.constant 432 : index
    %swap3A_891 = tpu.vector_load %arg8[%swap3A_890] {strides = array<i32>} : memref<512xf32, #tpu.memory_space<vmem>>, vector<16xf32>,
    tpu.vector_store %arg8[%swap3A_890], %mul3A_889 {strides = array<i32>} : memref<512xf32, #tpu.memory_space<vmem>>, vector<16xf32>,
    %neg3A_892 = arith.constant 0.000000e+00 : f32
    %neg3A_893 = vector.broadcast %neg3A_892 : f32 to vector<16xf32>
    %neg3A_894 = arith.subf %neg3A_893, %parallel_loop3A_795#4 : vector<16xf32>
    %exp3A_895 = math.exp %neg3A_894 : vector<16xf32>
    %add3A_896 = arith.constant 1.000000e+00 : f32
    %add3A_897 = vector.broadcast %add3A_896 : f32 to vector<16xf32>
    %add3A_898 = arith.addf %add3A_897, %exp3A_895 : vector<16xf32>
    %div3A_899 = arith.constant 1.000000e+00 : f32
    %div3A_900 = vector.broadcast %div3A_899 : f32 to vector<16xf32>
    %div3A_901 = arith.divf %div3A_900, %add3A_898 : vector<16xf32>
    %mul3A_902 = arith.constant 1.000000e+04 : f32
    %mul3A_903 = vector.broadcast %mul3A_902 : f32 to vector<16xf32>
    %mul3A_904 = arith.mulf %div3A_901, %mul3A_903 : vector<16xf32>
    %add3A_905 = arith.constant 0x4B400000 : f32
    %add3A_906 = vector.broadcast %add3A_905 : f32 to vector<16xf32>
    %add3A_907 = arith.addf %mul3A_904, %add3A_906 : vector<16xf32>
    %sub3A_908 = arith.constant 0x4B400000 : f32
    %sub3A_909 = vector.broadcast %sub3A_908 : f32 to vector<16xf32>
    %sub3A_910 = arith.subf %add3A_907, %sub3A_909 : vector<16xf32>
    %mul3A_911 = arith.constant 9.99999974E-5 : f32
    %mul3A_912 = vector.broadcast %mul3A_911 : f32 to vector<16xf32>
    %mul3A_913 = arith.mulf %sub3A_910, %mul3A_912 : vector<16xf32>
    %swap3A_914 = arith.constant 448 : index
    %swap3A_915 = tpu.vector_load %arg8[%swap3A_914] {strides = array<i32>} : memref<512xf32, #tpu.memory_space<vmem>>, vector<16xf32>,
    tpu.vector_store %arg8[%swap3A_914], %mul3A_913 {strides = array<i32>} : memref<512xf32, #tpu.memory_space<vmem>>, vector<16xf32>,
    %neg3A_916 = arith.constant 0.000000e+00 : f32
    %neg3A_917 = vector.broadcast %neg3A_916 : f32 to vector<16xf32>
    %neg3A_918 = arith.subf %neg3A_917, %parallel_loop3A_795#5 : vector<16xf32>
    %exp3A_919 = math.exp %neg3A_918 : vector<16xf32>
    %add3A_920 = arith.constant 1.000000e+00 : f32
    %add3A_921 = vector.broadcast %add3A_920 : f32 to vector<16xf32>
    %add3A_922 = arith.addf %add3A_921, %exp3A_919 : vector<16xf32>
    %div3A_923 = arith.constant 1.000000e+00 : f32
    %div3A_924 = vector.broadcast %div3A_923 : f32 to vector<16xf32>
    %div3A_925 = arith.divf %div3A_924, %add3A_922 : vector<16xf32>
    %mul3A_926 = arith.constant 1.000000e+04 : f32
    %mul3A_927 = vector.broadcast %mul3A_926 : f32 to vector<16xf32>
    %mul3A_928 = arith.mulf %div3A_925, %mul3A_927 : vector<16xf32>
    %add3A_929 = arith.constant 0x4B400000 : f32
    %add3A_930 = vector.broadcast %add3A_929 : f32 to vector<16xf32>
    %add3A_931 = arith.addf %mul3A_928, %add3A_930 : vector<16xf32>
    %sub3A_932 = arith.constant 0x4B400000 : f32
    %sub3A_933 = vector.broadcast %sub3A_932 : f32 to vector<16xf32>
    %sub3A_934 = arith.subf %add3A_931, %sub3A_933 : vector<16xf32>
    %mul3A_935 = arith.constant 9.99999974E-5 : f32
    %mul3A_936 = vector.broadcast %mul3A_935 : f32 to vector<16xf32>
    %mul3A_937 = arith.mulf %sub3A_934, %mul3A_936 : vector<16xf32>
    %swap3A_938 = arith.constant 464 : index
    %swap3A_939 = tpu.vector_load %arg8[%swap3A_938] {strides = array<i32>} : memref<512xf32, #tpu.memory_space<vmem>>, vector<16xf32>,
    tpu.vector_store %arg8[%swap3A_938], %mul3A_937 {strides = array<i32>} : memref<512xf32, #tpu.memory_space<vmem>>, vector<16xf32>,
    %neg3A_940 = arith.constant 0.000000e+00 : f32
    %neg3A_941 = vector.broadcast %neg3A_940 : f32 to vector<16xf32>
    %neg3A_942 = arith.subf %neg3A_941, %parallel_loop3A_795#6 : vector<16xf32>
    %exp3A_943 = math.exp %neg3A_942 : vector<16xf32>
    %add3A_944 = arith.constant 1.000000e+00 : f32
    %add3A_945 = vector.broadcast %add3A_944 : f32 to vector<16xf32>
    %add3A_946 = arith.addf %add3A_945, %exp3A_943 : vector<16xf32>
    %div3A_947 = arith.constant 1.000000e+00 : f32
    %div3A_948 = vector.broadcast %div3A_947 : f32 to vector<16xf32>
    %div3A_949 = arith.divf %div3A_948, %add3A_946 : vector<16xf32>
    %mul3A_950 = arith.constant 1.000000e+04 : f32
    %mul3A_951 = vector.broadcast %mul3A_950 : f32 to vector<16xf32>
    %mul3A_952 = arith.mulf %div3A_949, %mul3A_951 : vector<16xf32>
    %add3A_953 = arith.constant 0x4B400000 : f32
    %add3A_954 = vector.broadcast %add3A_953 : f32 to vector<16xf32>
    %add3A_955 = arith.addf %mul3A_952, %add3A_954 : vector<16xf32>
    %sub3A_956 = arith.constant 0x4B400000 : f32
    %sub3A_957 = vector.broadcast %sub3A_956 : f32 to vector<16xf32>
    %sub3A_958 = arith.subf %add3A_955, %sub3A_957 : vector<16xf32>
    %mul3A_959 = arith.constant 9.99999974E-5 : f32
    %mul3A_960 = vector.broadcast %mul3A_959 : f32 to vector<16xf32>
    %mul3A_961 = arith.mulf %sub3A_958, %mul3A_960 : vector<16xf32>
    %swap3A_962 = arith.constant 480 : index
    %swap3A_963 = tpu.vector_load %arg8[%swap3A_962] {strides = array<i32>} : memref<512xf32, #tpu.memory_space<vmem>>, vector<16xf32>,
    tpu.vector_store %arg8[%swap3A_962], %mul3A_961 {strides = array<i32>} : memref<512xf32, #tpu.memory_space<vmem>>, vector<16xf32>,
    %neg3A_964 = arith.constant 0.000000e+00 : f32
    %neg3A_965 = vector.broadcast %neg3A_964 : f32 to vector<16xf32>
    %neg3A_966 = arith.subf %neg3A_965, %parallel_loop3A_795#7 : vector<16xf32>
    %exp3A_967 = math.exp %neg3A_966 : vector<16xf32>
    %add3A_968 = arith.constant 1.000000e+00 : f32
    %add3A_969 = vector.broadcast %add3A_968 : f32 to vector<16xf32>
    %add3A_970 = arith.addf %add3A_969, %exp3A_967 : vector<16xf32>
    %div3A_971 = arith.constant 1.000000e+00 : f32
    %div3A_972 = vector.broadcast %div3A_971 : f32 to vector<16xf32>
    %div3A_973 = arith.divf %div3A_972, %add3A_970 : vector<16xf32>
    %mul3A_974 = arith.constant 1.000000e+04 : f32
    %mul3A_975 = vector.broadcast %mul3A_974 : f32 to vector<16xf32>
    %mul3A_976 = arith.mulf %div3A_973, %mul3A_975 : vector<16xf32>
    %add3A_977 = arith.constant 0x4B400000 : f32
    %add3A_978 = vector.broadcast %add3A_977 : f32 to vector<16xf32>
    %add3A_979 = arith.addf %mul3A_976, %add3A_978 : vector<16xf32>
    %sub3A_980 = arith.constant 0x4B400000 : f32
    %sub3A_981 = vector.broadcast %sub3A_980 : f32 to vector<16xf32>
    %sub3A_982 = arith.subf %add3A_979, %sub3A_981 : vector<16xf32>
    %mul3A_983 = arith.constant 9.99999974E-5 : f32
    %mul3A_984 = vector.broadcast %mul3A_983 : f32 to vector<16xf32>
    %mul3A_985 = arith.mulf %sub3A_982, %mul3A_984 : vector<16xf32>
    %swap3A_986 = arith.constant 496 : index
    %swap3A_987 = tpu.vector_load %arg8[%swap3A_986] {strides = array<i32>} : memref<512xf32, #tpu.memory_space<vmem>>, vector<16xf32>,
    tpu.vector_store %arg8[%swap3A_986], %mul3A_985 {strides = array<i32>} : memref<512xf32, #tpu.memory_space<vmem>>, vector<16xf32>,
    "tpu.region"() ({
      %run_scoped3A = tpu.sem_alloc : memref<!tpu.dma_semaphore, #tpu.memory_space<semaphore_mem>>
      %dma_start3A_988 = tpu.memref_slice %arg4[%mul3A_2] : memref<16384xf32, #tpu.memory_space<hbm>> -> memref<512xf32, #tpu.memory_space<hbm>>
      %dma_start3A_989 = tpu.memref_slice %arg4[%mul3A_2] : memref<16384xf32, #tpu.memory_space<hbm>> -> memref<512xf32, #tpu.memory_space<hbm>>
      tpu.enqueue_dma source(%arg8 : memref<512xf32, #tpu.memory_space<vmem>>) target(%dma_start3A_989 : memref<512xf32, #tpu.memory_space<hbm>>) target_semaphore(%run_scoped3A : memref<!tpu.dma_semaphore, #tpu.memory_space<semaphore_mem>>)
      %dma_wait3A_990 = tpu.memref_slice %arg4[%mul3A_2] : memref<16384xf32, #tpu.memory_space<hbm>> -> memref<512xf32, #tpu.memory_space<hbm>>
      %dma_wait3A_991 = tpu.memref_slice %arg4[%mul3A_2] : memref<16384xf32, #tpu.memory_space<hbm>> -> memref<512xf32, #tpu.memory_space<hbm>>
      tpu.wait_dma2 semaphore(%run_scoped3A : memref<!tpu.dma_semaphore, #tpu.memory_space<semaphore_mem>>) src(%arg8 : memref<512xf32, #tpu.memory_space<vmem>>) dst(%dma_wait3A_991 : memref<512xf32, #tpu.memory_space<hbm>>)
      tpu.yield
    }) : () -> ()
    return
  }
}

module attributes {stable_mosaic.version = 14 : i64} {
  func.func @_tw_tc_kernel(%arg0: i32, %arg1: memref<8x100000xf32, #tpu.memory_space<vmem>>, %arg2: memref<8x1xf32, #tpu.memory_space<vmem>>, %arg3: memref<1xf32, #tpu.memory_space<vmem>>, %arg4: memref<100000xf32, #tpu.memory_space<vmem>>) attributes {dimension_semantics = [#tpu.dimension_semantics<arbitrary>], iteration_bounds = array<i64: 2>, scalar_prefetch = 0 : i64, scratch_operands = 0 : i64, tpu.core_type = #tpu.core_type<tc>, window_params = [{transform_indices = @transform_0, window_bounds = array<i64: 8, 100000>}, {transform_indices = @transform_1, window_bounds = array<i64: 8, 1>}, {pipeline_mode = #tpu.pipeline_mode<synchronous>, transform_indices = @transform_2, window_bounds = array<i64: 1>}, {pipeline_mode = #tpu.pipeline_mode<synchronous>, transform_indices = @transform_3, window_bounds = array<i64: 100000>}]} {
    %get3A = arith.constant 0 : index
    %get3A_0 = arith.constant 0 : index
    %get3A_1 = vector.load %arg1[%get3A, %get3A_0] : memref<8x100000xf32, #tpu.memory_space<vmem>>, vector<8x100000xf32>
    %get3A_2 = arith.constant 0 : index
    %get3A_3 = arith.constant 0 : index
    %get3A_4 = vector.load %arg2[%get3A_2, %get3A_3] : memref<8x1xf32, #tpu.memory_space<vmem>>, vector<8x1xf32>
    %mul3A = vector.broadcast %get3A_4 : vector<8x1xf32> to vector<8x100000xf32>
    %mul3A_5 = arith.mulf %get3A_1, %mul3A : vector<8x100000xf32>
    %reduce_sum3A = arith.constant dense<0.000000e+00> : vector<100000xf32>
    %reduce_sum3A_6 = vector.multi_reduction <add>, %mul3A_5, %reduce_sum3A [0] : vector<8x100000xf32> to vector<100000xf32>
    %eq3A = arith.constant 0 : i32
    %eq3A_7 = arith.cmpi eq, %arg0, %eq3A : i32
    %convert_element_type3A = arith.extui %eq3A_7 : i1 to i32
    %cond3A = arith.constant 0 : i32
    %cond3A_8 = arith.cmpi ne, %convert_element_type3A, %cond3A : i32
    scf.if %cond3A_8 {
      %swap3A = arith.constant 0 : index
      %swap3A_13 = vector.load %arg4[%swap3A] : memref<100000xf32, #tpu.memory_space<vmem>>, vector<100000xf32>
      tpu.vector_store %arg4[%swap3A], %reduce_sum3A_6 {strides = array<i32>} : memref<100000xf32, #tpu.memory_space<vmem>>, vector<100000xf32>,
    } else {
    }
    %ne3A = arith.constant 0 : i32
    %ne3A_9 = arith.cmpi ne, %arg0, %ne3A : i32
    %convert_element_type3A_10 = arith.extui %ne3A_9 : i1 to i32
    %cond3A_11 = arith.constant 0 : i32
    %cond3A_12 = arith.cmpi ne, %convert_element_type3A_10, %cond3A_11 : i32
    scf.if %cond3A_12 {
      %get3A_13 = arith.constant 0 : index
      %get3A_14 = vector.load %arg4[%get3A_13] : memref<100000xf32, #tpu.memory_space<vmem>>, vector<100000xf32>
      %add3A = arith.addf %get3A_14, %reduce_sum3A_6 : vector<100000xf32>
      %get3A_15 = arith.constant 0 : index
      %get3A_16 = vector.load %arg3[%get3A_15] : memref<1xf32, #tpu.memory_space<vmem>>, vector<1xf32>
      %get3A_17 = vector.extract %get3A_16[0] : f32 from vector<1xf32>
      %add3A_18 = vector.broadcast %get3A_17 : f32 to vector<100000xf32>
      %add3A_19 = arith.addf %add3A, %add3A_18 : vector<100000xf32>
      %mul3A_20 = arith.constant 5.000000e-03 : f32
      %mul3A_21 = vector.broadcast %mul3A_20 : f32 to vector<100000xf32>
      %mul3A_22 = arith.mulf %add3A_19, %mul3A_21 : vector<100000xf32>
      %swap3A = arith.constant 0 : index
      %swap3A_23 = vector.load %arg4[%swap3A] : memref<100000xf32, #tpu.memory_space<vmem>>, vector<100000xf32>
      tpu.vector_store %arg4[%swap3A], %mul3A_22 {strides = array<i32>} : memref<100000xf32, #tpu.memory_space<vmem>>, vector<100000xf32>,
    } else {
    }
    return
  }
  func.func @transform_0(%arg0: i32) -> (i32, i32) {
    %c0_i32 = arith.constant 0 : i32
    %c0_i32_0 = arith.constant 0 : i32
    return %arg0, %c0_i32 : i32, i32
  }
  func.func @transform_1(%arg0: i32) -> (i32, i32) {
    %c0_i32 = arith.constant 0 : i32
    %c0_i32_0 = arith.constant 0 : i32
    return %arg0, %c0_i32 : i32, i32
  }
  func.func @transform_2(%arg0: i32) -> i32 {
    %c0_i32 = arith.constant 0 : i32
    %c0_i32_0 = arith.constant 0 : i32
    return %c0_i32 : i32
  }
  func.func @transform_3(%arg0: i32) -> i32 {
    %c0_i32 = arith.constant 0 : i32
    %c0_i32_0 = arith.constant 0 : i32
    return %c0_i32 : i32
  }
}

</mosaic_0001>

<sc_bundles>
// kernel: kernel.4.cloned.1.call-start
scs
__scs_entry_jumppad:
0x0: {  	(pc) =	sbr.rel $0x88, $3  }
0x1: {  	(tag) =	ssettag $0x0;
	lr =	simm.s32 $0x1  }
0x2: {  	[smem:$0x3F9D] =	sst lr;
	_ =	strace $0xD0000000  }
0x3: {  	_ = 	snop  }
0x4: {  	_ = 	snop  }
0x5: {  	_ = 	snop  }
0x6: {  	_ = 	snop  }
0x7: {  	_ = 	snop  }
__scs_overlays_trampoline_lowered:
0x8: {  	[smem:$0x3FAC] =	sst s0  }
0x9: {  	[smem:$0x3FAD] =	sst s1  }
0xa: {  	[smem:$0x3FAE] =	sst s2  }
0xb: {  	[smem:$0x3FAF] =	sst s3  }
0xc: {  	[smem:$0x3FB0] =	sst s4  }
0xd: {  	[smem:$0x3FB1] =	sst s5  }
0xe: {  	[smem:$0x3FB2] =	sst s6  }
0xf: {  	[smem:$0x3FB3] =	sst s7  }
0x10: {  	[smem:$0x3FB4] =	sst s8  }
0x11: {  	[smem:$0x3FB5] =	sst s9;
	s0 =	simm.s32 @!p0 $0x0  }
0x12: {  	s1 =	sld [smem:$0x3F9B];
	s0 =	simm.s32 @p0 $0x1  }
0x13: {  	[smem:$0x3FB6] =	sst s0;
	s0 =	simm.s32 @!p1 $0x0  }
0x14: {  	s2 =	sld [smem:$0x3F9A];
	s0 =	simm.s32 @p1 $0x1  }
0x15: {  	[smem:$0x3FB7] =	sst s0;
	s0 =	simm.s32 @!p2 $0x0  }
0x16: {  	s3 =	sld [smem:$0x3FDB];
	s0 =	simm.s32 @p2 $0x1  }
0x17: {  	s4 =	simm.s32 $0x1BF5;
	[smem:$0x3FB9] =	sst s0  }
0x18: {  	s0 =	sld [smem:$0x3F9C];
	_ =	swait.ge [sflag:s4], $0x0  }
0x19: {  	s7 =	sld [smem:$0x3F9D]  }
0x1a: {  	s8 =	sadd.s32 $0xFFFFE003, lr  }
0x1b: {  	s9 =	sadd.s32 $0xFFFFFEF7, lr;
	s5 =	simm.s32 $0xFFFFFFFF;
	p2 =	slt.u32 s8, $0xFFFFF086  }
0x1c: {  	p1 =	slt.u32 s9, $0xF7A;
	s5 =	simm.s32 @!p2 $0x0  }
0x1d: {  	s5 =	simm.s32 @p1 $0x1;
	p0 =	seq.s32 s7, s2  }
0x1e: {  	s7 =	smul.u32 @!p0 $0xF7A, s2;
	p2 =	seq.s32 @!p0 s5, $0x0  }
0x1f: {  	s9 =	smul.u32 $0xF7A, s1;
	s8 =	simm.s32 @!p0 $0x1BF5;
	p2 =	por !p2, p0  }
0x20: {  	[sflag:s8] =	ssyncset.s32 @!p0 $0xFFFFF086;
	s6 =	sadd.s32 @!p0 s3, s7;
	s7 =	simm.s32 @!p0 $0x108  }
0x21: {  	s3 =	sadd.s32 s3, s9;
	s6 =	sadd.s32 @!p0 $0x88, s6;
	s7 =	simm.s32 @p2 $0x1082  }
0x22: {  	[simem:s7], [sflag:s8] =	dma.local @!p0 [hbm:s6], $0xF7A  }
0x23: {  	s9 =	sor.u32 $0xD0000000, s2;
	s6 =	simm.s32 $0x108;
	_ =	swait.ge @!p0 [sflag:s8], $0x0  }
0x24: {  	s3 =	sadd.s32 $0x88, s3;
	s6 =	simm.s32 @!p1 $0x1082;
	[sflag:s4] =	ssyncset.s32 $0xFFFFF086  }
0x25: {  	[simem:s6], [sflag:s4] =	dma.local [hbm:s3], $0xF7A  }
0x26: {  	[smem:$0x3F9D] =	sst s1;
	(tag) =	ssettag s2;
	_ =	strace s9  }
0x27: {  	s1 =	sld [smem:$0x3FAD]  }
0x28: {  	s2 =	sld [smem:$0x3FAE]  }
0x29: {  	s4 =	sld [smem:$0x3FB0]  }
0x2a: {  	p0 =	seq.s32 s5, $0x0;
	s5 =	sld [smem:$0x3FB1]  }
0x2b: {  	s6 =	sld [smem:$0x3FB2]  }
0x2c: {  	s7 =	sld [smem:$0x3FB3]  }
0x2d: {  	s3 =	simm.s32 $0x108;
	s8 =	sld [smem:$0x3FB4]  }
0x2e: {  	s3 =	simm.s32 @!p0 $0x1082;
	s9 =	sld [smem:$0x3FB5]  }
0x2f: {  	lr =	sadd.s32 s0, s3;
	s0 =	sld [smem:$0x3FAC]  }
0x30: {  	s3 =	sld [smem:$0x3FAF]  }
0x31: {  	[smem:$0x3FB8] =	sst s10  }
0x32: {  	s10 =	sld [smem:$0x3FB6];
	_ =	sdelay $0x3  }
0x33: {  	p0 =	seq.s32 s10, $0x1;
	s10 =	sld [smem:$0x3FB8];
	_ =	sdelay $0x3  }
0x34: {  	[smem:$0x3FB8] =	sst s10  }
0x35: {  	s10 =	sld [smem:$0x3FB7];
	_ =	sdelay $0x3  }
0x36: {  	p1 =	seq.s32 s10, $0x1;
	s10 =	sld [smem:$0x3FB8];
	_ =	sdelay $0x3  }
0x37: {  	[smem:$0x3FB8] =	sst s10  }
0x38: {  	s10 =	sld [smem:$0x3FB9]  }
0x39: {  	_ = 	snop;
	(pc) =	sbr.ind lr, $3  }
0x3a: {  	_ = 	snop  }
0x3b: {  	_ = 	snop  }
0x3c: {  	p2 =	seq.s32 s10, $0x1;
	s10 =	sld [smem:$0x3FB8]  }
0x3d: {  	_ =	shalt  }
0x3e: {  	_ =	shalt  }
0x3f: {  	_ =	shalt  }
0x40: {  	_ =	shalt  }
0x41: {  	_ =	shalt  }
0x42: {  	_ =	shalt  }
0x43: {  	_ =	shalt  }
0x44: {  	_ =	shalt  }
0x45: {  	_ =	shalt  }
0x46: {  	_ =	shalt  }
0x47: {  	_ =	shalt  }
0x48: {  	_ =	shalt  }
0x49: {  	_ =	shalt  }
0x4a: {  	_ =	shalt  }
0x4b: {  	_ =	shalt  }
0x4c: {  	_ =	shalt  }
0x4d: {  	_ =	shalt  }
0x4e: {  	_ =	shalt  }
0x4f: {  	_ =	shalt  }
0x50: {  	_ =	shalt  }
0x51: {  	_ =	shalt  }
0x52: {  	_ =	shalt  }
0x53: {  	_ =	shalt  }
0x54: {  	_ =	shalt  }
0x55: {  	_ =	shalt  }
0x56: {  	_ =	shalt  }
0x57: {  	_ =	shalt  }
0x58: {  	_ =	shalt  }
0x59: {  	_ =	shalt  }
0x5a: {  	_ =	shalt  }
0x5b: {  	_ =	shalt  }
0x5c: {  	_ =	shalt  }
0x5d: {  	_ =	shalt  }
0x5e: {  	_ =	shalt  }
0x5f: {  	_ =	shalt  }
0x60: {  	_ =	shalt  }
0x61: {  	_ =	shalt  }
0x62: {  	_ =	shalt  }
0x63: {  	_ =	shalt  }
0x64: {  	_ =	shalt  }
0x65: {  	_ =	shalt  }
0x66: {  	_ =	shalt  }
0x67: {  	_ =	shalt  }
0x68: {  	_ =	shalt  }
0x69: {  	_ =	shalt  }
0x6a: {  	_ =	shalt  }
0x6b: {  	_ =	shalt  }
0x6c: {  	_ =	shalt  }
0x6d: {  	_ =	shalt  }
0x6e: {  	_ =	shalt  }
0x6f: {  	_ =	shalt  }
0x70: {  	_ =	shalt  }
0x71: {  	_ =	shalt  }
0x72: {  	_ =	shalt  }
0x73: {  	_ =	shalt  }
0x74: {  	_ =	shalt  }
0x75: {  	_ =	shalt  }
0x76: {  	_ =	shalt  }
0x77: {  	_ =	shalt  }
0x78: {  	_ =	shalt  }
0x79: {  	_ =	shalt  }
0x7a: {  	_ =	shalt  }
0x7b: {  	_ =	shalt  }
0x7c: {  	_ =	shalt  }
0x7d: {  	_ =	shalt  }
0x7e: {  	_ =	shalt  }
0x7f: {  	_ =	shalt  }
0x80: {  	_ =	shalt  }
0x81: {  	_ =	shalt  }
0x82: {  	_ =	shalt  }
0x83: {  	_ =	shalt  }
0x84: {  	_ =	shalt  }
0x85: {  	_ =	shalt  }
0x86: {  	_ =	shalt  }
0x87: {  	_ =	shalt  }
.Lfunc_end0:
.L_simem_size_0:
called_computation_lowered:
.L_overlay_start_0:
0x88: {  	s2 =	sld [smem:$0x3FD9]  }
0x89: {  	s3 =	sld [smem:$0x3FFE];
	_ =	sdelay $0x1  }
0x8a: {  	s1 =	srdreg.scid  }
0x8b: {  	s0 =	sand.u32 $0x1, s1  }
0x8c: {  	s17 =	sshll.u32 s0, $0xA;
	s2 =	sadd.s32 s3, s2  }
0x8d: {  	s2 =	sadd.s32 s2, s17  }
0x8e: {  	[smem:$0x3FC4] =	sst s2  }
0x8f: {  	_ = 	snop  }
0x90: {  	s2 =	sld [smem:$0x3FC9]  }
0x91: {  	s18 =	sld [smem:$0x3FD0];
	(tm) =	ssettm $0x1  }
0x92: {  	s4 =	sld [smem:$0x3FFB];
	_ =	sdelay $0x3  }
0x93: {  	_ =	strace s4  }
0x94: {  	s4 =	sld [smem:$0x3FFC];
	_ =	sdelay $0x3  }
0x95: {  	_ =	strace s4  }
0x96: {  	s4 =	sld [smem:$0x3FFD];
	_ =	sdelay $0x3  }
0x97: {  	_ =	strace s4  }
0x98: {  	_ =	strace $0x8FFFFFFF  }
0x99: {  	s19 =	sld [smem:$0x3FDB];
	_ =	sdelay $0x1  }
0x9a: {  	s5 =	simm.s32 $_scs_section_size  }
0x9b: {  	s6 =	simm.s32 $_size__tile_overlayer_lowered;
	s7 =	simm.s32 $_tile_overlayer_lowered  }
0x9c: {  	s22 =	simm.s32 $0x1BFF;
	s21 =	sshll.u32 s7, $0x1;
	s4 =	sadd.s32 s5, s19  }
0x9d: {  	s8 =	simm.s32 $0x0;
	s20 =	sshll.u32 s6, $0x1;
	s6 =	sadd.s32 s21, s4  }
0x9e: {  	[timem:s8], [sflag:s22] =	dma.local [hbm:s6], s20  }
0x9f: {  	_ =	swait.ge [sflag:s22], s20  }
0xa0: {  	s5 =	ssub.s32 $0x0, s20;
	[sflag:s22] =	ssyncset.done $0x0  }
0xa1: {  	[sflag:s22] =	ssyncadd.s32 s5;
	_ =	sdelay $0x1  }
0xa2: {  	s23 =	simm.s32 $0x1B8B  }
0xa3: {  	_ =	swait.ge [sflag:s23], $0x1  }
0xa4: {  	[sflag:s23] =	ssyncset.done $0x0  }
0xa5: {  	s25 =	simm.s32 $0x1B8E;
	s24 =	sld [smem:$0x3FFE];
	[sflag:s23] =	ssyncadd.s32 $0xFFFFFFFF  }
0xa6: {  	s26 =	simm.s32 $execute0_lowered;
	[smem:$0x3FD2] =	sst s25  }
0xa7: {  	s6 =	sshll.u32 s26, $0x1;
	_ =	strace $0x80000046;
	[dreg:$0x1] =	wrdreg $0xFFFFFFFF  }
0xa8: {  	s28 =	simm.s32 $_size_execute0_lowered;
	s4 =	sadd.s32 s4, s6;
	[dreg:$0x0] =	wrdreg $0x0  }
0xa9: {  	s6 =	sshll.u32 s28, $0x1;
	[dreg:$0x2] =	wrdreg s4  }
0xaa: {  	[dreg:$0x3] =	wrdreg s6  }
0xab: {  	[dreg:$0x4] =	wrdreg $0xC0  }
0xac: {  	_ =	task [dreg:s8], $0x5FFFF  }
0xad: {  	[dreg:$0x1] =	wrdreg $0xFFFFFFFF  }
0xae: {  	[dreg:$0x0] =	wrdreg $0x60  }
0xaf: {  	[dreg:$0x2] =	wrdreg s24  }
0xb0: {  	[dreg:$0x3] =	wrdreg s2  }
0xb1: {  	[dreg:$0x4] =	wrdreg s18  }
0xb2: {  	[dreg:$0x5] =	wrdreg $0x9  }
0xb3: {  	_ =	task.clear_ibuf [dreg:s8], $0x6FFFF;
	_ =	strace $0x90000046  }
0xb4: {  	s29 =	simm.s32 $0x9;
	_ =	strace $0x80000048  }
0xb5: {  	_ =	swait.ge [sflag:s29], $0x1  }
0xb6: {  	[sflag:s29] =	ssyncadd.s32 $0xFFFFFFFF  }
0xb7: {  	_ =	strace $0x90000048  }
0xb8: {  	_ =	sfence  }
0xb9: {  	s30 =	sld [smem:$0x0];
	_ =	sdelay $0x2  }
0xba: {  	s31 =	sshll.u32 s1, $0xD;
	s1 =	sshrl.u32 s1, $0x2  }
0xbb: {  	s3 =	sand.u32 $0x4000, s31;
	s1 =	sadd.s32 s1, s30  }
0xbc: {  	s0 =	sor.u32 s3, s0;
	s1 =	sshll.u32 s1, $0x11  }
0xbd: {  	s0 =	sor.u32 s1, s0  }
0xbe: {  	s0 =	sadd.s32 $0x8F2B, s0  }
0xbf: {  	[sflag:s0] =	ssyncadd.remote.s32 $0x1  }
0xc0: {  	_ =	sfence.sel $0xFFFF  }
0xc1: {  	[dreg:$0x0] =	wrdreg $0xFFFFFFFF;
	(pc) =	sbr.abs _section_cstart, $3  }
0xc2: {  	[dreg:$0x1] =	wrdreg $0xFFFFFFFF  }
0xc3: {  	_ =	task.clear_ibuf [dreg:s8], $0x2FFFF;
	_ =	strace $0x9FFFFFFF  }
0xc4: {  	(tm) =	ssettm $0x7FFFFFFF  }
0xc5: {  	_ =	shalt  }
tec
execute0_lowered:
.L_overlay_start_1:
0x0: {  	(tag) =	ssettag $0x1  }
0x1: {  	s3 =	rddreg [dreg:$0x0]  }
0x2: {  	s4 =	rddreg [dreg:$0x1]  }
0x3: {  	s12 =	rddreg [dreg:$0x2]  }
0x4: {  	s0 =	rddreg [dreg:$0x3];
	s5 =	srdreg.scid  }
0x5: {  	s2 =	simm.s32 $0x0;
	s1 =	stileid.u32;
	s15 =	simm.s32 $0x20000  }
0x6: {  	s16 =	simm.s32 $0x18700;
	s17 =	simm.s32 $0x1BB00;
	s18 =	simm.s32 $0x1  }
0x7: {  	s19 =	simm.s32 $0x2;
	s20 =	simm.s32 $0x3;
	s21 =	simm.s32 $0x1EF00  }
0x8: {  	s22 =	simm.s32 $0x4;
	s23 =	simm.s32 $0x0;
	s5 =	sand.u32 $0x1, s5  }
0x9: {  	[smem:$0x7FF] =	sst s2;
	s7 =	sshll.u32 s1, $0x9;
	s6 =	sshll.u32 s5, $0xD  }
0xa: {  	s3 =	sadd.s32 $0x800, s3;
	s5 =	ssub.s32 $0x2, s5;
	s13 =	sor.u32 s7, s6  }
0xb: {  	_ =	strace $0x80000047;
	s31 =	sshrl.u32 s5, $0x1;
	s4 =	sadd.s32 s4, s13  }
0xc: {  	s14 =	ssub.s32 s5, s31;
	s13 =	sshrl.u32 s13, $0x3;
	s5 =	sadd.s32 $0x30000, s4  }
0xd: {  	s6 =	sadd.s32 $0x80, s4;
	s7 =	sadd.s32 $0x30080, s4;
	s8 =	sadd.s32 $0x100, s4  }
0xe: {  	s9 =	sadd.s32 $0x30100, s4;
	s10 =	sadd.s32 $0x180, s4;
	s11 =	sadd.s32 $0x30180, s4  }
0xf: {  	s12 =	sadd.s32 s12, s13;
	s13 =	smax.u32 s14, $0x1;
	s14 =	simm.s32 $0x400  }
.LBB2_1:
0x10: {  	[tilespmem:s2], [sflag:$0x1] =	stream.linear.gather [hbm4b:s3+s2], $0x18700, $0x38;
	[tilespmem:$0x1F100] =	vst v63  }
0x11: {  	_ = 	snop  }
0x12: {  	[tilespmem:s16], [sflag:$0x2] =	stream.strided.gather [hbm4b:s4+s14], $0x3000, s15, s14, $0x38;
	[tilespmem:$0x1F100] =	vst v63  }
0x13: {  	_ = 	snop  }
0x14: {  	[tilespmem:s17], [sflag:$0x3] =	stream.strided.gather [hbm4b:s5+s14], $0x3400, s15, s14, $0x38;
	[tilespmem:$0x1F100] =	vst v63  }
0x15: {  	_ =	swait.ge [sflag:s18], $0x18700  }
0x16: {  	[sflag:s18] =	ssyncset.done $0x0  }
0x17: {  	[sflag:s18] =	ssyncadd.s32 $0xFFFE7900  }
0x18: {  	_ =	swait.ge [sflag:s19], $0x3000  }
0x19: {  	[sflag:s19] =	ssyncset.done $0x0  }
0x1a: {  	s24 =	simm.s32 $0x18780;
	[sflag:s19] =	ssyncadd.s32 $0xFFFFD000  }
0x1b: {  	v0 =	vld [tilespmem:s24+$0x0]  }
0x1c: {  	v1 =	vld [tilespmem:s24+$0x10]  }
0x1d: {  	v2 =	vld [tilespmem:s24+$0x20]  }
0x1e: {  	v3 =	vld [tilespmem:s24+$0x30]  }
0x1f: {  	v4 =	vld [tilespmem:s24+$0x40]  }
0x20: {  	v6 =	vld [tilespmem:s24+$0x50]  }
0x21: {  	v7 =	vld [tilespmem:s24+$0x60]  }
0x22: {  	v12 =	vld [tilespmem:s24+$0x70]  }
0x23: {  	v13 =	vld [tilespmem:s24+$0xFFFFFF80]  }
0x24: {  	v14 =	vld [tilespmem:s24+$0xFFFFFF90]  }
0x25: {  	v15 =	vld [tilespmem:s24+$0xFFFFFFA0]  }
0x26: {  	v16 =	vld [tilespmem:s24+$0xFFFFFFB0]  }
0x27: {  	v17 =	vld [tilespmem:s24+$0xFFFFFFC0]  }
0x28: {  	v18 =	vld [tilespmem:s24+$0xFFFFFFD0]  }
0x29: {  	v19 =	vld [tilespmem:s24+$0xFFFFFFE0]  }
0x2a: {  	v20 =	vld [tilespmem:s24+$0xFFFFFFF0]  }
0x2b: {  	v9 =	vld.idx.msk [tilespmem:v0+s2+$0x0], $0xffff  }
0x2c: {  	v11 =	vld.idx.msk [tilespmem:v1+s2+$0x0], $0xffff  }
0x2d: {  	v8 =	vld.idx.msk [tilespmem:v2+s2+$0x0], $0xffff  }
0x2e: {  	v10 =	vld.idx.msk [tilespmem:v3+s2+$0x0], $0xffff  }
0x2f: {  	v5 =	vld.idx.msk [tilespmem:v4+s2+$0x0], $0xffff  }
0x30: {  	v6 =	vld.idx.msk [tilespmem:v6+s2+$0x0], $0xffff  }
0x31: {  	v1 =	vld.idx.msk [tilespmem:v13+s2+$0x0], $0xffff  }
0x32: {  	v2 =	vld.idx.msk [tilespmem:v14+s2+$0x0], $0xffff  }
0x33: {  	v3 =	vld.idx.msk [tilespmem:v15+s2+$0x0], $0xffff  }
0x34: {  	v4 =	vld.idx.msk [tilespmem:v16+s2+$0x0], $0xffff  }
0x35: {  	v15 =	vld.idx.msk [tilespmem:v17+s2+$0x0], $0xffff  }
0x36: {  	v17 =	vld.idx.msk [tilespmem:v18+s2+$0x0], $0xffff  }
0x37: {  	v0 =	vimm.f32 $0.0e+00;
	v16 =	vld.idx.msk [tilespmem:v19+s2+$0x0], $0xffff  }
0x38: {  	v18 =	vld.idx.msk [tilespmem:v20+s2+$0x0], $0xffff;
	v22 =	vadd.f32 v1, v0;
	v23 =	vadd.f32 v2, v0  }
0x39: {  	v14 =	vld.idx.msk [tilespmem:v7+s2+$0x0], $0xffff;
	v24 =	vadd.f32 v3, v0;
	v25 =	vadd.f32 v4, v0  }
0x3a: {  	s25 =	simm.s32 $0x18880;
	s24 =	simm.s32 $0x0;
	v20 =	vld.idx.msk [tilespmem:v12+s2+$0x0], $0xffff;
	v3 =	vimm.f32 $0.0e+00;
	v1 =	vimm.f32 $0.0e+00;
	v2 =	vimm.f32 $0.0e+00  }
.LBB2_2:
0x3b: {  	v4 =	vld [tilespmem:s25+$0x0];
	v7 =	vadd.f32 v9, v22;
	v12 =	vadd.f32 v11, v23  }
0x3c: {  	v11 =	vld [tilespmem:s25+$0x10];
	v13 =	vadd.f32 v8, v24;
	v19 =	vadd.f32 v10, v25  }
0x3d: {  	v0 =	vadd.f32 v15, v0;
	v3 =	vadd.f32 v17, v3;
	v8 =	vld [tilespmem:s25+$0x20]  }
0x3e: {  	v1 =	vadd.f32 v16, v1;
	v2 =	vadd.f32 v18, v2;
	v10 =	vld [tilespmem:s25+$0x30]  }
0x3f: {  	v0 =	vadd.f32 v5, v0;
	v3 =	vadd.f32 v6, v3;
	v15 =	vld [tilespmem:s25+$0x40]  }
0x40: {  	v1 =	vadd.f32 v14, v1;
	v2 =	vadd.f32 v20, v2;
	v6 =	vld [tilespmem:s25+$0x50]  }
0x41: {  	v14 =	vld [tilespmem:s25+$0x60]  }
0x42: {  	v20 =	vld [tilespmem:s25+$0x70]  }
0x43: {  	v16 =	vld [tilespmem:s25+$0xFFFFFF80]  }
0x44: {  	v17 =	vld [tilespmem:s25+$0xFFFFFF90]  }
0x45: {  	v18 =	vld [tilespmem:s25+$0xFFFFFFA0]  }
0x46: {  	v21 =	vld [tilespmem:s25+$0xFFFFFFB0]  }
0x47: {  	v22 =	vld [tilespmem:s25+$0xFFFFFFC0]  }
0x48: {  	v23 =	vld [tilespmem:s25+$0xFFFFFFD0]  }
0x49: {  	v24 =	vld [tilespmem:s25+$0xFFFFFFE0]  }
0x4a: {  	v25 =	vld [tilespmem:s25+$0xFFFFFFF0]  }
0x4b: {  	v9 =	vld.idx.msk [tilespmem:v4+s2+$0x0], $0xffff  }
0x4c: {  	v11 =	vld.idx.msk [tilespmem:v11+s2+$0x0], $0xffff  }
0x4d: {  	v8 =	vld.idx.msk [tilespmem:v8+s2+$0x0], $0xffff  }
0x4e: {  	v10 =	vld.idx.msk [tilespmem:v10+s2+$0x0], $0xffff  }
0x4f: {  	v5 =	vld.idx.msk [tilespmem:v15+s2+$0x0], $0xffff  }
0x50: {  	s24 =	sadd.s32 $0x2, s24;
	v6 =	vld.idx.msk [tilespmem:v6+s2+$0x0], $0xffff  }
0x51: {  	p0 =	slt.u32 s24, $0x5E;
	v4 =	vld.idx.msk [tilespmem:v16+s2+$0x0], $0xffff  }
0x52: {  	v26 =	vld.idx.msk [tilespmem:v17+s2+$0x0], $0xffff  }
0x53: {  	v27 =	vld.idx.msk [tilespmem:v18+s2+$0x0], $0xffff  }
0x54: {  	v21 =	vld.idx.msk [tilespmem:v21+s2+$0x0], $0xffff  }
0x55: {  	v15 =	vld.idx.msk [tilespmem:v22+s2+$0x0], $0xffff  }
.Ltmp0:
0x56: {  	v17 =	vld.idx.msk [tilespmem:v23+s2+$0x0], $0xffff;
	(pc) =	sbr.rel @p0 .LBB2_2-.Ltmp0, $4  }
0x57: {  	v16 =	vld.idx.msk [tilespmem:v24+s2+$0x0], $0xffff  }
0x58: {  	v18 =	vld.idx.msk [tilespmem:v25+s2+$0x0], $0xffff  }
0x59: {  	v22 =	vadd.f32 v4, v7;
	v23 =	vadd.f32 v26, v12;
	v14 =	vld.idx.msk [tilespmem:v14+s2+$0x0], $0xffff  }
0x5a: {  	s25 =	sadd.s32 $0x100, s25;
	v24 =	vadd.f32 v27, v13;
	v25 =	vadd.f32 v21, v19;
	v20 =	vld.idx.msk [tilespmem:v20+s2+$0x0], $0xffff  }
0x5b: {  	[tilespmem:s16], [sflag:$0x2] =	stream.strided.gather [hbm4b:s6+s14], $0x3000, s15, s14, $0x38;
	[tilespmem:$0x1F100] =	vst v63  }
0x5c: {  	_ =	swait.ge [sflag:s20], $0x3400  }
0x5d: {  	[sflag:s20] =	ssyncset.done $0x0  }
0x5e: {  	s24 =	simm.s32 $0x1BB80;
	[sflag:s20] =	ssyncadd.s32 $0xFFFFCC00  }
0x5f: {  	v4 =	vld [tilespmem:s24+$0x0]  }
0x60: {  	v7 =	vld [tilespmem:s24+$0x10]  }
0x61: {  	v12 =	vld [tilespmem:s24+$0x20]  }
0x62: {  	v26 =	vld [tilespmem:s24+$0x30]  }
0x63: {  	v27 =	vld [tilespmem:s24+$0x40]  }
0x64: {  	v28 =	vld [tilespmem:s24+$0x50]  }
0x65: {  	v29 =	vld [tilespmem:s24+$0x60]  }
0x66: {  	v30 =	vld [tilespmem:s24+$0x70]  }
0x67: {  	v31 =	vld [tilespmem:s24+$0xFFFFFF80]  }
0x68: {  	v32 =	vld [tilespmem:s24+$0xFFFFFF90]  }
0x69: {  	v33 =	vld [tilespmem:s24+$0xFFFFFFA0]  }
0x6a: {  	v34 =	vld [tilespmem:s24+$0xFFFFFFB0]  }
0x6b: {  	v35 =	vld [tilespmem:s24+$0xFFFFFFC0]  }
0x6c: {  	v36 =	vld [tilespmem:s24+$0xFFFFFFD0]  }
0x6d: {  	v37 =	vld [tilespmem:s24+$0xFFFFFFE0]  }
0x6e: {  	v38 =	vld [tilespmem:s24+$0xFFFFFFF0]  }
0x6f: {  	v21 =	vld.idx.msk [tilespmem:v4+s2+$0x0], $0xffff  }
0x70: {  	v19 =	vld.idx.msk [tilespmem:v7+s2+$0x0], $0xffff  }
0x71: {  	v13 =	vld.idx.msk [tilespmem:v12+s2+$0x0], $0xffff  }
0x72: {  	v12 =	vld.idx.msk [tilespmem:v26+s2+$0x0], $0xffff  }
0x73: {  	v7 =	vld.idx.msk [tilespmem:v27+s2+$0x0], $0xffff  }
0x74: {  	v4 =	vld.idx.msk [tilespmem:v28+s2+$0x0], $0xffff  }
0x75: {  	v60 =	vld.idx.msk [tilespmem:v31+s2+$0x0], $0xffff  }
0x76: {  	v61 =	vld.idx.msk [tilespmem:v32+s2+$0x0], $0xffff  }
0x77: {  	v9 =	vadd.f32 v9, v22;
	v22 =	vadd.f32 v11, v23;
	v23 =	vld.idx.msk [tilespmem:v33+s2+$0x0], $0xffff  }
0x78: {  	v0 =	vadd.f32 v15, v0;
	v15 =	vadd.f32 v17, v3;
	v63 =	vld.idx.msk [tilespmem:v34+s2+$0x0], $0xffff  }
0x79: {  	v8 =	vadd.f32 v8, v24;
	v62 =	vadd.f32 v10, v25;
	v11 =	vld.idx.msk [tilespmem:v35+s2+$0x0], $0xffff  }
0x7a: {  	v1 =	vadd.f32 v16, v1;
	v16 =	vadd.f32 v18, v2;
	v10 =	vld.idx.msk [tilespmem:v36+s2+$0x0], $0xffff  }
0x7b: {  	v3 =	vadd.f32 v5, v0;
	v2 =	vadd.f32 v6, v15;
	v6 =	vld.idx.msk [tilespmem:v37+s2+$0x0], $0xffff  }
0x7c: {  	v1 =	vadd.f32 v14, v1;
	v0 =	vadd.f32 v20, v16;
	v5 =	vld.idx.msk [tilespmem:v38+s2+$0x0], $0xffff  }
0x7d: {  	v17 =	vadd.f32 v60, v9;
	v16 =	vadd.f32 v61, v22;
	v9 =	vld.idx.msk [tilespmem:v29+s2+$0x0], $0xffff  }
0x7e: {  	s25 =	simm.s32 $0x1BC80;
	s24 =	simm.s32 $0x0;
	v15 =	vadd.f32 v23, v8;
	v14 =	vadd.f32 v63, v62;
	v8 =	vld.idx.msk [tilespmem:v30+s2+$0x0], $0xffff  }
.LBB2_4:
0x7f: {  	v18 =	vld [tilespmem:s25+$0x0];
	v17 =	vadd.f32 v21, v17;
	v16 =	vadd.f32 v19, v16  }
0x80: {  	v19 =	vld [tilespmem:s25+$0x10];
	v15 =	vadd.f32 v13, v15;
	v14 =	vadd.f32 v12, v14  }
0x81: {  	v3 =	vadd.f32 v11, v3;
	v2 =	vadd.f32 v10, v2;
	v12 =	vld [tilespmem:s25+$0x20]  }
0x82: {  	v1 =	vadd.f32 v6, v1;
	v0 =	vadd.f32 v5, v0;
	v10 =	vld [tilespmem:s25+$0x30]  }
0x83: {  	v3 =	vadd.f32 v7, v3;
	v2 =	vadd.f32 v4, v2;
	v5 =	vld [tilespmem:s25+$0x40]  }
0x84: {  	v1 =	vadd.f32 v9, v1;
	v0 =	vadd.f32 v8, v0;
	v4 =	vld [tilespmem:s25+$0x50]  }
0x85: {  	v8 =	vld [tilespmem:s25+$0x60]  }
0x86: {  	v20 =	vld [tilespmem:s25+$0x70]  }
0x87: {  	v6 =	vld [tilespmem:s25+$0xFFFFFF80]  }
0x88: {  	v9 =	vld [tilespmem:s25+$0xFFFFFF90]  }
0x89: {  	v11 =	vld [tilespmem:s25+$0xFFFFFFA0]  }
0x8a: {  	v22 =	vld [tilespmem:s25+$0xFFFFFFB0]  }
0x8b: {  	v23 =	vld [tilespmem:s25+$0xFFFFFFC0]  }
0x8c: {  	v24 =	vld [tilespmem:s25+$0xFFFFFFD0]  }
0x8d: {  	v25 =	vld [tilespmem:s25+$0xFFFFFFE0]  }
0x8e: {  	v26 =	vld [tilespmem:s25+$0xFFFFFFF0]  }
0x8f: {  	v21 =	vld.idx.msk [tilespmem:v18+s2+$0x0], $0xffff  }
0x90: {  	v19 =	vld.idx.msk [tilespmem:v19+s2+$0x0], $0xffff  }
0x91: {  	v13 =	vld.idx.msk [tilespmem:v12+s2+$0x0], $0xffff  }
0x92: {  	v12 =	vld.idx.msk [tilespmem:v10+s2+$0x0], $0xffff  }
0x93: {  	v7 =	vld.idx.msk [tilespmem:v5+s2+$0x0], $0xffff  }
0x94: {  	s24 =	sadd.s32 $0x2, s24;
	v4 =	vld.idx.msk [tilespmem:v4+s2+$0x0], $0xffff  }
0x95: {  	p0 =	slt.u32 s24, $0x66;
	v18 =	vld.idx.msk [tilespmem:v6+s2+$0x0], $0xffff  }
0x96: {  	v9 =	vld.idx.msk [tilespmem:v9+s2+$0x0], $0xffff  }
0x97: {  	v27 =	vld.idx.msk [tilespmem:v11+s2+$0x0], $0xffff  }
0x98: {  	v22 =	vld.idx.msk [tilespmem:v22+s2+$0x0], $0xffff  }
0x99: {  	v11 =	vld.idx.msk [tilespmem:v23+s2+$0x0], $0xffff  }
.Ltmp1:
0x9a: {  	v10 =	vld.idx.msk [tilespmem:v24+s2+$0x0], $0xffff;
	(pc) =	sbr.rel @p0 .LBB2_4-.Ltmp1, $4  }
0x9b: {  	v6 =	vld.idx.msk [tilespmem:v25+s2+$0x0], $0xffff  }
0x9c: {  	v5 =	vld.idx.msk [tilespmem:v26+s2+$0x0], $0xffff  }
0x9d: {  	v17 =	vadd.f32 v18, v17;
	v16 =	vadd.f32 v9, v16;
	v9 =	vld.idx.msk [tilespmem:v8+s2+$0x0], $0xffff  }
0x9e: {  	s25 =	sadd.s32 $0x100, s25;
	v15 =	vadd.f32 v27, v15;
	v14 =	vadd.f32 v22, v14;
	v8 =	vld.idx.msk [tilespmem:v20+s2+$0x0], $0xffff  }
0x9f: {  	v17 =	vadd.f32 v21, v17;
	_ =	sdelay $0x1  }
0xa0: {  	v17 =	vsub.f32 $0.0e+00, v17;
	_ =	sdelay $0x1  }
0xa1: {  	v17 =	vmul.f32 $1.442695020e+00, v17;
	_ =	sdelay $0x1  }
0xa2: {  	(erf) = vpow2.f32 v17;
	_ =	sdelay $0x6  }
0xa3: {  	v16 =	vadd.f32 v19, v16;
	_ =	sdelay $0x1  }
0xa4: {  	v16 =	vsub.f32 $0.0e+00, v16;
	v17 =	vpop (erf)  }
0xa5: {  	v17 =	vadd.f32 $1.000000000e+00, v17  }
0xa6: {  	v16 =	vmul.f32 $1.442695020e+00, v16  }
0xa7: {  	(erf) = vrcp.f32 v17  }
0xa8: {  	(erf) = vpow2.f32 v16;
	_ =	sdelay $0x6  }
0xa9: {  	v13 =	vadd.f32 v13, v15  }
0xaa: {  	v15 =	vpop (erf)  }
0xab: {  	v13 =	vsub.f32 $0.0e+00, v13;
	v16 =	vpop (erf)  }
0xac: {  	v16 =	vadd.f32 $1.000000000e+00, v16  }
0xad: {  	v13 =	vmul.f32 $1.442695020e+00, v13  }
0xae: {  	(erf) = vrcp.f32 v16  }
0xaf: {  	(erf) = vpow2.f32 v13;
	_ =	sdelay $0x6  }
0xb0: {  	v12 =	vadd.f32 v12, v14  }
0xb1: {  	v13 =	vpop (erf)  }
0xb2: {  	v12 =	vsub.f32 $0.0e+00, v12;
	v14 =	vpop (erf)  }
0xb3: {  	v14 =	vadd.f32 $1.000000000e+00, v14  }
0xb4: {  	v12 =	vmul.f32 $1.442695020e+00, v12  }
0xb5: {  	(erf) = vrcp.f32 v14  }
0xb6: {  	(erf) = vpow2.f32 v12;
	_ =	sdelay $0x4  }
0xb7: {  	v3 =	vadd.f32 v11, v3;
	_ =	sdelay $0x1  }
0xb8: {  	v3 =	vadd.f32 v7, v3  }
0xb9: {  	v7 =	vpop (erf)  }
0xba: {  	v3 =	vsub.f32 $0.0e+00, v3;
	v11 =	vpop (erf)  }
0xbb: {  	v11 =	vadd.f32 $1.000000000e+00, v11  }
0xbc: {  	v3 =	vmul.f32 $1.442695020e+00, v3  }
0xbd: {  	(erf) = vrcp.f32 v11  }
0xbe: {  	(erf) = vpow2.f32 v3;
	_ =	sdelay $0x4  }
0xbf: {  	v2 =	vadd.f32 v10, v2;
	_ =	sdelay $0x1  }
0xc0: {  	v2 =	vadd.f32 v4, v2  }
0xc1: {  	v3 =	vpop (erf)  }
0xc2: {  	v2 =	vsub.f32 $0.0e+00, v2;
	v4 =	vpop (erf)  }
0xc3: {  	v4 =	vadd.f32 $1.000000000e+00, v4  }
0xc4: {  	v2 =	vmul.f32 $1.442695020e+00, v2  }
0xc5: {  	(erf) = vrcp.f32 v4  }
0xc6: {  	(erf) = vpow2.f32 v2;
	_ =	sdelay $0x4  }
0xc7: {  	v1 =	vadd.f32 v6, v1;
	_ =	sdelay $0x1  }
0xc8: {  	v1 =	vadd.f32 v9, v1  }
0xc9: {  	v2 =	vpop (erf)  }
0xca: {  	v1 =	vsub.f32 $0.0e+00, v1;
	v4 =	vpop (erf)  }
0xcb: {  	v4 =	vadd.f32 $1.000000000e+00, v4  }
0xcc: {  	v1 =	vmul.f32 $1.442695020e+00, v1  }
0xcd: {  	(erf) = vrcp.f32 v4  }
0xce: {  	(erf) = vpow2.f32 v1;
	_ =	sdelay $0x4  }
0xcf: {  	v0 =	vadd.f32 v5, v0;
	_ =	sdelay $0x1  }
0xd0: {  	v0 =	vadd.f32 v8, v0  }
0xd1: {  	v1 =	vpop (erf)  }
0xd2: {  	v0 =	vsub.f32 $0.0e+00, v0;
	v4 =	vpop (erf)  }
0xd3: {  	v4 =	vadd.f32 $1.000000000e+00, v4  }
0xd4: {  	v0 =	vmul.f32 $1.442695020e+00, v0  }
0xd5: {  	(erf) = vrcp.f32 v4  }
0xd6: {  	(erf) = vpow2.f32 v0;
	_ =	sdelay $0x7  }
0xd7: {  	v0 =	vpop (erf)  }
0xd8: {  	v4 =	vpop (erf)  }
0xd9: {  	v4 =	vadd.f32 $1.000000000e+00, v4;
	_ =	sdelay $0x1  }
0xda: {  	v5 =	vmul.f32 $1.000000000e+04, v13;
	(erf) = vrcp.f32 v4;
	_ =	sdelay $0x1  }
0xdb: {  	v5 =	vadd.f32 $1.258291200e+07, v5  }
0xdc: {  	v3 =	vmul.f32 $1.000000000e+04, v3  }
0xdd: {  	v5 =	vadd.f32 $-1.258291200e+07, v5  }
0xde: {  	v3 =	vadd.f32 $1.258291200e+07, v3;
	v2 =	vmul.f32 $1.000000000e+04, v2  }
0xdf: {  	v5 =	vmul.f32 $9.999999740e-05, v5;
	v1 =	vmul.f32 $1.000000000e+04, v1  }
0xe0: {  	v3 =	vadd.f32 $-1.258291200e+07, v3;
	v2 =	vadd.f32 $1.258291200e+07, v2;
	v4 =	vmul.f32 $1.000000000e+04, v15  }
0xe1: {  	v6 =	vmul.f32 $1.000000000e+04, v7;
	v1 =	vadd.f32 $1.258291200e+07, v1;
	v0 =	vmul.f32 $1.000000000e+04, v0  }
0xe2: {  	v3 =	vmul.f32 $9.999999740e-05, v3;
	v2 =	vadd.f32 $-1.258291200e+07, v2;
	v4 =	vadd.f32 $1.258291200e+07, v4;
	v7 =	vpop (erf)  }
0xe3: {  	[tilespmem:s17], [sflag:$0x3] =	stream.strided.gather [hbm4b:s7+s14], $0x3400, s15, s14, $0x38;
	v1 =	vadd.f32 $-1.258291200e+07, v1;
	v0 =	vadd.f32 $1.258291200e+07, v0;
	v7 =	vmul.f32 $1.000000000e+04, v7;
	[tilespmem:$0x1F100] =	vst v63  }
0xe4: {  	[tilespmem:$0x1EF10] =	vst v5;
	v6 =	vadd.f32 $1.258291200e+07, v6;
	v2 =	vmul.f32 $9.999999740e-05, v2;
	v4 =	vadd.f32 $-1.258291200e+07, v4  }
0xe5: {  	[tilespmem:$0x1EF30] =	vst v3;
	v1 =	vmul.f32 $9.999999740e-05, v1;
	v0 =	vadd.f32 $-1.258291200e+07, v0;
	v5 =	vadd.f32 $1.258291200e+07, v7  }
0xe6: {  	v6 =	vadd.f32 $-1.258291200e+07, v6;
	[tilespmem:$0x1EF40] =	vst v2;
	v4 =	vmul.f32 $9.999999740e-05, v4  }
0xe7: {  	[tilespmem:$0x1EF50] =	vst v1;
	v0 =	vmul.f32 $9.999999740e-05, v0;
	v3 =	vadd.f32 $-1.258291200e+07, v5  }
0xe8: {  	[tilespmem:$0x1EF00] =	vst v4;
	v4 =	vmul.f32 $9.999999740e-05, v6  }
0xe9: {  	[tilespmem:$0x1EF60] =	vst v0;
	v1 =	vmul.f32 $9.999999740e-05, v3  }
0xea: {  	[tilespmem:$0x1EF20] =	vst v4  }
0xeb: {  	[tilespmem:$0x1EF70] =	vst v1  }
0xec: {  	_ =	swait.ge [sflag:s19], $0x3000  }
0xed: {  	[sflag:s19] =	ssyncset.done $0x0  }
0xee: {  	s24 =	simm.s32 $0x18780;
	[sflag:s19] =	ssyncadd.s32 $0xFFFFD000  }
0xef: {  	v0 =	vld [tilespmem:s24+$0x0]  }
0xf0: {  	v1 =	vld [tilespmem:s24+$0x10]  }
0xf1: {  	v2 =	vld [tilespmem:s24+$0x20]  }
0xf2: {  	v3 =	vld [tilespmem:s24+$0x30]  }
0xf3: {  	v4 =	vld [tilespmem:s24+$0x40]  }
0xf4: {  	v6 =	vld [tilespmem:s24+$0x50]  }
0xf5: {  	v7 =	vld [tilespmem:s24+$0x60]  }
0xf6: {  	v12 =	vld [tilespmem:s24+$0x70]  }
0xf7: {  	v13 =	vld [tilespmem:s24+$0xFFFFFF80]  }
0xf8: {  	v14 =	vld [tilespmem:s24+$0xFFFFFF90]  }
0xf9: {  	v15 =	vld [tilespmem:s24+$0xFFFFFFA0]  }
0xfa: {  	v16 =	vld [tilespmem:s24+$0xFFFFFFB0]  }
0xfb: {  	v17 =	vld [tilespmem:s24+$0xFFFFFFC0]  }
0xfc: {  	v18 =	vld [tilespmem:s24+$0xFFFFFFD0]  }
0xfd: {  	v19 =	vld [tilespmem:s24+$0xFFFFFFE0]  }
0xfe: {  	v20 =	vld [tilespmem:s24+$0xFFFFFFF0]  }
0xff: {  	v9 =	vld.idx.msk [tilespmem:v0+s2+$0x0], $0xffff  }
0x100: {  	v11 =	vld.idx.msk [tilespmem:v1+s2+$0x0], $0xffff  }
0x101: {  	v8 =	vld.idx.msk [tilespmem:v2+s2+$0x0], $0xffff  }
0x102: {  	v10 =	vld.idx.msk [tilespmem:v3+s2+$0x0], $0xffff  }
0x103: {  	v5 =	vld.idx.msk [tilespmem:v4+s2+$0x0], $0xffff  }
0x104: {  	v6 =	vld.idx.msk [tilespmem:v6+s2+$0x0], $0xffff  }
0x105: {  	v1 =	vld.idx.msk [tilespmem:v13+s2+$0x0], $0xffff  }
0x106: {  	v2 =	vld.idx.msk [tilespmem:v14+s2+$0x0], $0xffff  }
0x107: {  	v3 =	vld.idx.msk [tilespmem:v15+s2+$0x0], $0xffff  }
0x108: {  	v4 =	vld.idx.msk [tilespmem:v16+s2+$0x0], $0xffff  }
0x109: {  	v15 =	vld.idx.msk [tilespmem:v17+s2+$0x0], $0xffff  }
0x10a: {  	v17 =	vld.idx.msk [tilespmem:v18+s2+$0x0], $0xffff  }
0x10b: {  	v0 =	vimm.f32 $0.0e+00;
	v16 =	vld.idx.msk [tilespmem:v19+s2+$0x0], $0xffff  }
0x10c: {  	v18 =	vld.idx.msk [tilespmem:v20+s2+$0x0], $0xffff;
	v22 =	vadd.f32 v1, v0;
	v23 =	vadd.f32 v2, v0  }
0x10d: {  	v14 =	vld.idx.msk [tilespmem:v7+s2+$0x0], $0xffff;
	v24 =	vadd.f32 v3, v0;
	v25 =	vadd.f32 v4, v0  }
0x10e: {  	s25 =	simm.s32 $0x18880;
	s24 =	simm.s32 $0x0;
	v20 =	vld.idx.msk [tilespmem:v12+s2+$0x0], $0xffff;
	v3 =	vimm.f32 $0.0e+00;
	v1 =	vimm.f32 $0.0e+00;
	v2 =	vimm.f32 $0.0e+00  }
.LBB2_6:
0x10f: {  	v4 =	vld [tilespmem:s25+$0x0];
	v7 =	vadd.f32 v9, v22;
	v12 =	vadd.f32 v11, v23  }
0x110: {  	v11 =	vld [tilespmem:s25+$0x10];
	v13 =	vadd.f32 v8, v24;
	v19 =	vadd.f32 v10, v25  }
0x111: {  	v0 =	vadd.f32 v15, v0;
	v3 =	vadd.f32 v17, v3;
	v8 =	vld [tilespmem:s25+$0x20]  }
0x112: {  	v1 =	vadd.f32 v16, v1;
	v2 =	vadd.f32 v18, v2;
	v10 =	vld [tilespmem:s25+$0x30]  }
0x113: {  	v0 =	vadd.f32 v5, v0;
	v3 =	vadd.f32 v6, v3;
	v15 =	vld [tilespmem:s25+$0x40]  }
0x114: {  	v1 =	vadd.f32 v14, v1;
	v2 =	vadd.f32 v20, v2;
	v6 =	vld [tilespmem:s25+$0x50]  }
0x115: {  	v14 =	vld [tilespmem:s25+$0x60]  }
0x116: {  	v20 =	vld [tilespmem:s25+$0x70]  }
0x117: {  	v16 =	vld [tilespmem:s25+$0xFFFFFF80]  }
0x118: {  	v17 =	vld [tilespmem:s25+$0xFFFFFF90]  }
0x119: {  	v18 =	vld [tilespmem:s25+$0xFFFFFFA0]  }
0x11a: {  	v21 =	vld [tilespmem:s25+$0xFFFFFFB0]  }
0x11b: {  	v22 =	vld [tilespmem:s25+$0xFFFFFFC0]  }
0x11c: {  	v23 =	vld [tilespmem:s25+$0xFFFFFFD0]  }
0x11d: {  	v24 =	vld [tilespmem:s25+$0xFFFFFFE0]  }
0x11e: {  	v25 =	vld [tilespmem:s25+$0xFFFFFFF0]  }
0x11f: {  	v9 =	vld.idx.msk [tilespmem:v4+s2+$0x0], $0xffff  }
0x120: {  	v11 =	vld.idx.msk [tilespmem:v11+s2+$0x0], $0xffff  }
0x121: {  	v8 =	vld.idx.msk [tilespmem:v8+s2+$0x0], $0xffff  }
0x122: {  	v10 =	vld.idx.msk [tilespmem:v10+s2+$0x0], $0xffff  }
0x123: {  	v5 =	vld.idx.msk [tilespmem:v15+s2+$0x0], $0xffff  }
0x124: {  	s24 =	sadd.s32 $0x2, s24;
	v6 =	vld.idx.msk [tilespmem:v6+s2+$0x0], $0xffff  }
0x125: {  	p0 =	slt.u32 s24, $0x5E;
	v4 =	vld.idx.msk [tilespmem:v16+s2+$0x0], $0xffff  }
0x126: {  	v26 =	vld.idx.msk [tilespmem:v17+s2+$0x0], $0xffff  }
0x127: {  	v27 =	vld.idx.msk [tilespmem:v18+s2+$0x0], $0xffff  }
0x128: {  	v21 =	vld.idx.msk [tilespmem:v21+s2+$0x0], $0xffff  }
0x129: {  	v15 =	vld.idx.msk [tilespmem:v22+s2+$0x0], $0xffff  }
.Ltmp2:
0x12a: {  	v17 =	vld.idx.msk [tilespmem:v23+s2+$0x0], $0xffff;
	(pc) =	sbr.rel @p0 .LBB2_6-.Ltmp2, $4  }
0x12b: {  	v16 =	vld.idx.msk [tilespmem:v24+s2+$0x0], $0xffff  }
0x12c: {  	v18 =	vld.idx.msk [tilespmem:v25+s2+$0x0], $0xffff  }
0x12d: {  	v22 =	vadd.f32 v4, v7;
	v23 =	vadd.f32 v26, v12;
	v14 =	vld.idx.msk [tilespmem:v14+s2+$0x0], $0xffff  }
0x12e: {  	s25 =	sadd.s32 $0x100, s25;
	v24 =	vadd.f32 v27, v13;
	v25 =	vadd.f32 v21, v19;
	v20 =	vld.idx.msk [tilespmem:v20+s2+$0x0], $0xffff  }
0x12f: {  	[tilespmem:s16], [sflag:$0x2] =	stream.strided.gather [hbm4b:s8+s14], $0x3000, s15, s14, $0x38;
	[tilespmem:$0x1F100] =	vst v63  }
0x130: {  	_ =	swait.ge [sflag:s20], $0x3400  }
0x131: {  	[sflag:s20] =	ssyncset.done $0x0  }
0x132: {  	s24 =	simm.s32 $0x1BB80;
	[sflag:s20] =	ssyncadd.s32 $0xFFFFCC00  }
0x133: {  	v4 =	vld [tilespmem:s24+$0x0]  }
0x134: {  	v7 =	vld [tilespmem:s24+$0x10]  }
0x135: {  	v12 =	vld [tilespmem:s24+$0x20]  }
0x136: {  	v26 =	vld [tilespmem:s24+$0x30]  }
0x137: {  	v27 =	vld [tilespmem:s24+$0x40]  }
0x138: {  	v28 =	vld [tilespmem:s24+$0x50]  }
0x139: {  	v29 =	vld [tilespmem:s24+$0x60]  }
0x13a: {  	v30 =	vld [tilespmem:s24+$0x70]  }
0x13b: {  	v31 =	vld [tilespmem:s24+$0xFFFFFF80]  }
0x13c: {  	v32 =	vld [tilespmem:s24+$0xFFFFFF90]  }
0x13d: {  	v33 =	vld [tilespmem:s24+$0xFFFFFFA0]  }
0x13e: {  	v34 =	vld [tilespmem:s24+$0xFFFFFFB0]  }
0x13f: {  	v35 =	vld [tilespmem:s24+$0xFFFFFFC0]  }
0x140: {  	v36 =	vld [tilespmem:s24+$0xFFFFFFD0]  }
0x141: {  	v37 =	vld [tilespmem:s24+$0xFFFFFFE0]  }
0x142: {  	v38 =	vld [tilespmem:s24+$0xFFFFFFF0]  }
0x143: {  	v21 =	vld.idx.msk [tilespmem:v4+s2+$0x0], $0xffff  }
0x144: {  	v19 =	vld.idx.msk [tilespmem:v7+s2+$0x0], $0xffff  }
0x145: {  	v13 =	vld.idx.msk [tilespmem:v12+s2+$0x0], $0xffff  }
0x146: {  	v12 =	vld.idx.msk [tilespmem:v26+s2+$0x0], $0xffff  }
0x147: {  	v7 =	vld.idx.msk [tilespmem:v27+s2+$0x0], $0xffff  }
0x148: {  	v4 =	vld.idx.msk [tilespmem:v28+s2+$0x0], $0xffff  }
0x149: {  	v60 =	vld.idx.msk [tilespmem:v31+s2+$0x0], $0xffff  }
0x14a: {  	v61 =	vld.idx.msk [tilespmem:v32+s2+$0x0], $0xffff  }
0x14b: {  	v9 =	vadd.f32 v9, v22;
	v22 =	vadd.f32 v11, v23;
	v23 =	vld.idx.msk [tilespmem:v33+s2+$0x0], $0xffff  }
0x14c: {  	v0 =	vadd.f32 v15, v0;
	v15 =	vadd.f32 v17, v3;
	v63 =	vld.idx.msk [tilespmem:v34+s2+$0x0], $0xffff  }
0x14d: {  	v8 =	vadd.f32 v8, v24;
	v62 =	vadd.f32 v10, v25;
	v11 =	vld.idx.msk [tilespmem:v35+s2+$0x0], $0xffff  }
0x14e: {  	v1 =	vadd.f32 v16, v1;
	v16 =	vadd.f32 v18, v2;
	v10 =	vld.idx.msk [tilespmem:v36+s2+$0x0], $0xffff  }
0x14f: {  	v3 =	vadd.f32 v5, v0;
	v2 =	vadd.f32 v6, v15;
	v6 =	vld.idx.msk [tilespmem:v37+s2+$0x0], $0xffff  }
0x150: {  	v1 =	vadd.f32 v14, v1;
	v0 =	vadd.f32 v20, v16;
	v5 =	vld.idx.msk [tilespmem:v38+s2+$0x0], $0xffff  }
0x151: {  	v17 =	vadd.f32 v60, v9;
	v16 =	vadd.f32 v61, v22;
	v9 =	vld.idx.msk [tilespmem:v29+s2+$0x0], $0xffff  }
0x152: {  	s25 =	simm.s32 $0x1BC80;
	s24 =	simm.s32 $0x0;
	v15 =	vadd.f32 v23, v8;
	v14 =	vadd.f32 v63, v62;
	v8 =	vld.idx.msk [tilespmem:v30+s2+$0x0], $0xffff  }
.LBB2_8:
0x153: {  	v18 =	vld [tilespmem:s25+$0x0];
	v17 =	vadd.f32 v21, v17;
	v16 =	vadd.f32 v19, v16  }
0x154: {  	v19 =	vld [tilespmem:s25+$0x10];
	v15 =	vadd.f32 v13, v15;
	v14 =	vadd.f32 v12, v14  }
0x155: {  	v3 =	vadd.f32 v11, v3;
	v2 =	vadd.f32 v10, v2;
	v12 =	vld [tilespmem:s25+$0x20]  }
0x156: {  	v1 =	vadd.f32 v6, v1;
	v0 =	vadd.f32 v5, v0;
	v10 =	vld [tilespmem:s25+$0x30]  }
0x157: {  	v3 =	vadd.f32 v7, v3;
	v2 =	vadd.f32 v4, v2;
	v5 =	vld [tilespmem:s25+$0x40]  }
0x158: {  	v1 =	vadd.f32 v9, v1;
	v0 =	vadd.f32 v8, v0;
	v4 =	vld [tilespmem:s25+$0x50]  }
0x159: {  	v8 =	vld [tilespmem:s25+$0x60]  }
0x15a: {  	v20 =	vld [tilespmem:s25+$0x70]  }
0x15b: {  	v6 =	vld [tilespmem:s25+$0xFFFFFF80]  }
0x15c: {  	v9 =	vld [tilespmem:s25+$0xFFFFFF90]  }
0x15d: {  	v11 =	vld [tilespmem:s25+$0xFFFFFFA0]  }
0x15e: {  	v22 =	vld [tilespmem:s25+$0xFFFFFFB0]  }
0x15f: {  	v23 =	vld [tilespmem:s25+$0xFFFFFFC0]  }
0x160: {  	v24 =	vld [tilespmem:s25+$0xFFFFFFD0]  }
0x161: {  	v25 =	vld [tilespmem:s25+$0xFFFFFFE0]  }
0x162: {  	v26 =	vld [tilespmem:s25+$0xFFFFFFF0]  }
0x163: {  	v21 =	vld.idx.msk [tilespmem:v18+s2+$0x0], $0xffff  }
0x164: {  	v19 =	vld.idx.msk [tilespmem:v19+s2+$0x0], $0xffff  }
0x165: {  	v13 =	vld.idx.msk [tilespmem:v12+s2+$0x0], $0xffff  }
0x166: {  	v12 =	vld.idx.msk [tilespmem:v10+s2+$0x0], $0xffff  }
0x167: {  	v7 =	vld.idx.msk [tilespmem:v5+s2+$0x0], $0xffff  }
0x168: {  	s24 =	sadd.s32 $0x2, s24;
	v4 =	vld.idx.msk [tilespmem:v4+s2+$0x0], $0xffff  }
0x169: {  	p0 =	slt.u32 s24, $0x66;
	v18 =	vld.idx.msk [tilespmem:v6+s2+$0x0], $0xffff  }
0x16a: {  	v9 =	vld.idx.msk [tilespmem:v9+s2+$0x0], $0xffff  }
0x16b: {  	v27 =	vld.idx.msk [tilespmem:v11+s2+$0x0], $0xffff  }
0x16c: {  	v22 =	vld.idx.msk [tilespmem:v22+s2+$0x0], $0xffff  }
0x16d: {  	v11 =	vld.idx.msk [tilespmem:v23+s2+$0x0], $0xffff  }
.Ltmp3:
0x16e: {  	v10 =	vld.idx.msk [tilespmem:v24+s2+$0x0], $0xffff;
	(pc) =	sbr.rel @p0 .LBB2_8-.Ltmp3, $4  }
0x16f: {  	v6 =	vld.idx.msk [tilespmem:v25+s2+$0x0], $0xffff  }
0x170: {  	v5 =	vld.idx.msk [tilespmem:v26+s2+$0x0], $0xffff  }
0x171: {  	v17 =	vadd.f32 v18, v17;
	v16 =	vadd.f32 v9, v16;
	v9 =	vld.idx.msk [tilespmem:v8+s2+$0x0], $0xffff  }
0x172: {  	s25 =	sadd.s32 $0x100, s25;
	v15 =	vadd.f32 v27, v15;
	v14 =	vadd.f32 v22, v14;
	v8 =	vld.idx.msk [tilespmem:v20+s2+$0x0], $0xffff  }
0x173: {  	v17 =	vadd.f32 v21, v17;
	_ =	sdelay $0x1  }
0x174: {  	v17 =	vsub.f32 $0.0e+00, v17;
	_ =	sdelay $0x1  }
0x175: {  	v17 =	vmul.f32 $1.442695020e+00, v17;
	_ =	sdelay $0x1  }
0x176: {  	(erf) = vpow2.f32 v17;
	_ =	sdelay $0x6  }
0x177: {  	v16 =	vadd.f32 v19, v16;
	_ =	sdelay $0x1  }
0x178: {  	v16 =	vsub.f32 $0.0e+00, v16;
	v17 =	vpop (erf)  }
0x179: {  	v17 =	vadd.f32 $1.000000000e+00, v17  }
0x17a: {  	v16 =	vmul.f32 $1.442695020e+00, v16  }
0x17b: {  	(erf) = vrcp.f32 v17  }
0x17c: {  	(erf) = vpow2.f32 v16;
	_ =	sdelay $0x6  }
0x17d: {  	v13 =	vadd.f32 v13, v15  }
0x17e: {  	v15 =	vpop (erf)  }
0x17f: {  	v13 =	vsub.f32 $0.0e+00, v13;
	v16 =	vpop (erf)  }
0x180: {  	v16 =	vadd.f32 $1.000000000e+00, v16  }
0x181: {  	v13 =	vmul.f32 $1.442695020e+00, v13  }
0x182: {  	(erf) = vrcp.f32 v16  }
0x183: {  	(erf) = vpow2.f32 v13;
	_ =	sdelay $0x6  }
0x184: {  	v12 =	vadd.f32 v12, v14  }
0x185: {  	v13 =	vpop (erf)  }
0x186: {  	v12 =	vsub.f32 $0.0e+00, v12;
	v14 =	vpop (erf)  }
0x187: {  	v14 =	vadd.f32 $1.000000000e+00, v14  }
0x188: {  	v12 =	vmul.f32 $1.442695020e+00, v12  }
0x189: {  	(erf) = vrcp.f32 v14  }
0x18a: {  	(erf) = vpow2.f32 v12;
	_ =	sdelay $0x4  }
0x18b: {  	v3 =	vadd.f32 v11, v3;
	_ =	sdelay $0x1  }
0x18c: {  	v3 =	vadd.f32 v7, v3  }
0x18d: {  	v7 =	vpop (erf)  }
0x18e: {  	v3 =	vsub.f32 $0.0e+00, v3;
	v11 =	vpop (erf)  }
0x18f: {  	v11 =	vadd.f32 $1.000000000e+00, v11  }
0x190: {  	v3 =	vmul.f32 $1.442695020e+00, v3  }
0x191: {  	(erf) = vrcp.f32 v11  }
0x192: {  	(erf) = vpow2.f32 v3;
	_ =	sdelay $0x4  }
0x193: {  	v2 =	vadd.f32 v10, v2;
	_ =	sdelay $0x1  }
0x194: {  	v2 =	vadd.f32 v4, v2  }
0x195: {  	v3 =	vpop (erf)  }
0x196: {  	v2 =	vsub.f32 $0.0e+00, v2;
	v4 =	vpop (erf)  }
0x197: {  	v4 =	vadd.f32 $1.000000000e+00, v4  }
0x198: {  	v2 =	vmul.f32 $1.442695020e+00, v2  }
0x199: {  	(erf) = vrcp.f32 v4  }
0x19a: {  	(erf) = vpow2.f32 v2;
	_ =	sdelay $0x4  }
0x19b: {  	v1 =	vadd.f32 v6, v1;
	_ =	sdelay $0x1  }
0x19c: {  	v1 =	vadd.f32 v9, v1  }
0x19d: {  	v2 =	vpop (erf)  }
0x19e: {  	v1 =	vsub.f32 $0.0e+00, v1;
	v4 =	vpop (erf)  }
0x19f: {  	v4 =	vadd.f32 $1.000000000e+00, v4  }
0x1a0: {  	v1 =	vmul.f32 $1.442695020e+00, v1  }
0x1a1: {  	(erf) = vrcp.f32 v4  }
0x1a2: {  	(erf) = vpow2.f32 v1;
	_ =	sdelay $0x4  }
0x1a3: {  	v0 =	vadd.f32 v5, v0;
	_ =	sdelay $0x1  }
0x1a4: {  	v0 =	vadd.f32 v8, v0  }
0x1a5: {  	v1 =	vpop (erf)  }
0x1a6: {  	v0 =	vsub.f32 $0.0e+00, v0;
	v4 =	vpop (erf)  }
0x1a7: {  	v4 =	vadd.f32 $1.000000000e+00, v4  }
0x1a8: {  	v0 =	vmul.f32 $1.442695020e+00, v0  }
0x1a9: {  	(erf) = vrcp.f32 v4  }
0x1aa: {  	(erf) = vpow2.f32 v0;
	_ =	sdelay $0x7  }
0x1ab: {  	v0 =	vpop (erf)  }
0x1ac: {  	v4 =	vpop (erf)  }
0x1ad: {  	v4 =	vadd.f32 $1.000000000e+00, v4;
	_ =	sdelay $0x1  }
0x1ae: {  	v5 =	vmul.f32 $1.000000000e+04, v13;
	(erf) = vrcp.f32 v4;
	_ =	sdelay $0x1  }
0x1af: {  	v5 =	vadd.f32 $1.258291200e+07, v5  }
0x1b0: {  	v3 =	vmul.f32 $1.000000000e+04, v3  }
0x1b1: {  	v5 =	vadd.f32 $-1.258291200e+07, v5  }
0x1b2: {  	v3 =	vadd.f32 $1.258291200e+07, v3;
	v2 =	vmul.f32 $1.000000000e+04, v2  }
0x1b3: {  	v5 =	vmul.f32 $9.999999740e-05, v5;
	v1 =	vmul.f32 $1.000000000e+04, v1  }
0x1b4: {  	v3 =	vadd.f32 $-1.258291200e+07, v3;
	v2 =	vadd.f32 $1.258291200e+07, v2;
	v4 =	vmul.f32 $1.000000000e+04, v15  }
0x1b5: {  	v6 =	vmul.f32 $1.000000000e+04, v7;
	v1 =	vadd.f32 $1.258291200e+07, v1;
	v0 =	vmul.f32 $1.000000000e+04, v0  }
0x1b6: {  	v3 =	vmul.f32 $9.999999740e-05, v3;
	v2 =	vadd.f32 $-1.258291200e+07, v2;
	v4 =	vadd.f32 $1.258291200e+07, v4;
	v7 =	vpop (erf)  }
0x1b7: {  	[tilespmem:s17], [sflag:$0x3] =	stream.strided.gather [hbm4b:s9+s14], $0x3400, s15, s14, $0x38;
	v1 =	vadd.f32 $-1.258291200e+07, v1;
	v0 =	vadd.f32 $1.258291200e+07, v0;
	v7 =	vmul.f32 $1.000000000e+04, v7;
	[tilespmem:$0x1F100] =	vst v63  }
0x1b8: {  	[tilespmem:$0x1EF90] =	vst v5;
	v6 =	vadd.f32 $1.258291200e+07, v6;
	v2 =	vmul.f32 $9.999999740e-05, v2;
	v4 =	vadd.f32 $-1.258291200e+07, v4  }
0x1b9: {  	[tilespmem:$0x1EFB0] =	vst v3;
	v1 =	vmul.f32 $9.999999740e-05, v1;
	v0 =	vadd.f32 $-1.258291200e+07, v0;
	v5 =	vadd.f32 $1.258291200e+07, v7  }
0x1ba: {  	v6 =	vadd.f32 $-1.258291200e+07, v6;
	[tilespmem:$0x1EFC0] =	vst v2;
	v4 =	vmul.f32 $9.999999740e-05, v4  }
0x1bb: {  	[tilespmem:$0x1EFD0] =	vst v1;
	v0 =	vmul.f32 $9.999999740e-05, v0;
	v3 =	vadd.f32 $-1.258291200e+07, v5  }
0x1bc: {  	[tilespmem:$0x1EF80] =	vst v4;
	v4 =	vmul.f32 $9.999999740e-05, v6  }
0x1bd: {  	[tilespmem:$0x1EFE0] =	vst v0;
	v1 =	vmul.f32 $9.999999740e-05, v3  }
0x1be: {  	[tilespmem:$0x1EFA0] =	vst v4  }
0x1bf: {  	[tilespmem:$0x1EFF0] =	vst v1  }
0x1c0: {  	_ =	swait.ge [sflag:s19], $0x3000  }
0x1c1: {  	[sflag:s19] =	ssyncset.done $0x0  }
0x1c2: {  	s24 =	simm.s32 $0x18780;
	[sflag:s19] =	ssyncadd.s32 $0xFFFFD000  }
0x1c3: {  	v0 =	vld [tilespmem:s24+$0x0]  }
0x1c4: {  	v1 =	vld [tilespmem:s24+$0x10]  }
0x1c5: {  	v2 =	vld [tilespmem:s24+$0x20]  }
0x1c6: {  	v3 =	vld [tilespmem:s24+$0x30]  }
0x1c7: {  	v4 =	vld [tilespmem:s24+$0x40]  }
0x1c8: {  	v6 =	vld [tilespmem:s24+$0x50]  }
0x1c9: {  	v7 =	vld [tilespmem:s24+$0x60]  }
0x1ca: {  	v12 =	vld [tilespmem:s24+$0x70]  }
0x1cb: {  	v13 =	vld [tilespmem:s24+$0xFFFFFF80]  }
0x1cc: {  	v14 =	vld [tilespmem:s24+$0xFFFFFF90]  }
0x1cd: {  	v15 =	vld [tilespmem:s24+$0xFFFFFFA0]  }
0x1ce: {  	v16 =	vld [tilespmem:s24+$0xFFFFFFB0]  }
0x1cf: {  	v17 =	vld [tilespmem:s24+$0xFFFFFFC0]  }
0x1d0: {  	v18 =	vld [tilespmem:s24+$0xFFFFFFD0]  }
0x1d1: {  	v19 =	vld [tilespmem:s24+$0xFFFFFFE0]  }
0x1d2: {  	v20 =	vld [tilespmem:s24+$0xFFFFFFF0]  }
0x1d3: {  	v9 =	vld.idx.msk [tilespmem:v0+s2+$0x0], $0xffff  }
0x1d4: {  	v11 =	vld.idx.msk [tilespmem:v1+s2+$0x0], $0xffff  }
0x1d5: {  	v8 =	vld.idx.msk [tilespmem:v2+s2+$0x0], $0xffff  }
0x1d6: {  	v10 =	vld.idx.msk [tilespmem:v3+s2+$0x0], $0xffff  }
0x1d7: {  	v5 =	vld.idx.msk [tilespmem:v4+s2+$0x0], $0xffff  }
0x1d8: {  	v6 =	vld.idx.msk [tilespmem:v6+s2+$0x0], $0xffff  }
0x1d9: {  	v1 =	vld.idx.msk [tilespmem:v13+s2+$0x0], $0xffff  }
0x1da: {  	v2 =	vld.idx.msk [tilespmem:v14+s2+$0x0], $0xffff  }
0x1db: {  	v3 =	vld.idx.msk [tilespmem:v15+s2+$0x0], $0xffff  }
0x1dc: {  	v4 =	vld.idx.msk [tilespmem:v16+s2+$0x0], $0xffff  }
0x1dd: {  	v15 =	vld.idx.msk [tilespmem:v17+s2+$0x0], $0xffff  }
0x1de: {  	v17 =	vld.idx.msk [tilespmem:v18+s2+$0x0], $0xffff  }
0x1df: {  	v0 =	vimm.f32 $0.0e+00;
	v16 =	vld.idx.msk [tilespmem:v19+s2+$0x0], $0xffff  }
0x1e0: {  	v18 =	vld.idx.msk [tilespmem:v20+s2+$0x0], $0xffff;
	v22 =	vadd.f32 v1, v0;
	v23 =	vadd.f32 v2, v0  }
0x1e1: {  	v14 =	vld.idx.msk [tilespmem:v7+s2+$0x0], $0xffff;
	v24 =	vadd.f32 v3, v0;
	v25 =	vadd.f32 v4, v0  }
0x1e2: {  	s25 =	simm.s32 $0x18880;
	s24 =	simm.s32 $0x0;
	v20 =	vld.idx.msk [tilespmem:v12+s2+$0x0], $0xffff;
	v3 =	vimm.f32 $0.0e+00;
	v1 =	vimm.f32 $0.0e+00;
	v2 =	vimm.f32 $0.0e+00  }
.LBB2_10:
0x1e3: {  	v4 =	vld [tilespmem:s25+$0x0];
	v7 =	vadd.f32 v9, v22;
	v12 =	vadd.f32 v11, v23  }
0x1e4: {  	v11 =	vld [tilespmem:s25+$0x10];
	v13 =	vadd.f32 v8, v24;
	v19 =	vadd.f32 v10, v25  }
0x1e5: {  	v0 =	vadd.f32 v15, v0;
	v3 =	vadd.f32 v17, v3;
	v8 =	vld [tilespmem:s25+$0x20]  }
0x1e6: {  	v1 =	vadd.f32 v16, v1;
	v2 =	vadd.f32 v18, v2;
	v10 =	vld [tilespmem:s25+$0x30]  }
0x1e7: {  	v0 =	vadd.f32 v5, v0;
	v3 =	vadd.f32 v6, v3;
	v15 =	vld [tilespmem:s25+$0x40]  }
0x1e8: {  	v1 =	vadd.f32 v14, v1;
	v2 =	vadd.f32 v20, v2;
	v6 =	vld [tilespmem:s25+$0x50]  }
0x1e9: {  	v14 =	vld [tilespmem:s25+$0x60]  }
0x1ea: {  	v20 =	vld [tilespmem:s25+$0x70]  }
0x1eb: {  	v16 =	vld [tilespmem:s25+$0xFFFFFF80]  }
0x1ec: {  	v17 =	vld [tilespmem:s25+$0xFFFFFF90]  }
0x1ed: {  	v18 =	vld [tilespmem:s25+$0xFFFFFFA0]  }
0x1ee: {  	v21 =	vld [tilespmem:s25+$0xFFFFFFB0]  }
0x1ef: {  	v22 =	vld [tilespmem:s25+$0xFFFFFFC0]  }
0x1f0: {  	v23 =	vld [tilespmem:s25+$0xFFFFFFD0]  }
0x1f1: {  	v24 =	vld [tilespmem:s25+$0xFFFFFFE0]  }
0x1f2: {  	v25 =	vld [tilespmem:s25+$0xFFFFFFF0]  }
0x1f3: {  	v9 =	vld.idx.msk [tilespmem:v4+s2+$0x0], $0xffff  }
0x1f4: {  	v11 =	vld.idx.msk [tilespmem:v11+s2+$0x0], $0xffff  }
0x1f5: {  	v8 =	vld.idx.msk [tilespmem:v8+s2+$0x0], $0xffff  }
0x1f6: {  	v10 =	vld.idx.msk [tilespmem:v10+s2+$0x0], $0xffff  }
0x1f7: {  	v5 =	vld.idx.msk [tilespmem:v15+s2+$0x0], $0xffff  }
0x1f8: {  	s24 =	sadd.s32 $0x2, s24;
	v6 =	vld.idx.msk [tilespmem:v6+s2+$0x0], $0xffff  }
0x1f9: {  	p0 =	slt.u32 s24, $0x5E;
	v4 =	vld.idx.msk [tilespmem:v16+s2+$0x0], $0xffff  }
0x1fa: {  	v26 =	vld.idx.msk [tilespmem:v17+s2+$0x0], $0xffff  }
0x1fb: {  	v27 =	vld.idx.msk [tilespmem:v18+s2+$0x0], $0xffff  }
0x1fc: {  	v21 =	vld.idx.msk [tilespmem:v21+s2+$0x0], $0xffff  }
0x1fd: {  	v15 =	vld.idx.msk [tilespmem:v22+s2+$0x0], $0xffff  }
.Ltmp4:
0x1fe: {  	v17 =	vld.idx.msk [tilespmem:v23+s2+$0x0], $0xffff;
	(pc) =	sbr.rel @p0 .LBB2_10-.Ltmp4, $4  }
0x1ff: {  	v16 =	vld.idx.msk [tilespmem:v24+s2+$0x0], $0xffff  }
0x200: {  	v18 =	vld.idx.msk [tilespmem:v25+s2+$0x0], $0xffff  }
0x201: {  	v22 =	vadd.f32 v4, v7;
	v23 =	vadd.f32 v26, v12;
	v14 =	vld.idx.msk [tilespmem:v14+s2+$0x0], $0xffff  }
0x202: {  	s25 =	sadd.s32 $0x100, s25;
	v24 =	vadd.f32 v27, v13;
	v25 =	vadd.f32 v21, v19;
	v20 =	vld.idx.msk [tilespmem:v20+s2+$0x0], $0xffff  }
0x203: {  	[tilespmem:s16], [sflag:$0x2] =	stream.strided.gather [hbm4b:s10+s14], $0x3000, s15, s14, $0x38;
	[tilespmem:$0x1F100] =	vst v63  }
0x204: {  	_ =	swait.ge [sflag:s20], $0x3400  }
0x205: {  	[sflag:s20] =	ssyncset.done $0x0  }
0x206: {  	s24 =	simm.s32 $0x1BB80;
	[sflag:s20] =	ssyncadd.s32 $0xFFFFCC00  }
0x207: {  	v4 =	vld [tilespmem:s24+$0x0]  }
0x208: {  	v7 =	vld [tilespmem:s24+$0x10]  }
0x209: {  	v12 =	vld [tilespmem:s24+$0x20]  }
0x20a: {  	v26 =	vld [tilespmem:s24+$0x30]  }
0x20b: {  	v27 =	vld [tilespmem:s24+$0x40]  }
0x20c: {  	v28 =	vld [tilespmem:s24+$0x50]  }
0x20d: {  	v29 =	vld [tilespmem:s24+$0x60]  }
0x20e: {  	v30 =	vld [tilespmem:s24+$0x70]  }
0x20f: {  	v31 =	vld [tilespmem:s24+$0xFFFFFF80]  }
0x210: {  	v32 =	vld [tilespmem:s24+$0xFFFFFF90]  }
0x211: {  	v33 =	vld [tilespmem:s24+$0xFFFFFFA0]  }
0x212: {  	v34 =	vld [tilespmem:s24+$0xFFFFFFB0]  }
0x213: {  	v35 =	vld [tilespmem:s24+$0xFFFFFFC0]  }
0x214: {  	v36 =	vld [tilespmem:s24+$0xFFFFFFD0]  }
0x215: {  	v37 =	vld [tilespmem:s24+$0xFFFFFFE0]  }
0x216: {  	v38 =	vld [tilespmem:s24+$0xFFFFFFF0]  }
0x217: {  	v21 =	vld.idx.msk [tilespmem:v4+s2+$0x0], $0xffff  }
0x218: {  	v19 =	vld.idx.msk [tilespmem:v7+s2+$0x0], $0xffff  }
0x219: {  	v13 =	vld.idx.msk [tilespmem:v12+s2+$0x0], $0xffff  }
0x21a: {  	v12 =	vld.idx.msk [tilespmem:v26+s2+$0x0], $0xffff  }
0x21b: {  	v7 =	vld.idx.msk [tilespmem:v27+s2+$0x0], $0xffff  }
0x21c: {  	v4 =	vld.idx.msk [tilespmem:v28+s2+$0x0], $0xffff  }
0x21d: {  	v60 =	vld.idx.msk [tilespmem:v31+s2+$0x0], $0xffff  }
0x21e: {  	v61 =	vld.idx.msk [tilespmem:v32+s2+$0x0], $0xffff  }
0x21f: {  	v9 =	vadd.f32 v9, v22;
	v22 =	vadd.f32 v11, v23;
	v23 =	vld.idx.msk [tilespmem:v33+s2+$0x0], $0xffff  }
0x220: {  	v0 =	vadd.f32 v15, v0;
	v15 =	vadd.f32 v17, v3;
	v63 =	vld.idx.msk [tilespmem:v34+s2+$0x0], $0xffff  }
0x221: {  	v8 =	vadd.f32 v8, v24;
	v62 =	vadd.f32 v10, v25;
	v11 =	vld.idx.msk [tilespmem:v35+s2+$0x0], $0xffff  }
0x222: {  	v1 =	vadd.f32 v16, v1;
	v16 =	vadd.f32 v18, v2;
	v10 =	vld.idx.msk [tilespmem:v36+s2+$0x0], $0xffff  }
0x223: {  	v3 =	vadd.f32 v5, v0;
	v2 =	vadd.f32 v6, v15;
	v6 =	vld.idx.msk [tilespmem:v37+s2+$0x0], $0xffff  }
0x224: {  	v1 =	vadd.f32 v14, v1;
	v0 =	vadd.f32 v20, v16;
	v5 =	vld.idx.msk [tilespmem:v38+s2+$0x0], $0xffff  }
0x225: {  	v17 =	vadd.f32 v60, v9;
	v16 =	vadd.f32 v61, v22;
	v9 =	vld.idx.msk [tilespmem:v29+s2+$0x0], $0xffff  }
0x226: {  	s25 =	simm.s32 $0x1BC80;
	s24 =	simm.s32 $0x0;
	v15 =	vadd.f32 v23, v8;
	v14 =	vadd.f32 v63, v62;
	v8 =	vld.idx.msk [tilespmem:v30+s2+$0x0], $0xffff  }
.LBB2_12:
0x227: {  	v18 =	vld [tilespmem:s25+$0x0];
	v17 =	vadd.f32 v21, v17;
	v16 =	vadd.f32 v19, v16  }
0x228: {  	v19 =	vld [tilespmem:s25+$0x10];
	v15 =	vadd.f32 v13, v15;
	v14 =	vadd.f32 v12, v14  }
0x229: {  	v3 =	vadd.f32 v11, v3;
	v2 =	vadd.f32 v10, v2;
	v12 =	vld [tilespmem:s25+$0x20]  }
0x22a: {  	v1 =	vadd.f32 v6, v1;
	v0 =	vadd.f32 v5, v0;
	v10 =	vld [tilespmem:s25+$0x30]  }
0x22b: {  	v3 =	vadd.f32 v7, v3;
	v2 =	vadd.f32 v4, v2;
	v5 =	vld [tilespmem:s25+$0x40]  }
0x22c: {  	v1 =	vadd.f32 v9, v1;
	v0 =	vadd.f32 v8, v0;
	v4 =	vld [tilespmem:s25+$0x50]  }
0x22d: {  	v8 =	vld [tilespmem:s25+$0x60]  }
0x22e: {  	v20 =	vld [tilespmem:s25+$0x70]  }
0x22f: {  	v6 =	vld [tilespmem:s25+$0xFFFFFF80]  }
0x230: {  	v9 =	vld [tilespmem:s25+$0xFFFFFF90]  }
0x231: {  	v11 =	vld [tilespmem:s25+$0xFFFFFFA0]  }
0x232: {  	v22 =	vld [tilespmem:s25+$0xFFFFFFB0]  }
0x233: {  	v23 =	vld [tilespmem:s25+$0xFFFFFFC0]  }
0x234: {  	v24 =	vld [tilespmem:s25+$0xFFFFFFD0]  }
0x235: {  	v25 =	vld [tilespmem:s25+$0xFFFFFFE0]  }
0x236: {  	v26 =	vld [tilespmem:s25+$0xFFFFFFF0]  }
0x237: {  	v21 =	vld.idx.msk [tilespmem:v18+s2+$0x0], $0xffff  }
0x238: {  	v19 =	vld.idx.msk [tilespmem:v19+s2+$0x0], $0xffff  }
0x239: {  	v13 =	vld.idx.msk [tilespmem:v12+s2+$0x0], $0xffff  }
0x23a: {  	v12 =	vld.idx.msk [tilespmem:v10+s2+$0x0], $0xffff  }
0x23b: {  	v7 =	vld.idx.msk [tilespmem:v5+s2+$0x0], $0xffff  }
0x23c: {  	s24 =	sadd.s32 $0x2, s24;
	v4 =	vld.idx.msk [tilespmem:v4+s2+$0x0], $0xffff  }
0x23d: {  	p0 =	slt.u32 s24, $0x66;
	v18 =	vld.idx.msk [tilespmem:v6+s2+$0x0], $0xffff  }
0x23e: {  	v9 =	vld.idx.msk [tilespmem:v9+s2+$0x0], $0xffff  }
0x23f: {  	v27 =	vld.idx.msk [tilespmem:v11+s2+$0x0], $0xffff  }
0x240: {  	v22 =	vld.idx.msk [tilespmem:v22+s2+$0x0], $0xffff  }
0x241: {  	v11 =	vld.idx.msk [tilespmem:v23+s2+$0x0], $0xffff  }
.Ltmp5:
0x242: {  	v10 =	vld.idx.msk [tilespmem:v24+s2+$0x0], $0xffff;
	(pc) =	sbr.rel @p0 .LBB2_12-.Ltmp5, $4  }
0x243: {  	v6 =	vld.idx.msk [tilespmem:v25+s2+$0x0], $0xffff  }
0x244: {  	v5 =	vld.idx.msk [tilespmem:v26+s2+$0x0], $0xffff  }
0x245: {  	v17 =	vadd.f32 v18, v17;
	v16 =	vadd.f32 v9, v16;
	v9 =	vld.idx.msk [tilespmem:v8+s2+$0x0], $0xffff  }
0x246: {  	s25 =	sadd.s32 $0x100, s25;
	v15 =	vadd.f32 v27, v15;
	v14 =	vadd.f32 v22, v14;
	v8 =	vld.idx.msk [tilespmem:v20+s2+$0x0], $0xffff  }
0x247: {  	v17 =	vadd.f32 v21, v17;
	_ =	sdelay $0x1  }
0x248: {  	v17 =	vsub.f32 $0.0e+00, v17;
	_ =	sdelay $0x1  }
0x249: {  	v17 =	vmul.f32 $1.442695020e+00, v17;
	_ =	sdelay $0x1  }
0x24a: {  	(erf) = vpow2.f32 v17;
	_ =	sdelay $0x6  }
0x24b: {  	v16 =	vadd.f32 v19, v16;
	_ =	sdelay $0x1  }
0x24c: {  	v16 =	vsub.f32 $0.0e+00, v16;
	v17 =	vpop (erf)  }
0x24d: {  	v17 =	vadd.f32 $1.000000000e+00, v17  }
0x24e: {  	v16 =	vmul.f32 $1.442695020e+00, v16  }
0x24f: {  	(erf) = vrcp.f32 v17  }
0x250: {  	(erf) = vpow2.f32 v16;
	_ =	sdelay $0x6  }
0x251: {  	v13 =	vadd.f32 v13, v15  }
0x252: {  	v15 =	vpop (erf)  }
0x253: {  	v13 =	vsub.f32 $0.0e+00, v13;
	v16 =	vpop (erf)  }
0x254: {  	v16 =	vadd.f32 $1.000000000e+00, v16  }
0x255: {  	v13 =	vmul.f32 $1.442695020e+00, v13  }
0x256: {  	(erf) = vrcp.f32 v16  }
0x257: {  	(erf) = vpow2.f32 v13;
	_ =	sdelay $0x6  }
0x258: {  	v12 =	vadd.f32 v12, v14  }
0x259: {  	v13 =	vpop (erf)  }
0x25a: {  	v12 =	vsub.f32 $0.0e+00, v12;
	v14 =	vpop (erf)  }
0x25b: {  	v14 =	vadd.f32 $1.000000000e+00, v14  }
0x25c: {  	v12 =	vmul.f32 $1.442695020e+00, v12  }
0x25d: {  	(erf) = vrcp.f32 v14  }
0x25e: {  	(erf) = vpow2.f32 v12;
	_ =	sdelay $0x4  }
0x25f: {  	v3 =	vadd.f32 v11, v3;
	_ =	sdelay $0x1  }
0x260: {  	v3 =	vadd.f32 v7, v3  }
0x261: {  	v7 =	vpop (erf)  }
0x262: {  	v3 =	vsub.f32 $0.0e+00, v3;
	v11 =	vpop (erf)  }
0x263: {  	v11 =	vadd.f32 $1.000000000e+00, v11  }
0x264: {  	v3 =	vmul.f32 $1.442695020e+00, v3  }
0x265: {  	(erf) = vrcp.f32 v11  }
0x266: {  	(erf) = vpow2.f32 v3;
	_ =	sdelay $0x4  }
0x267: {  	v2 =	vadd.f32 v10, v2;
	_ =	sdelay $0x1  }
0x268: {  	v2 =	vadd.f32 v4, v2  }
0x269: {  	v3 =	vpop (erf)  }
0x26a: {  	v2 =	vsub.f32 $0.0e+00, v2;
	v4 =	vpop (erf)  }
0x26b: {  	v4 =	vadd.f32 $1.000000000e+00, v4  }
0x26c: {  	v2 =	vmul.f32 $1.442695020e+00, v2  }
0x26d: {  	(erf) = vrcp.f32 v4  }
0x26e: {  	(erf) = vpow2.f32 v2;
	_ =	sdelay $0x4  }
0x26f: {  	v1 =	vadd.f32 v6, v1;
	_ =	sdelay $0x1  }
0x270: {  	v1 =	vadd.f32 v9, v1  }
0x271: {  	v2 =	vpop (erf)  }
0x272: {  	v1 =	vsub.f32 $0.0e+00, v1;
	v4 =	vpop (erf)  }
0x273: {  	v4 =	vadd.f32 $1.000000000e+00, v4  }
0x274: {  	v1 =	vmul.f32 $1.442695020e+00, v1  }
0x275: {  	(erf) = vrcp.f32 v4  }
0x276: {  	(erf) = vpow2.f32 v1;
	_ =	sdelay $0x4  }
0x277: {  	v0 =	vadd.f32 v5, v0;
	_ =	sdelay $0x1  }
0x278: {  	v0 =	vadd.f32 v8, v0  }
0x279: {  	v1 =	vpop (erf)  }
0x27a: {  	v0 =	vsub.f32 $0.0e+00, v0;
	v4 =	vpop (erf)  }
0x27b: {  	v4 =	vadd.f32 $1.000000000e+00, v4  }
0x27c: {  	v0 =	vmul.f32 $1.442695020e+00, v0  }
0x27d: {  	(erf) = vrcp.f32 v4  }
0x27e: {  	(erf) = vpow2.f32 v0;
	_ =	sdelay $0x7  }
0x27f: {  	v0 =	vpop (erf)  }
0x280: {  	v4 =	vpop (erf)  }
0x281: {  	v4 =	vadd.f32 $1.000000000e+00, v4;
	_ =	sdelay $0x1  }
0x282: {  	v5 =	vmul.f32 $1.000000000e+04, v13;
	(erf) = vrcp.f32 v4;
	_ =	sdelay $0x1  }
0x283: {  	v5 =	vadd.f32 $1.258291200e+07, v5  }
0x284: {  	v3 =	vmul.f32 $1.000000000e+04, v3  }
0x285: {  	v5 =	vadd.f32 $-1.258291200e+07, v5  }
0x286: {  	v3 =	vadd.f32 $1.258291200e+07, v3;
	v2 =	vmul.f32 $1.000000000e+04, v2  }
0x287: {  	v5 =	vmul.f32 $9.999999740e-05, v5;
	v1 =	vmul.f32 $1.000000000e+04, v1  }
0x288: {  	v3 =	vadd.f32 $-1.258291200e+07, v3;
	v2 =	vadd.f32 $1.258291200e+07, v2;
	v4 =	vmul.f32 $1.000000000e+04, v15  }
0x289: {  	v6 =	vmul.f32 $1.000000000e+04, v7;
	v1 =	vadd.f32 $1.258291200e+07, v1;
	v0 =	vmul.f32 $1.000000000e+04, v0  }
0x28a: {  	v3 =	vmul.f32 $9.999999740e-05, v3;
	v2 =	vadd.f32 $-1.258291200e+07, v2;
	v4 =	vadd.f32 $1.258291200e+07, v4;
	v7 =	vpop (erf)  }
0x28b: {  	[tilespmem:s17], [sflag:$0x3] =	stream.strided.gather [hbm4b:s11+s14], $0x3400, s15, s14, $0x38;
	v1 =	vadd.f32 $-1.258291200e+07, v1;
	v0 =	vadd.f32 $1.258291200e+07, v0;
	v7 =	vmul.f32 $1.000000000e+04, v7;
	[tilespmem:$0x1F100] =	vst v63  }
0x28c: {  	[tilespmem:$0x1F010] =	vst v5;
	v6 =	vadd.f32 $1.258291200e+07, v6;
	v2 =	vmul.f32 $9.999999740e-05, v2;
	v4 =	vadd.f32 $-1.258291200e+07, v4  }
0x28d: {  	[tilespmem:$0x1F030] =	vst v3;
	v1 =	vmul.f32 $9.999999740e-05, v1;
	v0 =	vadd.f32 $-1.258291200e+07, v0;
	v5 =	vadd.f32 $1.258291200e+07, v7  }
0x28e: {  	v6 =	vadd.f32 $-1.258291200e+07, v6;
	[tilespmem:$0x1F040] =	vst v2;
	v4 =	vmul.f32 $9.999999740e-05, v4  }
0x28f: {  	[tilespmem:$0x1F050] =	vst v1;
	v0 =	vmul.f32 $9.999999740e-05, v0;
	v3 =	vadd.f32 $-1.258291200e+07, v5  }
0x290: {  	[tilespmem:$0x1F000] =	vst v4;
	v4 =	vmul.f32 $9.999999740e-05, v6  }
0x291: {  	[tilespmem:$0x1F060] =	vst v0;
	v1 =	vmul.f32 $9.999999740e-05, v3  }
0x292: {  	[tilespmem:$0x1F020] =	vst v4  }
0x293: {  	[tilespmem:$0x1F070] =	vst v1  }
0x294: {  	_ =	swait.ge [sflag:s19], $0x3000  }
0x295: {  	[sflag:s19] =	ssyncset.done $0x0  }
0x296: {  	s24 =	simm.s32 $0x18780;
	[sflag:s19] =	ssyncadd.s32 $0xFFFFD000  }
0x297: {  	v0 =	vld [tilespmem:s24+$0x0]  }
0x298: {  	v1 =	vld [tilespmem:s24+$0x10]  }
0x299: {  	v2 =	vld [tilespmem:s24+$0x20]  }
0x29a: {  	v3 =	vld [tilespmem:s24+$0x30]  }
0x29b: {  	v4 =	vld [tilespmem:s24+$0x40]  }
0x29c: {  	v6 =	vld [tilespmem:s24+$0x50]  }
0x29d: {  	v7 =	vld [tilespmem:s24+$0x60]  }
0x29e: {  	v12 =	vld [tilespmem:s24+$0x70]  }
0x29f: {  	v13 =	vld [tilespmem:s24+$0xFFFFFF80]  }
0x2a0: {  	v14 =	vld [tilespmem:s24+$0xFFFFFF90]  }
0x2a1: {  	v15 =	vld [tilespmem:s24+$0xFFFFFFA0]  }
0x2a2: {  	v16 =	vld [tilespmem:s24+$0xFFFFFFB0]  }
0x2a3: {  	v17 =	vld [tilespmem:s24+$0xFFFFFFC0]  }
0x2a4: {  	v18 =	vld [tilespmem:s24+$0xFFFFFFD0]  }
0x2a5: {  	v19 =	vld [tilespmem:s24+$0xFFFFFFE0]  }
0x2a6: {  	v20 =	vld [tilespmem:s24+$0xFFFFFFF0]  }
0x2a7: {  	v9 =	vld.idx.msk [tilespmem:v0+s2+$0x0], $0xffff  }
0x2a8: {  	v11 =	vld.idx.msk [tilespmem:v1+s2+$0x0], $0xffff  }
0x2a9: {  	v8 =	vld.idx.msk [tilespmem:v2+s2+$0x0], $0xffff  }
0x2aa: {  	v10 =	vld.idx.msk [tilespmem:v3+s2+$0x0], $0xffff  }
0x2ab: {  	v5 =	vld.idx.msk [tilespmem:v4+s2+$0x0], $0xffff  }
0x2ac: {  	v6 =	vld.idx.msk [tilespmem:v6+s2+$0x0], $0xffff  }
0x2ad: {  	v1 =	vld.idx.msk [tilespmem:v13+s2+$0x0], $0xffff  }
0x2ae: {  	v2 =	vld.idx.msk [tilespmem:v14+s2+$0x0], $0xffff  }
0x2af: {  	v3 =	vld.idx.msk [tilespmem:v15+s2+$0x0], $0xffff  }
0x2b0: {  	v4 =	vld.idx.msk [tilespmem:v16+s2+$0x0], $0xffff  }
0x2b1: {  	v15 =	vld.idx.msk [tilespmem:v17+s2+$0x0], $0xffff  }
0x2b2: {  	v18 =	vld.idx.msk [tilespmem:v18+s2+$0x0], $0xffff  }
0x2b3: {  	v0 =	vimm.f32 $0.0e+00;
	v16 =	vld.idx.msk [tilespmem:v19+s2+$0x0], $0xffff  }
0x2b4: {  	v19 =	vld.idx.msk [tilespmem:v20+s2+$0x0], $0xffff;
	v22 =	vadd.f32 v1, v0;
	v23 =	vadd.f32 v2, v0  }
0x2b5: {  	v14 =	vld.idx.msk [tilespmem:v7+s2+$0x0], $0xffff;
	v24 =	vadd.f32 v3, v0;
	v25 =	vadd.f32 v4, v0  }
0x2b6: {  	s25 =	simm.s32 $0x18880;
	s24 =	simm.s32 $0x0;
	v20 =	vld.idx.msk [tilespmem:v12+s2+$0x0], $0xffff;
	v3 =	vimm.f32 $0.0e+00;
	v1 =	vimm.f32 $0.0e+00;
	v2 =	vimm.f32 $0.0e+00  }
.LBB2_14:
0x2b7: {  	v4 =	vld [tilespmem:s25+$0x0];
	v7 =	vadd.f32 v9, v22;
	v12 =	vadd.f32 v11, v23  }
0x2b8: {  	v11 =	vld [tilespmem:s25+$0x10];
	v13 =	vadd.f32 v8, v24;
	v17 =	vadd.f32 v10, v25  }
0x2b9: {  	v0 =	vadd.f32 v15, v0;
	v3 =	vadd.f32 v18, v3;
	v8 =	vld [tilespmem:s25+$0x20]  }
0x2ba: {  	v1 =	vadd.f32 v16, v1;
	v2 =	vadd.f32 v19, v2;
	v10 =	vld [tilespmem:s25+$0x30]  }
0x2bb: {  	v0 =	vadd.f32 v5, v0;
	v3 =	vadd.f32 v6, v3;
	v15 =	vld [tilespmem:s25+$0x40]  }
0x2bc: {  	v1 =	vadd.f32 v14, v1;
	v2 =	vadd.f32 v20, v2;
	v6 =	vld [tilespmem:s25+$0x50]  }
0x2bd: {  	v14 =	vld [tilespmem:s25+$0x60]  }
0x2be: {  	v20 =	vld [tilespmem:s25+$0x70]  }
0x2bf: {  	v16 =	vld [tilespmem:s25+$0xFFFFFF80]  }
0x2c0: {  	v18 =	vld [tilespmem:s25+$0xFFFFFF90]  }
0x2c1: {  	v19 =	vld [tilespmem:s25+$0xFFFFFFA0]  }
0x2c2: {  	v21 =	vld [tilespmem:s25+$0xFFFFFFB0]  }
0x2c3: {  	v22 =	vld [tilespmem:s25+$0xFFFFFFC0]  }
0x2c4: {  	v23 =	vld [tilespmem:s25+$0xFFFFFFD0]  }
0x2c5: {  	v24 =	vld [tilespmem:s25+$0xFFFFFFE0]  }
0x2c6: {  	v25 =	vld [tilespmem:s25+$0xFFFFFFF0]  }
0x2c7: {  	v9 =	vld.idx.msk [tilespmem:v4+s2+$0x0], $0xffff  }
0x2c8: {  	v11 =	vld.idx.msk [tilespmem:v11+s2+$0x0], $0xffff  }
0x2c9: {  	v8 =	vld.idx.msk [tilespmem:v8+s2+$0x0], $0xffff  }
0x2ca: {  	v10 =	vld.idx.msk [tilespmem:v10+s2+$0x0], $0xffff  }
0x2cb: {  	v5 =	vld.idx.msk [tilespmem:v15+s2+$0x0], $0xffff  }
0x2cc: {  	s24 =	sadd.s32 $0x2, s24;
	v6 =	vld.idx.msk [tilespmem:v6+s2+$0x0], $0xffff  }
0x2cd: {  	p0 =	slt.u32 s24, $0x5E;
	v4 =	vld.idx.msk [tilespmem:v16+s2+$0x0], $0xffff  }
0x2ce: {  	v26 =	vld.idx.msk [tilespmem:v18+s2+$0x0], $0xffff  }
0x2cf: {  	v27 =	vld.idx.msk [tilespmem:v19+s2+$0x0], $0xffff  }
0x2d0: {  	v21 =	vld.idx.msk [tilespmem:v21+s2+$0x0], $0xffff  }
0x2d1: {  	v15 =	vld.idx.msk [tilespmem:v22+s2+$0x0], $0xffff  }
.Ltmp6:
0x2d2: {  	v18 =	vld.idx.msk [tilespmem:v23+s2+$0x0], $0xffff;
	(pc) =	sbr.rel @p0 .LBB2_14-.Ltmp6, $4  }
0x2d3: {  	v16 =	vld.idx.msk [tilespmem:v24+s2+$0x0], $0xffff  }
0x2d4: {  	v19 =	vld.idx.msk [tilespmem:v25+s2+$0x0], $0xffff  }
0x2d5: {  	v22 =	vadd.f32 v4, v7;
	v23 =	vadd.f32 v26, v12;
	v14 =	vld.idx.msk [tilespmem:v14+s2+$0x0], $0xffff  }
0x2d6: {  	s25 =	sadd.s32 $0x100, s25;
	v24 =	vadd.f32 v27, v13;
	v25 =	vadd.f32 v21, v17;
	v20 =	vld.idx.msk [tilespmem:v20+s2+$0x0], $0xffff  }
0x2d7: {  	_ =	swait.ge [sflag:s20], $0x3400  }
0x2d8: {  	[sflag:s20] =	ssyncset.done $0x0  }
0x2d9: {  	s24 =	simm.s32 $0x1BB80;
	[sflag:s20] =	ssyncadd.s32 $0xFFFFCC00  }
0x2da: {  	v4 =	vld [tilespmem:s24+$0x0]  }
0x2db: {  	v7 =	vld [tilespmem:s24+$0x10]  }
0x2dc: {  	v12 =	vld [tilespmem:s24+$0x20]  }
0x2dd: {  	v26 =	vld [tilespmem:s24+$0x30]  }
0x2de: {  	v27 =	vld [tilespmem:s24+$0x40]  }
0x2df: {  	v28 =	vld [tilespmem:s24+$0x50]  }
0x2e0: {  	v29 =	vld [tilespmem:s24+$0x60]  }
0x2e1: {  	v30 =	vld [tilespmem:s24+$0x70]  }
0x2e2: {  	v31 =	vld [tilespmem:s24+$0xFFFFFF80]  }
0x2e3: {  	v32 =	vld [tilespmem:s24+$0xFFFFFF90]  }
0x2e4: {  	v33 =	vld [tilespmem:s24+$0xFFFFFFA0]  }
0x2e5: {  	v34 =	vld [tilespmem:s24+$0xFFFFFFB0]  }
0x2e6: {  	v35 =	vld [tilespmem:s24+$0xFFFFFFC0]  }
0x2e7: {  	v36 =	vld [tilespmem:s24+$0xFFFFFFD0]  }
0x2e8: {  	v37 =	vld [tilespmem:s24+$0xFFFFFFE0]  }
0x2e9: {  	v38 =	vld [tilespmem:s24+$0xFFFFFFF0]  }
0x2ea: {  	v21 =	vld.idx.msk [tilespmem:v4+s2+$0x0], $0xffff  }
0x2eb: {  	v17 =	vld.idx.msk [tilespmem:v7+s2+$0x0], $0xffff  }
0x2ec: {  	v13 =	vld.idx.msk [tilespmem:v12+s2+$0x0], $0xffff  }
0x2ed: {  	v12 =	vld.idx.msk [tilespmem:v26+s2+$0x0], $0xffff  }
0x2ee: {  	v7 =	vld.idx.msk [tilespmem:v27+s2+$0x0], $0xffff  }
0x2ef: {  	v4 =	vld.idx.msk [tilespmem:v28+s2+$0x0], $0xffff  }
0x2f0: {  	v60 =	vld.idx.msk [tilespmem:v31+s2+$0x0], $0xffff  }
0x2f1: {  	v61 =	vld.idx.msk [tilespmem:v32+s2+$0x0], $0xffff  }
0x2f2: {  	v9 =	vadd.f32 v9, v22;
	v22 =	vadd.f32 v11, v23;
	v23 =	vld.idx.msk [tilespmem:v33+s2+$0x0], $0xffff  }
0x2f3: {  	v0 =	vadd.f32 v15, v0;
	v15 =	vadd.f32 v18, v3;
	v63 =	vld.idx.msk [tilespmem:v34+s2+$0x0], $0xffff  }
0x2f4: {  	v8 =	vadd.f32 v8, v24;
	v62 =	vadd.f32 v10, v25;
	v11 =	vld.idx.msk [tilespmem:v35+s2+$0x0], $0xffff  }
0x2f5: {  	v1 =	vadd.f32 v16, v1;
	v16 =	vadd.f32 v19, v2;
	v10 =	vld.idx.msk [tilespmem:v36+s2+$0x0], $0xffff  }
0x2f6: {  	v3 =	vadd.f32 v5, v0;
	v2 =	vadd.f32 v6, v15;
	v6 =	vld.idx.msk [tilespmem:v37+s2+$0x0], $0xffff  }
0x2f7: {  	v1 =	vadd.f32 v14, v1;
	v0 =	vadd.f32 v20, v16;
	v5 =	vld.idx.msk [tilespmem:v38+s2+$0x0], $0xffff  }
0x2f8: {  	v18 =	vadd.f32 v60, v9;
	v16 =	vadd.f32 v61, v22;
	v9 =	vld.idx.msk [tilespmem:v29+s2+$0x0], $0xffff  }
0x2f9: {  	s25 =	simm.s32 $0x1BC80;
	s24 =	simm.s32 $0x0;
	v15 =	vadd.f32 v23, v8;
	v14 =	vadd.f32 v63, v62;
	v8 =	vld.idx.msk [tilespmem:v30+s2+$0x0], $0xffff  }
.LBB2_16:
0x2fa: {  	v19 =	vld [tilespmem:s25+$0x0];
	v18 =	vadd.f32 v21, v18;
	v16 =	vadd.f32 v17, v16  }
0x2fb: {  	v17 =	vld [tilespmem:s25+$0x10];
	v15 =	vadd.f32 v13, v15;
	v14 =	vadd.f32 v12, v14  }
0x2fc: {  	v3 =	vadd.f32 v11, v3;
	v2 =	vadd.f32 v10, v2;
	v12 =	vld [tilespmem:s25+$0x20]  }
0x2fd: {  	v1 =	vadd.f32 v6, v1;
	v0 =	vadd.f32 v5, v0;
	v10 =	vld [tilespmem:s25+$0x30]  }
0x2fe: {  	v3 =	vadd.f32 v7, v3;
	v2 =	vadd.f32 v4, v2;
	v5 =	vld [tilespmem:s25+$0x40]  }
0x2ff: {  	v1 =	vadd.f32 v9, v1;
	v0 =	vadd.f32 v8, v0;
	v4 =	vld [tilespmem:s25+$0x50]  }
0x300: {  	v8 =	vld [tilespmem:s25+$0x60]  }
0x301: {  	v20 =	vld [tilespmem:s25+$0x70]  }
0x302: {  	v6 =	vld [tilespmem:s25+$0xFFFFFF80]  }
0x303: {  	v9 =	vld [tilespmem:s25+$0xFFFFFF90]  }
0x304: {  	v11 =	vld [tilespmem:s25+$0xFFFFFFA0]  }
0x305: {  	v22 =	vld [tilespmem:s25+$0xFFFFFFB0]  }
0x306: {  	v23 =	vld [tilespmem:s25+$0xFFFFFFC0]  }
0x307: {  	v24 =	vld [tilespmem:s25+$0xFFFFFFD0]  }
0x308: {  	v25 =	vld [tilespmem:s25+$0xFFFFFFE0]  }
0x309: {  	v26 =	vld [tilespmem:s25+$0xFFFFFFF0]  }
0x30a: {  	v21 =	vld.idx.msk [tilespmem:v19+s2+$0x0], $0xffff  }
0x30b: {  	v17 =	vld.idx.msk [tilespmem:v17+s2+$0x0], $0xffff  }
0x30c: {  	v13 =	vld.idx.msk [tilespmem:v12+s2+$0x0], $0xffff  }
0x30d: {  	v12 =	vld.idx.msk [tilespmem:v10+s2+$0x0], $0xffff  }
0x30e: {  	v7 =	vld.idx.msk [tilespmem:v5+s2+$0x0], $0xffff  }
0x30f: {  	s24 =	sadd.s32 $0x2, s24;
	v4 =	vld.idx.msk [tilespmem:v4+s2+$0x0], $0xffff  }
0x310: {  	p0 =	slt.u32 s24, $0x66;
	v19 =	vld.idx.msk [tilespmem:v6+s2+$0x0], $0xffff  }
0x311: {  	v9 =	vld.idx.msk [tilespmem:v9+s2+$0x0], $0xffff  }
0x312: {  	v27 =	vld.idx.msk [tilespmem:v11+s2+$0x0], $0xffff  }
0x313: {  	v22 =	vld.idx.msk [tilespmem:v22+s2+$0x0], $0xffff  }
0x314: {  	v11 =	vld.idx.msk [tilespmem:v23+s2+$0x0], $0xffff  }
.Ltmp7:
0x315: {  	v10 =	vld.idx.msk [tilespmem:v24+s2+$0x0], $0xffff;
	(pc) =	sbr.rel @p0 .LBB2_16-.Ltmp7, $4  }
0x316: {  	v6 =	vld.idx.msk [tilespmem:v25+s2+$0x0], $0xffff  }
0x317: {  	v5 =	vld.idx.msk [tilespmem:v26+s2+$0x0], $0xffff  }
0x318: {  	v18 =	vadd.f32 v19, v18;
	v16 =	vadd.f32 v9, v16;
	v9 =	vld.idx.msk [tilespmem:v8+s2+$0x0], $0xffff  }
0x319: {  	s25 =	sadd.s32 $0x100, s25;
	v15 =	vadd.f32 v27, v15;
	v14 =	vadd.f32 v22, v14;
	v8 =	vld.idx.msk [tilespmem:v20+s2+$0x0], $0xffff  }
0x31a: {  	v18 =	vadd.f32 v21, v18;
	_ =	sdelay $0x1  }
0x31b: {  	v18 =	vsub.f32 $0.0e+00, v18;
	_ =	sdelay $0x1  }
0x31c: {  	v18 =	vmul.f32 $1.442695020e+00, v18;
	_ =	sdelay $0x1  }
0x31d: {  	(erf) = vpow2.f32 v18;
	_ =	sdelay $0x6  }
0x31e: {  	v16 =	vadd.f32 v17, v16;
	_ =	sdelay $0x1  }
0x31f: {  	v16 =	vsub.f32 $0.0e+00, v16;
	v42 =	vpop (erf)  }
0x320: {  	v17 =	vadd.f32 $1.000000000e+00, v42  }
0x321: {  	v16 =	vmul.f32 $1.442695020e+00, v16  }
0x322: {  	(erf) = vrcp.f32 v17  }
0x323: {  	(erf) = vpow2.f32 v16;
	_ =	sdelay $0x6  }
0x324: {  	v13 =	vadd.f32 v13, v15  }
0x325: {  	v43 =	vpop (erf)  }
0x326: {  	v13 =	vsub.f32 $0.0e+00, v13;
	v16 =	vpop (erf)  }
0x327: {  	v16 =	vadd.f32 $1.000000000e+00, v16  }
0x328: {  	v13 =	vmul.f32 $1.442695020e+00, v13  }
0x329: {  	(erf) = vrcp.f32 v16  }
0x32a: {  	(erf) = vpow2.f32 v13;
	_ =	sdelay $0x6  }
0x32b: {  	v12 =	vadd.f32 v12, v14  }
0x32c: {  	v44 =	vpop (erf)  }
0x32d: {  	v12 =	vsub.f32 $0.0e+00, v12;
	v45 =	vpop (erf)  }
0x32e: {  	v14 =	vadd.f32 $1.000000000e+00, v45  }
0x32f: {  	v12 =	vmul.f32 $1.442695020e+00, v12  }
0x330: {  	(erf) = vrcp.f32 v14  }
0x331: {  	(erf) = vpow2.f32 v12;
	_ =	sdelay $0x4  }
0x332: {  	v3 =	vadd.f32 v11, v3;
	_ =	sdelay $0x1  }
0x333: {  	v3 =	vadd.f32 v7, v3  }
0x334: {  	v46 =	vpop (erf)  }
0x335: {  	v3 =	vsub.f32 $0.0e+00, v3;
	v47 =	vpop (erf)  }
0x336: {  	v11 =	vadd.f32 $1.000000000e+00, v47  }
0x337: {  	v3 =	vmul.f32 $1.442695020e+00, v3  }
0x338: {  	(erf) = vrcp.f32 v11  }
0x339: {  	(erf) = vpow2.f32 v3;
	_ =	sdelay $0x4  }
0x33a: {  	v2 =	vadd.f32 v10, v2;
	_ =	sdelay $0x1  }
0x33b: {  	v2 =	vadd.f32 v4, v2  }
0x33c: {  	v48 =	vpop (erf)  }
0x33d: {  	v2 =	vsub.f32 $0.0e+00, v2;
	v49 =	vpop (erf)  }
0x33e: {  	v4 =	vadd.f32 $1.000000000e+00, v49  }
0x33f: {  	v2 =	vmul.f32 $1.442695020e+00, v2  }
0x340: {  	(erf) = vrcp.f32 v4  }
0x341: {  	(erf) = vpow2.f32 v2;
	_ =	sdelay $0x4  }
0x342: {  	v1 =	vadd.f32 v6, v1;
	_ =	sdelay $0x1  }
0x343: {  	v1 =	vadd.f32 v9, v1  }
0x344: {  	v50 =	vpop (erf)  }
0x345: {  	v1 =	vsub.f32 $0.0e+00, v1;
	v51 =	vpop (erf)  }
0x346: {  	v4 =	vadd.f32 $1.000000000e+00, v51  }
0x347: {  	v1 =	vmul.f32 $1.442695020e+00, v1  }
0x348: {  	(erf) = vrcp.f32 v4  }
0x349: {  	(erf) = vpow2.f32 v1;
	_ =	sdelay $0x4  }
0x34a: {  	v0 =	vadd.f32 v5, v0;
	_ =	sdelay $0x1  }
0x34b: {  	v0 =	vadd.f32 v8, v0  }
0x34c: {  	v52 =	vpop (erf)  }
0x34d: {  	v0 =	vsub.f32 $0.0e+00, v0;
	v53 =	vpop (erf)  }
0x34e: {  	v4 =	vadd.f32 $1.000000000e+00, v53  }
0x34f: {  	v0 =	vmul.f32 $1.442695020e+00, v0  }
0x350: {  	(erf) = vrcp.f32 v4  }
0x351: {  	(erf) = vpow2.f32 v0;
	_ =	sdelay $0x7  }
0x352: {  	v54 =	vpop (erf)  }
0x353: {  	v55 =	vpop (erf)  }
0x354: {  	v4 =	vadd.f32 $1.000000000e+00, v55;
	_ =	sdelay $0x1  }
0x355: {  	(erf) = vrcp.f32 v4;
	_ =	sdelay $0x1  }
0x356: {  	v57 =	vmul.f32 $1.000000000e+04, v44  }
0x357: {  	v58 =	vmul.f32 $1.000000000e+04, v46  }
0x358: {  	v5 =	vadd.f32 $1.258291200e+07, v57  }
0x359: {  	v6 =	vadd.f32 $1.258291200e+07, v58;
	v3 =	vmul.f32 $1.000000000e+04, v48  }
0x35a: {  	v56 =	vmul.f32 $1.000000000e+04, v43;
	v5 =	vadd.f32 $-1.258291200e+07, v5;
	v2 =	vmul.f32 $1.000000000e+04, v50  }
0x35b: {  	v6 =	vadd.f32 $-1.258291200e+07, v6;
	v3 =	vadd.f32 $1.258291200e+07, v3;
	v1 =	vmul.f32 $1.000000000e+04, v52  }
0x35c: {  	v5 =	vmul.f32 $9.999999740e-05, v5;
	v2 =	vadd.f32 $1.258291200e+07, v2;
	v0 =	vmul.f32 $1.000000000e+04, v54  }
0x35d: {  	v60 =	vmul.f32 $9.999999740e-05, v6;
	v3 =	vadd.f32 $-1.258291200e+07, v3;
	v1 =	vadd.f32 $1.258291200e+07, v1;
	v59 =	vpop (erf)  }
0x35e: {  	v2 =	vadd.f32 $-1.258291200e+07, v2;
	v0 =	vadd.f32 $1.258291200e+07, v0;
	v7 =	vmul.f32 $1.000000000e+04, v59  }
0x35f: {  	[tilespmem:$0x1F090] =	vst v5;
	v3 =	vmul.f32 $9.999999740e-05, v3;
	v1 =	vadd.f32 $-1.258291200e+07, v1;
	v4 =	vadd.f32 $1.258291200e+07, v56  }
0x360: {  	[tilespmem:$0x1F0A0] =	vst v60;
	v2 =	vmul.f32 $9.999999740e-05, v2;
	v0 =	vadd.f32 $-1.258291200e+07, v0;
	v61 =	vadd.f32 $1.258291200e+07, v7  }
0x361: {  	[tilespmem:$0x1F0B0] =	vst v3;
	v1 =	vmul.f32 $9.999999740e-05, v1;
	v4 =	vadd.f32 $-1.258291200e+07, v4  }
0x362: {  	[tilespmem:$0x1F0C0] =	vst v2;
	v0 =	vmul.f32 $9.999999740e-05, v0;
	v62 =	vadd.f32 $-1.258291200e+07, v61  }
0x363: {  	[tilespmem:$0x1F0D0] =	vst v1;
	v4 =	vmul.f32 $9.999999740e-05, v4  }
0x364: {  	s23 =	sadd.s32 $0x1, s23;
	[tilespmem:$0x1F0E0] =	vst v0;
	v63 =	vmul.f32 $9.999999740e-05, v62  }
0x365: {  	p0 =	sne.s32 s23, s13;
	[tilespmem:$0x1F080] =	vst v4  }
.Ltmp8:
0x366: {  	[tilespmem:$0x1F0F0] =	vst v63;
	(pc) =	sbr.rel @p0 .LBB2_1-.Ltmp8, $4  }
0x367: {  	[hbm4b:s12+s2] =	stream.linear.scatter [tilespmem:s21], [sflag:$0x4], $0x200, $0x38;
	[tilespmem:$0x1F100] =	vst v63  }
0x368: {  	_ =	swait.ge [sflag:s22], $0x200  }
0x369: {  	[sflag:s22] =	ssyncset.done $0x0  }
0x36a: {  	[sflag:s22] =	ssyncadd.s32 $0xFFFFFE00  }
0x36b: {  	_ =	sfence.sel $0x180000  }
0x36c: {  	[bflag:$0x0] =	sbarrier.arrive $0xFFFF  }
0x36d: {  	p0 =	sne.s32 s1, $0x0;
	_ =	strace $0x90000047  }
0x36e: {  	s0 =	sadd.s32 @!p0 $0x100000, s0;
	[bflag:$0x2] =	sbarrier.arrive $0xFFFF  }
0x36f: {  	[sflag:s0] =	ssyncadd.tile.s32 @!p0 $0x1;
	_ =	shalt  }
.Lfunc_end2:
_tile_overlayer_lowered:
.L_overlay_start_2:
0x370: {  	(tag) =	ssettag $0x2  }
0x371: {  	s0 =	rddreg [dreg:$0x0];
	s2 =	stileid.u32  }
0x372: {  	s1 =	rddreg [dreg:$0x1];
	p0 =	sne.s32 s2, $0x0  }
0x373: {  	s3 =	rddreg [dreg:$0x2];
	[bflag:$0x3] =	sbarrier.arrive $0xFFFF;
	s2 =	simm.s32 @!p0 $0x1C04  }
0x374: {  	[timem:s3], [sflag:s2] =	dma.local @!p0 [hbm:s0], s1  }
0x375: {  	s0 =	simm.s32 @!p0 $0x4  }
0x376: {  	_ =	swait.ge @!p0 [sflag:s0], s1  }
0x377: {  	s1 =	ssub.s32 @!p0 $0x0, s1;
	[sflag:s0] =	ssyncset.done @!p0 $0x0  }
0x378: {  	[sflag:s0] =	ssyncadd.s32 @!p0 s1  }
0x379: {  	[bflag:$0x3] =	sbarrier.arrive $0xFFFF  }
0x37a: {  	_ =	shalt  }

</sc_bundles>
